<compile_context>
chip_gen: v7x
topology: tpu7x:2x2x1
jax: 0.10.2.dev20260603
libtpu: 0.0.44.dev20260713+nightly
codegen_flags: <defaults>
</compile_context>

<pallas_src>
import functools

import jax
import jax.numpy as jnp
from jax import lax
from jax.experimental import pallas as pl
from jax.experimental.pallas import tpu as pltpu
from jax.experimental.pallas import tpu_sc as plsc

EMBED_DIM = 64
PAIRS_PER_STEP = 128
LANES_PER_STEP = PAIRS_PER_STEP * 256


def _repack_body(t_ref, o_ref):
    for t in range(PAIRS_PER_STEP):
        pair = jnp.concatenate(
            [t_ref[:, (2 * t) * 128:(2 * t + 1) * 128],
             t_ref[:, (2 * t + 1) * 128:(2 * t + 2) * 128]], axis=0)
        o_ref[t * 128:(t + 1) * 128, :] = pair.T


def _repack(tabT, n_steps):
    return pl.pallas_call(
        _repack_body,
        grid=(n_steps,),
        in_specs=[pl.BlockSpec((EMBED_DIM, LANES_PER_STEP), lambda i: (0, i))],
        out_specs=pl.BlockSpec((PAIRS_PER_STEP * 128, 2 * EMBED_DIM),
                               lambda i: (i, 0)),
        out_shape=jax.ShapeDtypeStruct(
            (n_steps * PAIRS_PER_STEP * 128, 2 * EMBED_DIM), jnp.float32),
    )(tabT)


@functools.cache
def _gather_fn(B, Np):
    info = plsc.get_sparse_core_info()
    NC, NS = info.num_cores, info.num_subcores
    NW = NC * NS
    b_per_w = B // NW
    CH = 128
    k = b_per_w // CH
    mesh = plsc.VectorSubcoreMesh(core_axis_name="c", subcore_axis_name="s")

    @functools.partial(
        pl.kernel,
        mesh=mesh,
        compiler_params=pltpu.CompilerParams(
            use_tc_tiling_on_sc=True, needs_layout_passes=False),
        out_type=jax.ShapeDtypeStruct((B, 2 * EMBED_DIM), jnp.float32),
        scratch_types=[
            pltpu.VMEM((k, CH), jnp.int32),
            pltpu.VMEM((CH, 2 * EMBED_DIM), jnp.float32),
            pltpu.VMEM((CH, 2 * EMBED_DIM), jnp.float32),
            pltpu.SemaphoreType.DMA,
            pltpu.SemaphoreType.DMA,
            pltpu.SemaphoreType.DMA,
            pltpu.SemaphoreType.DMA,
        ],
    )
    def gk(idx_hbm, tab, out, idx_v, buf0, buf1, gsem0, gsem1, wsem0, wsem1):
        wid = lax.axis_index("s") * NC + lax.axis_index("c")
        base = wid * b_per_w
        pltpu.sync_copy(idx_hbm.at[pl.ds(wid * k, k)], idx_v)
        bufs = (buf0, buf1)
        gsems = (gsem0, gsem1)
        wsems = (wsem0, wsem1)
        gathers = [None, None]
        writes = [None, None]
        for i in range(k):
            p = i % 2
            if writes[p] is not None:
                writes[p].wait()
            gathers[p] = pltpu.async_copy(
                tab.at[idx_v.at[i]], bufs[p], gsems[p])
            if i >= 1:
                q = (i - 1) % 2
                gathers[q].wait()
                writes[q] = pltpu.async_copy(
                    bufs[q], out.at[pl.ds(base + (i - 1) * CH, CH)], wsems[q])
        last = (k - 1) % 2
        gathers[last].wait()
        writes[last] = pltpu.async_copy(
            bufs[last], out.at[pl.ds(base + (k - 1) * CH, CH)], wsems[last])
        for p in range(2):
            if writes[p] is not None:
                writes[p].wait()

    return gk


def _mlp_body(gu, gp, hu, hp_, w1u, w1p, b1, w2, b2, w3r, b3, o):
    u = gu[:, :EMBED_DIM] * (1.0 - hu[...]) + gu[:, EMBED_DIM:] * hu[...]
    p = gp[:, :EMBED_DIM] * (1.0 - hp_[...]) + gp[:, EMBED_DIM:] * hp_[...]
    h = jnp.dot(u, w1u[...]) + jnp.dot(p, w1p[...]) + b1[...]
    h = jnp.maximum(h, 0.0)
    h = jnp.maximum(jnp.dot(h, w2[...]) + b2[...], 0.0)
    cn11 = (((1,), (1,)), ((), ()))
    o[...] = jax.nn.sigmoid(lax.dot_general(w3r[...], h, cn11) + b3[...])


def _mlp(gu, gp, hu, hp_, W1u, W1p, b1, W2, b2, W3r, b3):
    B = gu.shape[0]
    BB = 2048
    grid = (B // BB,)
    full = lambda shape: pl.BlockSpec(shape, lambda i: (0, 0))
    return pl.pallas_call(
        _mlp_body,
        grid=grid,
        in_specs=[
            pl.BlockSpec((BB, 2 * EMBED_DIM), lambda i: (i, 0)),
            pl.BlockSpec((BB, 2 * EMBED_DIM), lambda i: (i, 0)),
            pl.BlockSpec((BB, 1), lambda i: (i, 0)),
            pl.BlockSpec((BB, 1), lambda i: (i, 0)),
            full((EMBED_DIM, 128)),
            full((EMBED_DIM, 128)),
            full((1, 128)),
            full((128, 64)),
            full((1, 64)),
            full((1, 64)),
            full((1, 1)),
        ],
        out_specs=pl.BlockSpec((1, BB), lambda i: (0, i)),
        out_shape=jax.ShapeDtypeStruct((1, B), jnp.float32),
    )(gu, gp, hu, hp_, W1u, W1p, b1, W2, b2, W3r, b3)


def kernel(user_ids, post_ids, user_table, post_table, W1, b1, W2, b2, W3, b3):
    B = user_ids.shape[0]
    V = user_table.shape[0]
    n_steps = (V + LANES_PER_STEP - 1) // LANES_PER_STEP
    Np = n_steps * PAIRS_PER_STEP * 128
    uids = user_ids.astype(jnp.int32)
    pids = post_ids.astype(jnp.int32)
    ur = ((uids // 256) * 128 + uids % 128).reshape(B // 128, 128)
    pr = ((pids // 256) * 128 + pids % 128).reshape(B // 128, 128)
    uh = ((uids // 128) % 2).astype(jnp.float32).reshape(B, 1)
    ph = ((pids // 128) % 2).astype(jnp.float32).reshape(B, 1)
    gather = _gather_fn(B, Np)
    utab2 = _repack(user_table.T, n_steps)
    gu = gather(ur, utab2)
    ptab2 = _repack(post_table.T, n_steps)
    gp = gather(pr, ptab2)
    out_t = _mlp(gu, gp, uh, ph, W1[:EMBED_DIM], W1[EMBED_DIM:],
                 b1.reshape(1, -1), W2, b2.reshape(1, -1),
                 W3.reshape(1, -1), b3.reshape(1, 1))
    return out_t.T

# --- scband reference (transcript-rebuilt; emitter-appended) ---
"""Pipeline reference for scband-user-profile-recommender-18494129176658 (READ-ONLY COPY).

The authoritative reference and input builder live on the scoring server;
editing this copy changes nothing except your own understanding.
"""

import jax, jax.numpy as jnp
import numpy as np

NUM_USERS = 1000000
NUM_POSTS = 1000000
EMBED_DIM = 64
BATCH = 16384


def setup_inputs(seed: int = 0) -> dict:
    key = jax.random.key(seed)
    ks = jax.random.split(key, 12)
    user_ids = jax.random.randint(ks[0], (BATCH,), 0, NUM_USERS, dtype=jnp.int64 if jax.config.read('jax_enable_x64') else jnp.int32)
    post_ids = jax.random.randint(ks[1], (BATCH,), 0, NUM_POSTS, dtype=jnp.int64 if jax.config.read('jax_enable_x64') else jnp.int32)
    user_table = jax.random.normal(ks[2], (NUM_USERS, EMBED_DIM), dtype=jnp.float32)
    post_table = jax.random.normal(ks[3], (NUM_POSTS, EMBED_DIM), dtype=jnp.float32)
    W1 = jax.random.normal(ks[4], (EMBED_DIM * 2, 128), dtype=jnp.float32) * (1.0 / np.sqrt(EMBED_DIM * 2))
    b1 = jnp.zeros((128,), dtype=jnp.float32)
    W2 = jax.random.normal(ks[5], (128, 64), dtype=jnp.float32) * (1.0 / np.sqrt(128))
    b2 = jnp.zeros((64,), dtype=jnp.float32)
    W3 = jax.random.normal(ks[6], (64, 1), dtype=jnp.float32) * (1.0 / np.sqrt(64))
    b3 = jnp.zeros((1,), dtype=jnp.float32)
    return {
        'user_ids': user_ids,
        'post_ids': post_ids,
        'user_table': user_table,
        'post_table': post_table,
        'W1': W1, 'b1': b1,
        'W2': W2, 'b2': b2,
        'W3': W3, 'b3': b3,
    }


def reference(user_ids, post_ids, user_table, post_table, W1, b1, W2, b2, W3, b3):
    user_emb = jnp.take(user_table, user_ids, axis=0)
    post_emb = jnp.take(post_table, post_ids, axis=0)
    x = jnp.concatenate([user_emb, post_emb], axis=1)
    x = jax.nn.relu(x @ W1 + b1)
    x = jax.nn.relu(x @ W2 + b2)
    x = jax.nn.sigmoid(x @ W3 + b3)
    return x

if __name__ == "__main__":
    import jax
    _d = setup_inputs()
    print(jax.jit(kernel)(*tuple(_d.values())))

</pallas_src>

<mosaic_0001>
#map = affine_map<(d0, d1) -> (0, 0)>
module attributes {stable_mosaic.version = 14 : i64} {
  func.func @gk(%arg0: i32, %arg1: i32, %arg2: memref<128x128xi32, #tpu.memory_space<hbm>>, %arg3: memref<507904x128xf32, #tpu.memory_space<hbm>>, %arg4: memref<16384x128xf32, #tpu.memory_space<hbm>>, %arg5: memref<4x128xi32, #tpu.memory_space<vmem>>, %arg6: memref<128x128xf32, #tpu.memory_space<vmem>>, %arg7: memref<128x128xf32, #tpu.memory_space<vmem>>, %arg8: memref<!tpu.dma_semaphore, #tpu.memory_space<semaphore_mem>>, %arg9: memref<!tpu.dma_semaphore, #tpu.memory_space<semaphore_mem>>, %arg10: memref<!tpu.dma_semaphore, #tpu.memory_space<semaphore_mem>>, %arg11: memref<!tpu.dma_semaphore, #tpu.memory_space<semaphore_mem>>) attributes {dimension_semantics = [#tpu.dimension_semantics<core_parallel>, #tpu.dimension_semantics<subcore_parallel>], iteration_bounds = array<i64: 2, 16>, scalar_prefetch = 0 : i64, scratch_operands = 7 : i64, tpu.core_type = #tpu.core_type<sc_vector_subcore>, window_params = [{transform_indices = #map}, {transform_indices = #map}, {transform_indices = #map}]} {
    %mul3A = arith.constant 2 : i32
    %mul3A_0 = arith.muli %arg1, %mul3A : i32
    %add3A = arith.addi %mul3A_0, %arg0 : i32
    %mul3A_1 = arith.constant 512 : i32
    %mul3A_2 = arith.muli %add3A, %mul3A_1 : i32
    %mul3A_3 = arith.constant 4 : i32
    %mul3A_4 = arith.muli %add3A, %mul3A_3 : i32
    "tpu.region"() ({
      %run_scoped3A = tpu.sem_alloc : memref<!tpu.dma_semaphore, #tpu.memory_space<semaphore_mem>>
      %dma_start3A_99 = arith.constant 0 : i32
      %dma_start3A_100 = tpu.memref_slice %arg2[%mul3A_4, %dma_start3A_99] : memref<128x128xi32, #tpu.memory_space<hbm>> -> memref<4x128xi32, #tpu.memory_space<hbm>>
      %dma_start3A_101 = arith.constant 0 : i32
      %dma_start3A_102 = tpu.memref_slice %arg2[%mul3A_4, %dma_start3A_101] : memref<128x128xi32, #tpu.memory_space<hbm>> -> memref<4x128xi32, #tpu.memory_space<hbm>>
      tpu.enqueue_dma source(%dma_start3A_102 : memref<4x128xi32, #tpu.memory_space<hbm>>) target(%arg5 : memref<4x128xi32, #tpu.memory_space<vmem>>) target_semaphore(%run_scoped3A : memref<!tpu.dma_semaphore, #tpu.memory_space<semaphore_mem>>)
      %dma_wait3A_103 = arith.constant 0 : i32
      %dma_wait3A_104 = tpu.memref_slice %arg2[%mul3A_4, %dma_wait3A_103] : memref<128x128xi32, #tpu.memory_space<hbm>> -> memref<4x128xi32, #tpu.memory_space<hbm>>
      %dma_wait3A_105 = arith.constant 0 : i32
      %dma_wait3A_106 = tpu.memref_slice %arg2[%mul3A_4, %dma_wait3A_105] : memref<128x128xi32, #tpu.memory_space<hbm>> -> memref<4x128xi32, #tpu.memory_space<hbm>>
      tpu.wait_dma2 semaphore(%run_scoped3A : memref<!tpu.dma_semaphore, #tpu.memory_space<semaphore_mem>>) src(%dma_wait3A_106 : memref<4x128xi32, #tpu.memory_space<hbm>>) dst(%arg5 : memref<4x128xi32, #tpu.memory_space<vmem>>)
      tpu.yield
    }) : () -> ()
    %dma_start3A = arith.constant 0 : i32
    %dma_start3A_5 = arith.constant 0 : i32
    %dma_start3A_6 = tpu.memref_slice %arg5[%dma_start3A, %dma_start3A_5] : memref<4x128xi32, #tpu.memory_space<vmem>> -> memref<1x128xi32, #tpu.memory_space<vmem>>
    %dma_start3A_7 = tpu.memref_squeeze %dma_start3A_6 : memref<1x128xi32, #tpu.memory_space<vmem>> -> memref<128xi32, #tpu.memory_space<vmem>>
    %dma_start3A_8 = arith.constant 0 : i32
    %dma_start3A_9 = arith.constant 0 : i32
    %dma_start3A_10 = tpu.memref_slice %arg3[%dma_start3A_8, %dma_start3A_9] : memref<507904x128xf32, #tpu.memory_space<hbm>> -> memref<507904x128xf32, #tpu.memory_space<hbm>>
    tpu.enqueue_indirect_dma source(%dma_start3A_10 : memref<507904x128xf32, #tpu.memory_space<hbm>>) target(%arg6 : memref<128x128xf32, #tpu.memory_space<vmem>>) offsets(%dma_start3A_7 : memref<128xi32, #tpu.memory_space<vmem>>) semaphore(%arg8 : memref<!tpu.dma_semaphore, #tpu.memory_space<semaphore_mem>>)
    %dma_start3A_11 = arith.constant 1 : i32
    %dma_start3A_12 = arith.constant 0 : i32
    %dma_start3A_13 = tpu.memref_slice %arg5[%dma_start3A_11, %dma_start3A_12] : memref<4x128xi32, #tpu.memory_space<vmem>> -> memref<1x128xi32, #tpu.memory_space<vmem>>
    %dma_start3A_14 = tpu.memref_squeeze %dma_start3A_13 : memref<1x128xi32, #tpu.memory_space<vmem>> -> memref<128xi32, #tpu.memory_space<vmem>>
    %dma_start3A_15 = arith.constant 0 : i32
    %dma_start3A_16 = arith.constant 0 : i32
    %dma_start3A_17 = tpu.memref_slice %arg3[%dma_start3A_15, %dma_start3A_16] : memref<507904x128xf32, #tpu.memory_space<hbm>> -> memref<507904x128xf32, #tpu.memory_space<hbm>>
    tpu.enqueue_indirect_dma source(%dma_start3A_17 : memref<507904x128xf32, #tpu.memory_space<hbm>>) target(%arg7 : memref<128x128xf32, #tpu.memory_space<vmem>>) offsets(%dma_start3A_14 : memref<128xi32, #tpu.memory_space<vmem>>) semaphore(%arg9 : memref<!tpu.dma_semaphore, #tpu.memory_space<semaphore_mem>>)
    %dma_wait3A = arith.constant 0 : i32
    %dma_wait3A_18 = arith.constant 0 : i32
    %dma_wait3A_19 = tpu.memref_slice %arg5[%dma_wait3A, %dma_wait3A_18] : memref<4x128xi32, #tpu.memory_space<vmem>> -> memref<1x128xi32, #tpu.memory_space<vmem>>
    %dma_wait3A_20 = tpu.memref_squeeze %dma_wait3A_19 : memref<1x128xi32, #tpu.memory_space<vmem>> -> memref<128xi32, #tpu.memory_space<vmem>>
    %dma_wait3A_21 = arith.constant 0 : i32
    %dma_wait3A_22 = arith.constant 0 : i32
    %dma_wait3A_23 = tpu.memref_slice %arg3[%dma_wait3A_21, %dma_wait3A_22] : memref<507904x128xf32, #tpu.memory_space<hbm>> -> memref<507904x128xf32, #tpu.memory_space<hbm>>
    tpu.wait_indirect_dma semaphore(%arg8 : memref<!tpu.dma_semaphore, #tpu.memory_space<semaphore_mem>>) src(%dma_wait3A_23 : memref<507904x128xf32, #tpu.memory_space<hbm>>) dst(%arg6 : memref<128x128xf32, #tpu.memory_space<vmem>>)
    %add3A_24 = arith.constant 0 : i32
    %add3A_25 = arith.addi %mul3A_2, %add3A_24 : i32
    %dma_start3A_26 = arith.constant 0 : i32
    %dma_start3A_27 = tpu.memref_slice %arg4[%add3A_25, %dma_start3A_26] : memref<16384x128xf32, #tpu.memory_space<hbm>> -> memref<128x128xf32, #tpu.memory_space<hbm>>
    %dma_start3A_28 = arith.constant 0 : i32
    %dma_start3A_29 = tpu.memref_slice %arg4[%add3A_25, %dma_start3A_28] : memref<16384x128xf32, #tpu.memory_space<hbm>> -> memref<128x128xf32, #tpu.memory_space<hbm>>
    tpu.enqueue_dma source(%arg6 : memref<128x128xf32, #tpu.memory_space<vmem>>) target(%dma_start3A_29 : memref<128x128xf32, #tpu.memory_space<hbm>>) target_semaphore(%arg10 : memref<!tpu.dma_semaphore, #tpu.memory_space<semaphore_mem>>)
    %dma_wait3A_30 = arith.constant 0 : i32
    %dma_wait3A_31 = tpu.memref_slice %arg4[%add3A_25, %dma_wait3A_30] : memref<16384x128xf32, #tpu.memory_space<hbm>> -> memref<128x128xf32, #tpu.memory_space<hbm>>
    %dma_wait3A_32 = arith.constant 0 : i32
    %dma_wait3A_33 = tpu.memref_slice %arg4[%add3A_25, %dma_wait3A_32] : memref<16384x128xf32, #tpu.memory_space<hbm>> -> memref<128x128xf32, #tpu.memory_space<hbm>>
    tpu.wait_dma2 semaphore(%arg10 : memref<!tpu.dma_semaphore, #tpu.memory_space<semaphore_mem>>) src(%arg6 : memref<128x128xf32, #tpu.memory_space<vmem>>) dst(%dma_wait3A_33 : memref<128x128xf32, #tpu.memory_space<hbm>>)
    %dma_start3A_34 = arith.constant 2 : i32
    %dma_start3A_35 = arith.constant 0 : i32
    %dma_start3A_36 = tpu.memref_slice %arg5[%dma_start3A_34, %dma_start3A_35] : memref<4x128xi32, #tpu.memory_space<vmem>> -> memref<1x128xi32, #tpu.memory_space<vmem>>
    %dma_start3A_37 = tpu.memref_squeeze %dma_start3A_36 : memref<1x128xi32, #tpu.memory_space<vmem>> -> memref<128xi32, #tpu.memory_space<vmem>>
    %dma_start3A_38 = arith.constant 0 : i32
    %dma_start3A_39 = arith.constant 0 : i32
    %dma_start3A_40 = tpu.memref_slice %arg3[%dma_start3A_38, %dma_start3A_39] : memref<507904x128xf32, #tpu.memory_space<hbm>> -> memref<507904x128xf32, #tpu.memory_space<hbm>>
    tpu.enqueue_indirect_dma source(%dma_start3A_40 : memref<507904x128xf32, #tpu.memory_space<hbm>>) target(%arg6 : memref<128x128xf32, #tpu.memory_space<vmem>>) offsets(%dma_start3A_37 : memref<128xi32, #tpu.memory_space<vmem>>) semaphore(%arg8 : memref<!tpu.dma_semaphore, #tpu.memory_space<semaphore_mem>>)
    %dma_wait3A_41 = arith.constant 1 : i32
    %dma_wait3A_42 = arith.constant 0 : i32
    %dma_wait3A_43 = tpu.memref_slice %arg5[%dma_wait3A_41, %dma_wait3A_42] : memref<4x128xi32, #tpu.memory_space<vmem>> -> memref<1x128xi32, #tpu.memory_space<vmem>>
    %dma_wait3A_44 = tpu.memref_squeeze %dma_wait3A_43 : memref<1x128xi32, #tpu.memory_space<vmem>> -> memref<128xi32, #tpu.memory_space<vmem>>
    %dma_wait3A_45 = arith.constant 0 : i32
    %dma_wait3A_46 = arith.constant 0 : i32
    %dma_wait3A_47 = tpu.memref_slice %arg3[%dma_wait3A_45, %dma_wait3A_46] : memref<507904x128xf32, #tpu.memory_space<hbm>> -> memref<507904x128xf32, #tpu.memory_space<hbm>>
    tpu.wait_indirect_dma semaphore(%arg9 : memref<!tpu.dma_semaphore, #tpu.memory_space<semaphore_mem>>) src(%dma_wait3A_47 : memref<507904x128xf32, #tpu.memory_space<hbm>>) dst(%arg7 : memref<128x128xf32, #tpu.memory_space<vmem>>)
    %add3A_48 = arith.constant 128 : i32
    %add3A_49 = arith.addi %mul3A_2, %add3A_48 : i32
    %dma_start3A_50 = arith.constant 0 : i32
    %dma_start3A_51 = tpu.memref_slice %arg4[%add3A_49, %dma_start3A_50] : memref<16384x128xf32, #tpu.memory_space<hbm>> -> memref<128x128xf32, #tpu.memory_space<hbm>>
    %dma_start3A_52 = arith.constant 0 : i32
    %dma_start3A_53 = tpu.memref_slice %arg4[%add3A_49, %dma_start3A_52] : memref<16384x128xf32, #tpu.memory_space<hbm>> -> memref<128x128xf32, #tpu.memory_space<hbm>>
    tpu.enqueue_dma source(%arg7 : memref<128x128xf32, #tpu.memory_space<vmem>>) target(%dma_start3A_53 : memref<128x128xf32, #tpu.memory_space<hbm>>) target_semaphore(%arg11 : memref<!tpu.dma_semaphore, #tpu.memory_space<semaphore_mem>>)
    %dma_wait3A_54 = arith.constant 0 : i32
    %dma_wait3A_55 = tpu.memref_slice %arg4[%add3A_49, %dma_wait3A_54] : memref<16384x128xf32, #tpu.memory_space<hbm>> -> memref<128x128xf32, #tpu.memory_space<hbm>>
    %dma_wait3A_56 = arith.constant 0 : i32
    %dma_wait3A_57 = tpu.memref_slice %arg4[%add3A_49, %dma_wait3A_56] : memref<16384x128xf32, #tpu.memory_space<hbm>> -> memref<128x128xf32, #tpu.memory_space<hbm>>
    tpu.wait_dma2 semaphore(%arg11 : memref<!tpu.dma_semaphore, #tpu.memory_space<semaphore_mem>>) src(%arg7 : memref<128x128xf32, #tpu.memory_space<vmem>>) dst(%dma_wait3A_57 : memref<128x128xf32, #tpu.memory_space<hbm>>)
    %dma_start3A_58 = arith.constant 3 : i32
    %dma_start3A_59 = arith.constant 0 : i32
    %dma_start3A_60 = tpu.memref_slice %arg5[%dma_start3A_58, %dma_start3A_59] : memref<4x128xi32, #tpu.memory_space<vmem>> -> memref<1x128xi32, #tpu.memory_space<vmem>>
    %dma_start3A_61 = tpu.memref_squeeze %dma_start3A_60 : memref<1x128xi32, #tpu.memory_space<vmem>> -> memref<128xi32, #tpu.memory_space<vmem>>
    %dma_start3A_62 = arith.constant 0 : i32
    %dma_start3A_63 = arith.constant 0 : i32
    %dma_start3A_64 = tpu.memref_slice %arg3[%dma_start3A_62, %dma_start3A_63] : memref<507904x128xf32, #tpu.memory_space<hbm>> -> memref<507904x128xf32, #tpu.memory_space<hbm>>
    tpu.enqueue_indirect_dma source(%dma_start3A_64 : memref<507904x128xf32, #tpu.memory_space<hbm>>) target(%arg7 : memref<128x128xf32, #tpu.memory_space<vmem>>) offsets(%dma_start3A_61 : memref<128xi32, #tpu.memory_space<vmem>>) semaphore(%arg9 : memref<!tpu.dma_semaphore, #tpu.memory_space<semaphore_mem>>)
    %dma_wait3A_65 = arith.constant 2 : i32
    %dma_wait3A_66 = arith.constant 0 : i32
    %dma_wait3A_67 = tpu.memref_slice %arg5[%dma_wait3A_65, %dma_wait3A_66] : memref<4x128xi32, #tpu.memory_space<vmem>> -> memref<1x128xi32, #tpu.memory_space<vmem>>
    %dma_wait3A_68 = tpu.memref_squeeze %dma_wait3A_67 : memref<1x128xi32, #tpu.memory_space<vmem>> -> memref<128xi32, #tpu.memory_space<vmem>>
    %dma_wait3A_69 = arith.constant 0 : i32
    %dma_wait3A_70 = arith.constant 0 : i32
    %dma_wait3A_71 = tpu.memref_slice %arg3[%dma_wait3A_69, %dma_wait3A_70] : memref<507904x128xf32, #tpu.memory_space<hbm>> -> memref<507904x128xf32, #tpu.memory_space<hbm>>
    tpu.wait_indirect_dma semaphore(%arg8 : memref<!tpu.dma_semaphore, #tpu.memory_space<semaphore_mem>>) src(%dma_wait3A_71 : memref<507904x128xf32, #tpu.memory_space<hbm>>) dst(%arg6 : memref<128x128xf32, #tpu.memory_space<vmem>>)
    %add3A_72 = arith.constant 256 : i32
    %add3A_73 = arith.addi %mul3A_2, %add3A_72 : i32
    %dma_start3A_74 = arith.constant 0 : i32
    %dma_start3A_75 = tpu.memref_slice %arg4[%add3A_73, %dma_start3A_74] : memref<16384x128xf32, #tpu.memory_space<hbm>> -> memref<128x128xf32, #tpu.memory_space<hbm>>
    %dma_start3A_76 = arith.constant 0 : i32
    %dma_start3A_77 = tpu.memref_slice %arg4[%add3A_73, %dma_start3A_76] : memref<16384x128xf32, #tpu.memory_space<hbm>> -> memref<128x128xf32, #tpu.memory_space<hbm>>
    tpu.enqueue_dma source(%arg6 : memref<128x128xf32, #tpu.memory_space<vmem>>) target(%dma_start3A_77 : memref<128x128xf32, #tpu.memory_space<hbm>>) target_semaphore(%arg10 : memref<!tpu.dma_semaphore, #tpu.memory_space<semaphore_mem>>)
    %dma_wait3A_78 = arith.constant 3 : i32
    %dma_wait3A_79 = arith.constant 0 : i32
    %dma_wait3A_80 = tpu.memref_slice %arg5[%dma_wait3A_78, %dma_wait3A_79] : memref<4x128xi32, #tpu.memory_space<vmem>> -> memref<1x128xi32, #tpu.memory_space<vmem>>
    %dma_wait3A_81 = tpu.memref_squeeze %dma_wait3A_80 : memref<1x128xi32, #tpu.memory_space<vmem>> -> memref<128xi32, #tpu.memory_space<vmem>>
    %dma_wait3A_82 = arith.constant 0 : i32
    %dma_wait3A_83 = arith.constant 0 : i32
    %dma_wait3A_84 = tpu.memref_slice %arg3[%dma_wait3A_82, %dma_wait3A_83] : memref<507904x128xf32, #tpu.memory_space<hbm>> -> memref<507904x128xf32, #tpu.memory_space<hbm>>
    tpu.wait_indirect_dma semaphore(%arg9 : memref<!tpu.dma_semaphore, #tpu.memory_space<semaphore_mem>>) src(%dma_wait3A_84 : memref<507904x128xf32, #tpu.memory_space<hbm>>) dst(%arg7 : memref<128x128xf32, #tpu.memory_space<vmem>>)
    %add3A_85 = arith.constant 384 : i32
    %add3A_86 = arith.addi %mul3A_2, %add3A_85 : i32
    %dma_start3A_87 = arith.constant 0 : i32
    %dma_start3A_88 = tpu.memref_slice %arg4[%add3A_86, %dma_start3A_87] : memref<16384x128xf32, #tpu.memory_space<hbm>> -> memref<128x128xf32, #tpu.memory_space<hbm>>
    %dma_start3A_89 = arith.constant 0 : i32
    %dma_start3A_90 = tpu.memref_slice %arg4[%add3A_86, %dma_start3A_89] : memref<16384x128xf32, #tpu.memory_space<hbm>> -> memref<128x128xf32, #tpu.memory_space<hbm>>
    tpu.enqueue_dma source(%arg7 : memref<128x128xf32, #tpu.memory_space<vmem>>) target(%dma_start3A_90 : memref<128x128xf32, #tpu.memory_space<hbm>>) target_semaphore(%arg11 : memref<!tpu.dma_semaphore, #tpu.memory_space<semaphore_mem>>)
    %dma_wait3A_91 = arith.constant 0 : i32
    %dma_wait3A_92 = tpu.memref_slice %arg4[%add3A_73, %dma_wait3A_91] : memref<16384x128xf32, #tpu.memory_space<hbm>> -> memref<128x128xf32, #tpu.memory_space<hbm>>
    %dma_wait3A_93 = arith.constant 0 : i32
    %dma_wait3A_94 = tpu.memref_slice %arg4[%add3A_73, %dma_wait3A_93] : memref<16384x128xf32, #tpu.memory_space<hbm>> -> memref<128x128xf32, #tpu.memory_space<hbm>>
    tpu.wait_dma2 semaphore(%arg10 : memref<!tpu.dma_semaphore, #tpu.memory_space<semaphore_mem>>) src(%arg6 : memref<128x128xf32, #tpu.memory_space<vmem>>) dst(%dma_wait3A_94 : memref<128x128xf32, #tpu.memory_space<hbm>>)
    %dma_wait3A_95 = arith.constant 0 : i32
    %dma_wait3A_96 = tpu.memref_slice %arg4[%add3A_86, %dma_wait3A_95] : memref<16384x128xf32, #tpu.memory_space<hbm>> -> memref<128x128xf32, #tpu.memory_space<hbm>>
    %dma_wait3A_97 = arith.constant 0 : i32
    %dma_wait3A_98 = tpu.memref_slice %arg4[%add3A_86, %dma_wait3A_97] : memref<16384x128xf32, #tpu.memory_space<hbm>> -> memref<128x128xf32, #tpu.memory_space<hbm>>
    tpu.wait_dma2 semaphore(%arg11 : memref<!tpu.dma_semaphore, #tpu.memory_space<semaphore_mem>>) src(%arg7 : memref<128x128xf32, #tpu.memory_space<vmem>>) dst(%dma_wait3A_98 : memref<128x128xf32, #tpu.memory_space<hbm>>)
    return
  }
}

#map = affine_map<(d0, d1) -> (0, 0)>
module attributes {stable_mosaic.version = 14 : i64} {
  func.func @gk(%arg0: i32, %arg1: i32, %arg2: memref<128x128xi32, #tpu.memory_space<hbm>>, %arg3: memref<507904x128xf32, #tpu.memory_space<hbm>>, %arg4: memref<16384x128xf32, #tpu.memory_space<hbm>>, %arg5: memref<4x128xi32, #tpu.memory_space<vmem>>, %arg6: memref<128x128xf32, #tpu.memory_space<vmem>>, %arg7: memref<128x128xf32, #tpu.memory_space<vmem>>, %arg8: memref<!tpu.dma_semaphore, #tpu.memory_space<semaphore_mem>>, %arg9: memref<!tpu.dma_semaphore, #tpu.memory_space<semaphore_mem>>, %arg10: memref<!tpu.dma_semaphore, #tpu.memory_space<semaphore_mem>>, %arg11: memref<!tpu.dma_semaphore, #tpu.memory_space<semaphore_mem>>) attributes {dimension_semantics = [#tpu.dimension_semantics<core_parallel>, #tpu.dimension_semantics<subcore_parallel>], iteration_bounds = array<i64: 2, 16>, scalar_prefetch = 0 : i64, scratch_operands = 7 : i64, tpu.core_type = #tpu.core_type<sc_vector_subcore>, window_params = [{transform_indices = #map}, {transform_indices = #map}, {transform_indices = #map}]} {
    %mul3A = arith.constant 2 : i32
    %mul3A_0 = arith.muli %arg1, %mul3A : i32
    %add3A = arith.addi %mul3A_0, %arg0 : i32
    %mul3A_1 = arith.constant 512 : i32
    %mul3A_2 = arith.muli %add3A, %mul3A_1 : i32
    %mul3A_3 = arith.constant 4 : i32
    %mul3A_4 = arith.muli %add3A, %mul3A_3 : i32
    "tpu.region"() ({
      %run_scoped3A = tpu.sem_alloc : memref<!tpu.dma_semaphore, #tpu.memory_space<semaphore_mem>>
      %dma_start3A_99 = arith.constant 0 : i32
      %dma_start3A_100 = tpu.memref_slice %arg2[%mul3A_4, %dma_start3A_99] : memref<128x128xi32, #tpu.memory_space<hbm>> -> memref<4x128xi32, #tpu.memory_space<hbm>>
      %dma_start3A_101 = arith.constant 0 : i32
      %dma_start3A_102 = tpu.memref_slice %arg2[%mul3A_4, %dma_start3A_101] : memref<128x128xi32, #tpu.memory_space<hbm>> -> memref<4x128xi32, #tpu.memory_space<hbm>>
      tpu.enqueue_dma source(%dma_start3A_102 : memref<4x128xi32, #tpu.memory_space<hbm>>) target(%arg5 : memref<4x128xi32, #tpu.memory_space<vmem>>) target_semaphore(%run_scoped3A : memref<!tpu.dma_semaphore, #tpu.memory_space<semaphore_mem>>)
      %dma_wait3A_103 = arith.constant 0 : i32
      %dma_wait3A_104 = tpu.memref_slice %arg2[%mul3A_4, %dma_wait3A_103] : memref<128x128xi32, #tpu.memory_space<hbm>> -> memref<4x128xi32, #tpu.memory_space<hbm>>
      %dma_wait3A_105 = arith.constant 0 : i32
      %dma_wait3A_106 = tpu.memref_slice %arg2[%mul3A_4, %dma_wait3A_105] : memref<128x128xi32, #tpu.memory_space<hbm>> -> memref<4x128xi32, #tpu.memory_space<hbm>>
      tpu.wait_dma2 semaphore(%run_scoped3A : memref<!tpu.dma_semaphore, #tpu.memory_space<semaphore_mem>>) src(%dma_wait3A_106 : memref<4x128xi32, #tpu.memory_space<hbm>>) dst(%arg5 : memref<4x128xi32, #tpu.memory_space<vmem>>)
      tpu.yield
    }) : () -> ()
    %dma_start3A = arith.constant 0 : i32
    %dma_start3A_5 = arith.constant 0 : i32
    %dma_start3A_6 = tpu.memref_slice %arg5[%dma_start3A, %dma_start3A_5] : memref<4x128xi32, #tpu.memory_space<vmem>> -> memref<1x128xi32, #tpu.memory_space<vmem>>
    %dma_start3A_7 = tpu.memref_squeeze %dma_start3A_6 : memref<1x128xi32, #tpu.memory_space<vmem>> -> memref<128xi32, #tpu.memory_space<vmem>>
    %dma_start3A_8 = arith.constant 0 : i32
    %dma_start3A_9 = arith.constant 0 : i32
    %dma_start3A_10 = tpu.memref_slice %arg3[%dma_start3A_8, %dma_start3A_9] : memref<507904x128xf32, #tpu.memory_space<hbm>> -> memref<507904x128xf32, #tpu.memory_space<hbm>>
    tpu.enqueue_indirect_dma source(%dma_start3A_10 : memref<507904x128xf32, #tpu.memory_space<hbm>>) target(%arg6 : memref<128x128xf32, #tpu.memory_space<vmem>>) offsets(%dma_start3A_7 : memref<128xi32, #tpu.memory_space<vmem>>) semaphore(%arg8 : memref<!tpu.dma_semaphore, #tpu.memory_space<semaphore_mem>>)
    %dma_start3A_11 = arith.constant 1 : i32
    %dma_start3A_12 = arith.constant 0 : i32
    %dma_start3A_13 = tpu.memref_slice %arg5[%dma_start3A_11, %dma_start3A_12] : memref<4x128xi32, #tpu.memory_space<vmem>> -> memref<1x128xi32, #tpu.memory_space<vmem>>
    %dma_start3A_14 = tpu.memref_squeeze %dma_start3A_13 : memref<1x128xi32, #tpu.memory_space<vmem>> -> memref<128xi32, #tpu.memory_space<vmem>>
    %dma_start3A_15 = arith.constant 0 : i32
    %dma_start3A_16 = arith.constant 0 : i32
    %dma_start3A_17 = tpu.memref_slice %arg3[%dma_start3A_15, %dma_start3A_16] : memref<507904x128xf32, #tpu.memory_space<hbm>> -> memref<507904x128xf32, #tpu.memory_space<hbm>>
    tpu.enqueue_indirect_dma source(%dma_start3A_17 : memref<507904x128xf32, #tpu.memory_space<hbm>>) target(%arg7 : memref<128x128xf32, #tpu.memory_space<vmem>>) offsets(%dma_start3A_14 : memref<128xi32, #tpu.memory_space<vmem>>) semaphore(%arg9 : memref<!tpu.dma_semaphore, #tpu.memory_space<semaphore_mem>>)
    %dma_wait3A = arith.constant 0 : i32
    %dma_wait3A_18 = arith.constant 0 : i32
    %dma_wait3A_19 = tpu.memref_slice %arg5[%dma_wait3A, %dma_wait3A_18] : memref<4x128xi32, #tpu.memory_space<vmem>> -> memref<1x128xi32, #tpu.memory_space<vmem>>
    %dma_wait3A_20 = tpu.memref_squeeze %dma_wait3A_19 : memref<1x128xi32, #tpu.memory_space<vmem>> -> memref<128xi32, #tpu.memory_space<vmem>>
    %dma_wait3A_21 = arith.constant 0 : i32
    %dma_wait3A_22 = arith.constant 0 : i32
    %dma_wait3A_23 = tpu.memref_slice %arg3[%dma_wait3A_21, %dma_wait3A_22] : memref<507904x128xf32, #tpu.memory_space<hbm>> -> memref<507904x128xf32, #tpu.memory_space<hbm>>
    tpu.wait_indirect_dma semaphore(%arg8 : memref<!tpu.dma_semaphore, #tpu.memory_space<semaphore_mem>>) src(%dma_wait3A_23 : memref<507904x128xf32, #tpu.memory_space<hbm>>) dst(%arg6 : memref<128x128xf32, #tpu.memory_space<vmem>>)
    %add3A_24 = arith.constant 0 : i32
    %add3A_25 = arith.addi %mul3A_2, %add3A_24 : i32
    %dma_start3A_26 = arith.constant 0 : i32
    %dma_start3A_27 = tpu.memref_slice %arg4[%add3A_25, %dma_start3A_26] : memref<16384x128xf32, #tpu.memory_space<hbm>> -> memref<128x128xf32, #tpu.memory_space<hbm>>
    %dma_start3A_28 = arith.constant 0 : i32
    %dma_start3A_29 = tpu.memref_slice %arg4[%add3A_25, %dma_start3A_28] : memref<16384x128xf32, #tpu.memory_space<hbm>> -> memref<128x128xf32, #tpu.memory_space<hbm>>
    tpu.enqueue_dma source(%arg6 : memref<128x128xf32, #tpu.memory_space<vmem>>) target(%dma_start3A_29 : memref<128x128xf32, #tpu.memory_space<hbm>>) target_semaphore(%arg10 : memref<!tpu.dma_semaphore, #tpu.memory_space<semaphore_mem>>)
    %dma_wait3A_30 = arith.constant 0 : i32
    %dma_wait3A_31 = tpu.memref_slice %arg4[%add3A_25, %dma_wait3A_30] : memref<16384x128xf32, #tpu.memory_space<hbm>> -> memref<128x128xf32, #tpu.memory_space<hbm>>
    %dma_wait3A_32 = arith.constant 0 : i32
    %dma_wait3A_33 = tpu.memref_slice %arg4[%add3A_25, %dma_wait3A_32] : memref<16384x128xf32, #tpu.memory_space<hbm>> -> memref<128x128xf32, #tpu.memory_space<hbm>>
    tpu.wait_dma2 semaphore(%arg10 : memref<!tpu.dma_semaphore, #tpu.memory_space<semaphore_mem>>) src(%arg6 : memref<128x128xf32, #tpu.memory_space<vmem>>) dst(%dma_wait3A_33 : memref<128x128xf32, #tpu.memory_space<hbm>>)
    %dma_start3A_34 = arith.constant 2 : i32
    %dma_start3A_35 = arith.constant 0 : i32
    %dma_start3A_36 = tpu.memref_slice %arg5[%dma_start3A_34, %dma_start3A_35] : memref<4x128xi32, #tpu.memory_space<vmem>> -> memref<1x128xi32, #tpu.memory_space<vmem>>
    %dma_start3A_37 = tpu.memref_squeeze %dma_start3A_36 : memref<1x128xi32, #tpu.memory_space<vmem>> -> memref<128xi32, #tpu.memory_space<vmem>>
    %dma_start3A_38 = arith.constant 0 : i32
    %dma_start3A_39 = arith.constant 0 : i32
    %dma_start3A_40 = tpu.memref_slice %arg3[%dma_start3A_38, %dma_start3A_39] : memref<507904x128xf32, #tpu.memory_space<hbm>> -> memref<507904x128xf32, #tpu.memory_space<hbm>>
    tpu.enqueue_indirect_dma source(%dma_start3A_40 : memref<507904x128xf32, #tpu.memory_space<hbm>>) target(%arg6 : memref<128x128xf32, #tpu.memory_space<vmem>>) offsets(%dma_start3A_37 : memref<128xi32, #tpu.memory_space<vmem>>) semaphore(%arg8 : memref<!tpu.dma_semaphore, #tpu.memory_space<semaphore_mem>>)
    %dma_wait3A_41 = arith.constant 1 : i32
    %dma_wait3A_42 = arith.constant 0 : i32
    %dma_wait3A_43 = tpu.memref_slice %arg5[%dma_wait3A_41, %dma_wait3A_42] : memref<4x128xi32, #tpu.memory_space<vmem>> -> memref<1x128xi32, #tpu.memory_space<vmem>>
    %dma_wait3A_44 = tpu.memref_squeeze %dma_wait3A_43 : memref<1x128xi32, #tpu.memory_space<vmem>> -> memref<128xi32, #tpu.memory_space<vmem>>
    %dma_wait3A_45 = arith.constant 0 : i32
    %dma_wait3A_46 = arith.constant 0 : i32
    %dma_wait3A_47 = tpu.memref_slice %arg3[%dma_wait3A_45, %dma_wait3A_46] : memref<507904x128xf32, #tpu.memory_space<hbm>> -> memref<507904x128xf32, #tpu.memory_space<hbm>>
    tpu.wait_indirect_dma semaphore(%arg9 : memref<!tpu.dma_semaphore, #tpu.memory_space<semaphore_mem>>) src(%dma_wait3A_47 : memref<507904x128xf32, #tpu.memory_space<hbm>>) dst(%arg7 : memref<128x128xf32, #tpu.memory_space<vmem>>)
    %add3A_48 = arith.constant 128 : i32
    %add3A_49 = arith.addi %mul3A_2, %add3A_48 : i32
    %dma_start3A_50 = arith.constant 0 : i32
    %dma_start3A_51 = tpu.memref_slice %arg4[%add3A_49, %dma_start3A_50] : memref<16384x128xf32, #tpu.memory_space<hbm>> -> memref<128x128xf32, #tpu.memory_space<hbm>>
    %dma_start3A_52 = arith.constant 0 : i32
    %dma_start3A_53 = tpu.memref_slice %arg4[%add3A_49, %dma_start3A_52] : memref<16384x128xf32, #tpu.memory_space<hbm>> -> memref<128x128xf32, #tpu.memory_space<hbm>>
    tpu.enqueue_dma source(%arg7 : memref<128x128xf32, #tpu.memory_space<vmem>>) target(%dma_start3A_53 : memref<128x128xf32, #tpu.memory_space<hbm>>) target_semaphore(%arg11 : memref<!tpu.dma_semaphore, #tpu.memory_space<semaphore_mem>>)
    %dma_wait3A_54 = arith.constant 0 : i32
    %dma_wait3A_55 = tpu.memref_slice %arg4[%add3A_49, %dma_wait3A_54] : memref<16384x128xf32, #tpu.memory_space<hbm>> -> memref<128x128xf32, #tpu.memory_space<hbm>>
    %dma_wait3A_56 = arith.constant 0 : i32
    %dma_wait3A_57 = tpu.memref_slice %arg4[%add3A_49, %dma_wait3A_56] : memref<16384x128xf32, #tpu.memory_space<hbm>> -> memref<128x128xf32, #tpu.memory_space<hbm>>
    tpu.wait_dma2 semaphore(%arg11 : memref<!tpu.dma_semaphore, #tpu.memory_space<semaphore_mem>>) src(%arg7 : memref<128x128xf32, #tpu.memory_space<vmem>>) dst(%dma_wait3A_57 : memref<128x128xf32, #tpu.memory_space<hbm>>)
    %dma_start3A_58 = arith.constant 3 : i32
    %dma_start3A_59 = arith.constant 0 : i32
    %dma_start3A_60 = tpu.memref_slice %arg5[%dma_start3A_58, %dma_start3A_59] : memref<4x128xi32, #tpu.memory_space<vmem>> -> memref<1x128xi32, #tpu.memory_space<vmem>>
    %dma_start3A_61 = tpu.memref_squeeze %dma_start3A_60 : memref<1x128xi32, #tpu.memory_space<vmem>> -> memref<128xi32, #tpu.memory_space<vmem>>
    %dma_start3A_62 = arith.constant 0 : i32
    %dma_start3A_63 = arith.constant 0 : i32
    %dma_start3A_64 = tpu.memref_slice %arg3[%dma_start3A_62, %dma_start3A_63] : memref<507904x128xf32, #tpu.memory_space<hbm>> -> memref<507904x128xf32, #tpu.memory_space<hbm>>
    tpu.enqueue_indirect_dma source(%dma_start3A_64 : memref<507904x128xf32, #tpu.memory_space<hbm>>) target(%arg7 : memref<128x128xf32, #tpu.memory_space<vmem>>) offsets(%dma_start3A_61 : memref<128xi32, #tpu.memory_space<vmem>>) semaphore(%arg9 : memref<!tpu.dma_semaphore, #tpu.memory_space<semaphore_mem>>)
    %dma_wait3A_65 = arith.constant 2 : i32
    %dma_wait3A_66 = arith.constant 0 : i32
    %dma_wait3A_67 = tpu.memref_slice %arg5[%dma_wait3A_65, %dma_wait3A_66] : memref<4x128xi32, #tpu.memory_space<vmem>> -> memref<1x128xi32, #tpu.memory_space<vmem>>
    %dma_wait3A_68 = tpu.memref_squeeze %dma_wait3A_67 : memref<1x128xi32, #tpu.memory_space<vmem>> -> memref<128xi32, #tpu.memory_space<vmem>>
    %dma_wait3A_69 = arith.constant 0 : i32
    %dma_wait3A_70 = arith.constant 0 : i32
    %dma_wait3A_71 = tpu.memref_slice %arg3[%dma_wait3A_69, %dma_wait3A_70] : memref<507904x128xf32, #tpu.memory_space<hbm>> -> memref<507904x128xf32, #tpu.memory_space<hbm>>
    tpu.wait_indirect_dma semaphore(%arg8 : memref<!tpu.dma_semaphore, #tpu.memory_space<semaphore_mem>>) src(%dma_wait3A_71 : memref<507904x128xf32, #tpu.memory_space<hbm>>) dst(%arg6 : memref<128x128xf32, #tpu.memory_space<vmem>>)
    %add3A_72 = arith.constant 256 : i32
    %add3A_73 = arith.addi %mul3A_2, %add3A_72 : i32
    %dma_start3A_74 = arith.constant 0 : i32
    %dma_start3A_75 = tpu.memref_slice %arg4[%add3A_73, %dma_start3A_74] : memref<16384x128xf32, #tpu.memory_space<hbm>> -> memref<128x128xf32, #tpu.memory_space<hbm>>
    %dma_start3A_76 = arith.constant 0 : i32
    %dma_start3A_77 = tpu.memref_slice %arg4[%add3A_73, %dma_start3A_76] : memref<16384x128xf32, #tpu.memory_space<hbm>> -> memref<128x128xf32, #tpu.memory_space<hbm>>
    tpu.enqueue_dma source(%arg6 : memref<128x128xf32, #tpu.memory_space<vmem>>) target(%dma_start3A_77 : memref<128x128xf32, #tpu.memory_space<hbm>>) target_semaphore(%arg10 : memref<!tpu.dma_semaphore, #tpu.memory_space<semaphore_mem>>)
    %dma_wait3A_78 = arith.constant 3 : i32
    %dma_wait3A_79 = arith.constant 0 : i32
    %dma_wait3A_80 = tpu.memref_slice %arg5[%dma_wait3A_78, %dma_wait3A_79] : memref<4x128xi32, #tpu.memory_space<vmem>> -> memref<1x128xi32, #tpu.memory_space<vmem>>
    %dma_wait3A_81 = tpu.memref_squeeze %dma_wait3A_80 : memref<1x128xi32, #tpu.memory_space<vmem>> -> memref<128xi32, #tpu.memory_space<vmem>>
    %dma_wait3A_82 = arith.constant 0 : i32
    %dma_wait3A_83 = arith.constant 0 : i32
    %dma_wait3A_84 = tpu.memref_slice %arg3[%dma_wait3A_82, %dma_wait3A_83] : memref<507904x128xf32, #tpu.memory_space<hbm>> -> memref<507904x128xf32, #tpu.memory_space<hbm>>
    tpu.wait_indirect_dma semaphore(%arg9 : memref<!tpu.dma_semaphore, #tpu.memory_space<semaphore_mem>>) src(%dma_wait3A_84 : memref<507904x128xf32, #tpu.memory_space<hbm>>) dst(%arg7 : memref<128x128xf32, #tpu.memory_space<vmem>>)
    %add3A_85 = arith.constant 384 : i32
    %add3A_86 = arith.addi %mul3A_2, %add3A_85 : i32
    %dma_start3A_87 = arith.constant 0 : i32
    %dma_start3A_88 = tpu.memref_slice %arg4[%add3A_86, %dma_start3A_87] : memref<16384x128xf32, #tpu.memory_space<hbm>> -> memref<128x128xf32, #tpu.memory_space<hbm>>
    %dma_start3A_89 = arith.constant 0 : i32
    %dma_start3A_90 = tpu.memref_slice %arg4[%add3A_86, %dma_start3A_89] : memref<16384x128xf32, #tpu.memory_space<hbm>> -> memref<128x128xf32, #tpu.memory_space<hbm>>
    tpu.enqueue_dma source(%arg7 : memref<128x128xf32, #tpu.memory_space<vmem>>) target(%dma_start3A_90 : memref<128x128xf32, #tpu.memory_space<hbm>>) target_semaphore(%arg11 : memref<!tpu.dma_semaphore, #tpu.memory_space<semaphore_mem>>)
    %dma_wait3A_91 = arith.constant 0 : i32
    %dma_wait3A_92 = tpu.memref_slice %arg4[%add3A_73, %dma_wait3A_91] : memref<16384x128xf32, #tpu.memory_space<hbm>> -> memref<128x128xf32, #tpu.memory_space<hbm>>
    %dma_wait3A_93 = arith.constant 0 : i32
    %dma_wait3A_94 = tpu.memref_slice %arg4[%add3A_73, %dma_wait3A_93] : memref<16384x128xf32, #tpu.memory_space<hbm>> -> memref<128x128xf32, #tpu.memory_space<hbm>>
    tpu.wait_dma2 semaphore(%arg10 : memref<!tpu.dma_semaphore, #tpu.memory_space<semaphore_mem>>) src(%arg6 : memref<128x128xf32, #tpu.memory_space<vmem>>) dst(%dma_wait3A_94 : memref<128x128xf32, #tpu.memory_space<hbm>>)
    %dma_wait3A_95 = arith.constant 0 : i32
    %dma_wait3A_96 = tpu.memref_slice %arg4[%add3A_86, %dma_wait3A_95] : memref<16384x128xf32, #tpu.memory_space<hbm>> -> memref<128x128xf32, #tpu.memory_space<hbm>>
    %dma_wait3A_97 = arith.constant 0 : i32
    %dma_wait3A_98 = tpu.memref_slice %arg4[%add3A_86, %dma_wait3A_97] : memref<16384x128xf32, #tpu.memory_space<hbm>> -> memref<128x128xf32, #tpu.memory_space<hbm>>
    tpu.wait_dma2 semaphore(%arg11 : memref<!tpu.dma_semaphore, #tpu.memory_space<semaphore_mem>>) src(%arg7 : memref<128x128xf32, #tpu.memory_space<vmem>>) dst(%dma_wait3A_98 : memref<128x128xf32, #tpu.memory_space<hbm>>)
    return
  }
}

module attributes {stable_mosaic.version = 14 : i64} {
  func.func @_mlp_body(%arg0: i32, %arg1: memref<2048x128xf32, #tpu.memory_space<vmem>>, %arg2: memref<2048x128xf32, #tpu.memory_space<vmem>>, %arg3: memref<2048x1xf32, #tpu.memory_space<vmem>>, %arg4: memref<2048x1xf32, #tpu.memory_space<vmem>>, %arg5: memref<64x128xf32, #tpu.memory_space<vmem>>, %arg6: memref<64x128xf32, #tpu.memory_space<vmem>>, %arg7: memref<1x128xf32, #tpu.memory_space<vmem>>, %arg8: memref<128x64xf32, #tpu.memory_space<vmem>>, %arg9: memref<1x64xf32, #tpu.memory_space<vmem>>, %arg10: memref<1x64xf32, #tpu.memory_space<vmem>>, %arg11: memref<1x1xf32, #tpu.memory_space<vmem>>, %arg12: memref<1x2048xf32, #tpu.memory_space<vmem>>) attributes {dimension_semantics = [#tpu.dimension_semantics<arbitrary>], iteration_bounds = array<i64: 8>, scalar_prefetch = 0 : i64, scratch_operands = 0 : i64, tpu.core_type = #tpu.core_type<tc>, window_params = [{transform_indices = @transform_0, window_bounds = array<i64: 2048, 128>}, {transform_indices = @transform_1, window_bounds = array<i64: 2048, 128>}, {transform_indices = @transform_2, window_bounds = array<i64: 2048, 1>}, {transform_indices = @transform_3, window_bounds = array<i64: 2048, 1>}, {pipeline_mode = #tpu.pipeline_mode<synchronous>, transform_indices = @transform_4, window_bounds = array<i64: 64, 128>}, {pipeline_mode = #tpu.pipeline_mode<synchronous>, transform_indices = @transform_5, window_bounds = array<i64: 64, 128>}, {pipeline_mode = #tpu.pipeline_mode<synchronous>, transform_indices = @transform_6, window_bounds = array<i64: 1, 128>}, {pipeline_mode = #tpu.pipeline_mode<synchronous>, transform_indices = @transform_7, window_bounds = array<i64: 128, 64>}, {pipeline_mode = #tpu.pipeline_mode<synchronous>, transform_indices = @transform_8, window_bounds = array<i64: 1, 64>}, {pipeline_mode = #tpu.pipeline_mode<synchronous>, transform_indices = @transform_9, window_bounds = array<i64: 1, 64>}, {pipeline_mode = #tpu.pipeline_mode<synchronous>, transform_indices = @transform_10, window_bounds = array<i64: 1, 1>}, {transform_indices = @transform_11, window_bounds = array<i64: 1, 2048>}]} {
    %get3A = arith.constant 0 : index
    %get3A_0 = arith.constant 0 : index
    %get3A_1 = vector.load %arg1[%get3A, %get3A_0] : memref<2048x128xf32, #tpu.memory_space<vmem>>, vector<2048x64xf32>
    %get3A_2 = arith.constant 0 : index
    %get3A_3 = arith.constant 0 : index
    %get3A_4 = vector.load %arg3[%get3A_2, %get3A_3] : memref<2048x1xf32, #tpu.memory_space<vmem>>, vector<2048x1xf32>
    %sub3A = arith.constant 1.000000e+00 : f32
    %sub3A_5 = vector.broadcast %sub3A : f32 to vector<2048x1xf32>
    %sub3A_6 = arith.subf %sub3A_5, %get3A_4 : vector<2048x1xf32>
    %mul3A = vector.broadcast %sub3A_6 : vector<2048x1xf32> to vector<2048x64xf32>
    %mul3A_7 = arith.mulf %get3A_1, %mul3A : vector<2048x64xf32>
    %get3A_8 = arith.constant 0 : index
    %get3A_9 = arith.constant 64 : index
    %get3A_10 = vector.load %arg1[%get3A_8, %get3A_9] : memref<2048x128xf32, #tpu.memory_space<vmem>>, vector<2048x64xf32>
    %get3A_11 = arith.constant 0 : index
    %get3A_12 = arith.constant 0 : index
    %get3A_13 = vector.load %arg3[%get3A_11, %get3A_12] : memref<2048x1xf32, #tpu.memory_space<vmem>>, vector<2048x1xf32>
    %mul3A_14 = vector.broadcast %get3A_13 : vector<2048x1xf32> to vector<2048x64xf32>
    %mul3A_15 = arith.mulf %get3A_10, %mul3A_14 : vector<2048x64xf32>
    %add3A = arith.addf %mul3A_7, %mul3A_15 : vector<2048x64xf32>
    %get3A_16 = arith.constant 0 : index
    %get3A_17 = arith.constant 0 : index
    %get3A_18 = vector.load %arg2[%get3A_16, %get3A_17] : memref<2048x128xf32, #tpu.memory_space<vmem>>, vector<2048x64xf32>
    %get3A_19 = arith.constant 0 : index
    %get3A_20 = arith.constant 0 : index
    %get3A_21 = vector.load %arg4[%get3A_19, %get3A_20] : memref<2048x1xf32, #tpu.memory_space<vmem>>, vector<2048x1xf32>
    %sub3A_22 = arith.constant 1.000000e+00 : f32
    %sub3A_23 = vector.broadcast %sub3A_22 : f32 to vector<2048x1xf32>
    %sub3A_24 = arith.subf %sub3A_23, %get3A_21 : vector<2048x1xf32>
    %mul3A_25 = vector.broadcast %sub3A_24 : vector<2048x1xf32> to vector<2048x64xf32>
    %mul3A_26 = arith.mulf %get3A_18, %mul3A_25 : vector<2048x64xf32>
    %get3A_27 = arith.constant 0 : index
    %get3A_28 = arith.constant 64 : index
    %get3A_29 = vector.load %arg2[%get3A_27, %get3A_28] : memref<2048x128xf32, #tpu.memory_space<vmem>>, vector<2048x64xf32>
    %get3A_30 = arith.constant 0 : index
    %get3A_31 = arith.constant 0 : index
    %get3A_32 = vector.load %arg4[%get3A_30, %get3A_31] : memref<2048x1xf32, #tpu.memory_space<vmem>>, vector<2048x1xf32>
    %mul3A_33 = vector.broadcast %get3A_32 : vector<2048x1xf32> to vector<2048x64xf32>
    %mul3A_34 = arith.mulf %get3A_29, %mul3A_33 : vector<2048x64xf32>
    %add3A_35 = arith.addf %mul3A_26, %mul3A_34 : vector<2048x64xf32>
    %get3A_36 = arith.constant 0 : index
    %get3A_37 = arith.constant 0 : index
    %get3A_38 = vector.load %arg5[%get3A_36, %get3A_37] : memref<64x128xf32, #tpu.memory_space<vmem>>, vector<64x128xf32>
    %dot_general3A = arith.constant dense<0.000000e+00> : vector<2048x128xf32>
    %dot_general3A_39 = tpu.matmul %add3A, %get3A_38, %dot_general3A {dimension_numbers = #tpu.dot_dimension_numbers<[1], [0], [0], [1], [0, 0, 1, 1], [], []>, transpose_lhs_hint = false} : vector<2048x64xf32>, vector<64x128xf32>, vector<2048x128xf32> -> vector<2048x128xf32>
    %get3A_40 = arith.constant 0 : index
    %get3A_41 = arith.constant 0 : index
    %get3A_42 = vector.load %arg6[%get3A_40, %get3A_41] : memref<64x128xf32, #tpu.memory_space<vmem>>, vector<64x128xf32>
    %dot_general3A_43 = arith.constant dense<0.000000e+00> : vector<2048x128xf32>
    %dot_general3A_44 = tpu.matmul %add3A_35, %get3A_42, %dot_general3A_43 {dimension_numbers = #tpu.dot_dimension_numbers<[1], [0], [0], [1], [0, 0, 1, 1], [], []>, transpose_lhs_hint = false} : vector<2048x64xf32>, vector<64x128xf32>, vector<2048x128xf32> -> vector<2048x128xf32>
    %add3A_45 = arith.addf %dot_general3A_39, %dot_general3A_44 : vector<2048x128xf32>
    %get3A_46 = arith.constant 0 : index
    %get3A_47 = arith.constant 0 : index
    %get3A_48 = vector.load %arg7[%get3A_46, %get3A_47] : memref<1x128xf32, #tpu.memory_space<vmem>>, vector<1x128xf32>
    %add3A_49 = vector.broadcast %get3A_48 : vector<1x128xf32> to vector<2048x128xf32>
    %add3A_50 = arith.addf %add3A_45, %add3A_49 : vector<2048x128xf32>
    %max3A = arith.constant 0.000000e+00 : f32
    %max3A_51 = vector.broadcast %max3A : f32 to vector<2048x128xf32>
    %max3A_52 = arith.maximumf %add3A_50, %max3A_51 : vector<2048x128xf32>
    %get3A_53 = arith.constant 0 : index
    %get3A_54 = arith.constant 0 : index
    %get3A_55 = vector.load %arg8[%get3A_53, %get3A_54] : memref<128x64xf32, #tpu.memory_space<vmem>>, vector<128x64xf32>
    %dot_general3A_56 = arith.constant dense<0.000000e+00> : vector<2048x64xf32>
    %dot_general3A_57 = tpu.matmul %max3A_52, %get3A_55, %dot_general3A_56 {dimension_numbers = #tpu.dot_dimension_numbers<[1], [0], [0], [1], [0, 0, 1, 1], [], []>, transpose_lhs_hint = false} : vector<2048x128xf32>, vector<128x64xf32>, vector<2048x64xf32> -> vector<2048x64xf32>
    %get3A_58 = arith.constant 0 : index
    %get3A_59 = arith.constant 0 : index
    %get3A_60 = vector.load %arg9[%get3A_58, %get3A_59] : memref<1x64xf32, #tpu.memory_space<vmem>>, vector<1x64xf32>
    %add3A_61 = vector.broadcast %get3A_60 : vector<1x64xf32> to vector<2048x64xf32>
    %add3A_62 = arith.addf %dot_general3A_57, %add3A_61 : vector<2048x64xf32>
    %max3A_63 = arith.constant 0.000000e+00 : f32
    %max3A_64 = vector.broadcast %max3A_63 : f32 to vector<2048x64xf32>
    %max3A_65 = arith.maximumf %add3A_62, %max3A_64 : vector<2048x64xf32>
    %get3A_66 = arith.constant 0 : index
    %get3A_67 = arith.constant 0 : index
    %get3A_68 = vector.load %arg10[%get3A_66, %get3A_67] : memref<1x64xf32, #tpu.memory_space<vmem>>, vector<1x64xf32>
    %dot_general3A_69 = arith.constant dense<0.000000e+00> : vector<1x2048xf32>
    %dot_general3A_70 = tpu.matmul %get3A_68, %max3A_65, %dot_general3A_69 {dimension_numbers = #tpu.dot_dimension_numbers<[1], [1], [0], [0], [0, 0, 1, 0], [], []>, transpose_lhs_hint = false} : vector<1x64xf32>, vector<2048x64xf32>, vector<1x2048xf32> -> vector<1x2048xf32>
    %get3A_71 = arith.constant 0 : index
    %get3A_72 = arith.constant 0 : index
    %get3A_73 = vector.load %arg11[%get3A_71, %get3A_72] : memref<1x1xf32, #tpu.memory_space<vmem>>, vector<1x1xf32>
    %add3A_74 = vector.broadcast %get3A_73 : vector<1x1xf32> to vector<1x2048xf32>
    %add3A_75 = arith.addf %dot_general3A_70, %add3A_74 : vector<1x2048xf32>
    %logistic3A = arith.negf %add3A_75 : vector<1x2048xf32>
    %logistic3A_76 = math.exp %logistic3A : vector<1x2048xf32>
    %logistic3A_77 = arith.constant 1.000000e+00 : f32
    %logistic3A_78 = vector.broadcast %logistic3A_77 : f32 to vector<1x2048xf32>
    %logistic3A_79 = arith.addf %logistic3A_78, %logistic3A_76 : vector<1x2048xf32>
    %logistic3A_80 = arith.divf %logistic3A_78, %logistic3A_79 : vector<1x2048xf32>
    %swap3A = arith.constant 0 : index
    %swap3A_81 = arith.constant 0 : index
    %swap3A_82 = vector.load %arg12[%swap3A, %swap3A_81] : memref<1x2048xf32, #tpu.memory_space<vmem>>, vector<1x2048xf32>
    tpu.vector_store %arg12[%swap3A, %swap3A_81], %logistic3A_80 {strides = array<i32>} : memref<1x2048xf32, #tpu.memory_space<vmem>>, vector<1x2048xf32>,
    return
  }
  func.func @transform_0(%arg0: i32) -> (i32, i32) {
    %c0_i32 = arith.constant 0 : i32
    %c0_i32_0 = arith.constant 0 : i32
    return %arg0, %c0_i32 : i32, i32
  }
  func.func @transform_1(%arg0: i32) -> (i32, i32) {
    %c0_i32 = arith.constant 0 : i32
    %c0_i32_0 = arith.constant 0 : i32
    return %arg0, %c0_i32 : i32, i32
  }
  func.func @transform_2(%arg0: i32) -> (i32, i32) {
    %c0_i32 = arith.constant 0 : i32
    %c0_i32_0 = arith.constant 0 : i32
    return %arg0, %c0_i32 : i32, i32
  }
  func.func @transform_3(%arg0: i32) -> (i32, i32) {
    %c0_i32 = arith.constant 0 : i32
    %c0_i32_0 = arith.constant 0 : i32
    return %arg0, %c0_i32 : i32, i32
  }
  func.func @transform_4(%arg0: i32) -> (i32, i32) {
    %c0_i32 = arith.constant 0 : i32
    %c0_i32_0 = arith.constant 0 : i32
    %c0_i32_1 = arith.constant 0 : i32
    return %c0_i32, %c0_i32_0 : i32, i32
  }
  func.func @transform_5(%arg0: i32) -> (i32, i32) {
    %c0_i32 = arith.constant 0 : i32
    %c0_i32_0 = arith.constant 0 : i32
    %c0_i32_1 = arith.constant 0 : i32
    return %c0_i32, %c0_i32_0 : i32, i32
  }
  func.func @transform_6(%arg0: i32) -> (i32, i32) {
    %c0_i32 = arith.constant 0 : i32
    %c0_i32_0 = arith.constant 0 : i32
    %c0_i32_1 = arith.constant 0 : i32
    return %c0_i32, %c0_i32_0 : i32, i32
  }
  func.func @transform_7(%arg0: i32) -> (i32, i32) {
    %c0_i32 = arith.constant 0 : i32
    %c0_i32_0 = arith.constant 0 : i32
    %c0_i32_1 = arith.constant 0 : i32
    return %c0_i32, %c0_i32_0 : i32, i32
  }
  func.func @transform_8(%arg0: i32) -> (i32, i32) {
    %c0_i32 = arith.constant 0 : i32
    %c0_i32_0 = arith.constant 0 : i32
    %c0_i32_1 = arith.constant 0 : i32
    return %c0_i32, %c0_i32_0 : i32, i32
  }
  func.func @transform_9(%arg0: i32) -> (i32, i32) {
    %c0_i32 = arith.constant 0 : i32
    %c0_i32_0 = arith.constant 0 : i32
    %c0_i32_1 = arith.constant 0 : i32
    return %c0_i32, %c0_i32_0 : i32, i32
  }
  func.func @transform_10(%arg0: i32) -> (i32, i32) {
    %c0_i32 = arith.constant 0 : i32
    %c0_i32_0 = arith.constant 0 : i32
    %c0_i32_1 = arith.constant 0 : i32
    return %c0_i32, %c0_i32_0 : i32, i32
  }
  func.func @transform_11(%arg0: i32) -> (i32, i32) {
    %c0_i32 = arith.constant 0 : i32
    %c0_i32_0 = arith.constant 0 : i32
    return %c0_i32, %arg0 : i32, i32
  }
}

module attributes {stable_mosaic.version = 14 : i64} {
  func.func @_repack_body(%arg0: i32, %arg1: memref<64x32768xf32, #tpu.memory_space<vmem>>, %arg2: memref<16384x128xf32, #tpu.memory_space<vmem>>) attributes {dimension_semantics = [#tpu.dimension_semantics<arbitrary>], iteration_bounds = array<i64: 31>, scalar_prefetch = 0 : i64, scratch_operands = 0 : i64, tpu.core_type = #tpu.core_type<tc>, window_params = [{transform_indices = @transform_0, window_bounds = array<i64: 64, 32768>}, {transform_indices = @transform_1, window_bounds = array<i64: 16384, 128>}]} {
    %get3A = arith.constant 0 : index
    %get3A_0 = arith.constant 0 : index
    %get3A_1 = vector.load %arg1[%get3A, %get3A_0] : memref<64x32768xf32, #tpu.memory_space<vmem>>, vector<64x128xf32>
    %get3A_2 = arith.constant 0 : index
    %get3A_3 = arith.constant 128 : index
    %get3A_4 = vector.load %arg1[%get3A_2, %get3A_3] : memref<64x32768xf32, #tpu.memory_space<vmem>>, vector<64x128xf32>
    %concatenate3A = tpu.concatenate %get3A_1, %get3A_4 in 0 : vector<64x128xf32>, vector<64x128xf32> -> vector<128x128xf32>
    %transpose3A = tpu.transpose %concatenate3A, [1, 0] : vector<128x128xf32> -> vector<128x128xf32>
    %swap3A = arith.constant 0 : index
    %swap3A_5 = arith.constant 0 : index
    %swap3A_6 = vector.load %arg2[%swap3A, %swap3A_5] : memref<16384x128xf32, #tpu.memory_space<vmem>>, vector<128x128xf32>
    tpu.vector_store %arg2[%swap3A, %swap3A_5], %transpose3A {strides = array<i32>} : memref<16384x128xf32, #tpu.memory_space<vmem>>, vector<128x128xf32>,
    %get3A_7 = arith.constant 0 : index
    %get3A_8 = arith.constant 256 : index
    %get3A_9 = vector.load %arg1[%get3A_7, %get3A_8] : memref<64x32768xf32, #tpu.memory_space<vmem>>, vector<64x128xf32>
    %get3A_10 = arith.constant 0 : index
    %get3A_11 = arith.constant 384 : index
    %get3A_12 = vector.load %arg1[%get3A_10, %get3A_11] : memref<64x32768xf32, #tpu.memory_space<vmem>>, vector<64x128xf32>
    %concatenate3A_13 = tpu.concatenate %get3A_9, %get3A_12 in 0 : vector<64x128xf32>, vector<64x128xf32> -> vector<128x128xf32>
    %transpose3A_14 = tpu.transpose %concatenate3A_13, [1, 0] : vector<128x128xf32> -> vector<128x128xf32>
    %swap3A_15 = arith.constant 128 : index
    %swap3A_16 = arith.constant 0 : index
    %swap3A_17 = vector.load %arg2[%swap3A_15, %swap3A_16] : memref<16384x128xf32, #tpu.memory_space<vmem>>, vector<128x128xf32>
    tpu.vector_store %arg2[%swap3A_15, %swap3A_16], %transpose3A_14 {strides = array<i32>} : memref<16384x128xf32, #tpu.memory_space<vmem>>, vector<128x128xf32>,
    %get3A_18 = arith.constant 0 : index
    %get3A_19 = arith.constant 512 : index
    %get3A_20 = vector.load %arg1[%get3A_18, %get3A_19] : memref<64x32768xf32, #tpu.memory_space<vmem>>, vector<64x128xf32>
    %get3A_21 = arith.constant 0 : index
    %get3A_22 = arith.constant 640 : index
    %get3A_23 = vector.load %arg1[%get3A_21, %get3A_22] : memref<64x32768xf32, #tpu.memory_space<vmem>>, vector<64x128xf32>
    %concatenate3A_24 = tpu.concatenate %get3A_20, %get3A_23 in 0 : vector<64x128xf32>, vector<64x128xf32> -> vector<128x128xf32>
    %transpose3A_25 = tpu.transpose %concatenate3A_24, [1, 0] : vector<128x128xf32> -> vector<128x128xf32>
    %swap3A_26 = arith.constant 256 : index
    %swap3A_27 = arith.constant 0 : index
    %swap3A_28 = vector.load %arg2[%swap3A_26, %swap3A_27] : memref<16384x128xf32, #tpu.memory_space<vmem>>, vector<128x128xf32>
    tpu.vector_store %arg2[%swap3A_26, %swap3A_27], %transpose3A_25 {strides = array<i32>} : memref<16384x128xf32, #tpu.memory_space<vmem>>, vector<128x128xf32>,
    %get3A_29 = arith.constant 0 : index
    %get3A_30 = arith.constant 768 : index
    %get3A_31 = vector.load %arg1[%get3A_29, %get3A_30] : memref<64x32768xf32, #tpu.memory_space<vmem>>, vector<64x128xf32>
    %get3A_32 = arith.constant 0 : index
    %get3A_33 = arith.constant 896 : index
    %get3A_34 = vector.load %arg1[%get3A_32, %get3A_33] : memref<64x32768xf32, #tpu.memory_space<vmem>>, vector<64x128xf32>
    %concatenate3A_35 = tpu.concatenate %get3A_31, %get3A_34 in 0 : vector<64x128xf32>, vector<64x128xf32> -> vector<128x128xf32>
    %transpose3A_36 = tpu.transpose %concatenate3A_35, [1, 0] : vector<128x128xf32> -> vector<128x128xf32>
    %swap3A_37 = arith.constant 384 : index
    %swap3A_38 = arith.constant 0 : index
    %swap3A_39 = vector.load %arg2[%swap3A_37, %swap3A_38] : memref<16384x128xf32, #tpu.memory_space<vmem>>, vector<128x128xf32>
    tpu.vector_store %arg2[%swap3A_37, %swap3A_38], %transpose3A_36 {strides = array<i32>} : memref<16384x128xf32, #tpu.memory_space<vmem>>, vector<128x128xf32>,
    %get3A_40 = arith.constant 0 : index
    %get3A_41 = arith.constant 1024 : index
    %get3A_42 = vector.load %arg1[%get3A_40, %get3A_41] : memref<64x32768xf32, #tpu.memory_space<vmem>>, vector<64x128xf32>
    %get3A_43 = arith.constant 0 : index
    %get3A_44 = arith.constant 1152 : index
    %get3A_45 = vector.load %arg1[%get3A_43, %get3A_44] : memref<64x32768xf32, #tpu.memory_space<vmem>>, vector<64x128xf32>
    %concatenate3A_46 = tpu.concatenate %get3A_42, %get3A_45 in 0 : vector<64x128xf32>, vector<64x128xf32> -> vector<128x128xf32>
    %transpose3A_47 = tpu.transpose %concatenate3A_46, [1, 0] : vector<128x128xf32> -> vector<128x128xf32>
    %swap3A_48 = arith.constant 512 : index
    %swap3A_49 = arith.constant 0 : index
    %swap3A_50 = vector.load %arg2[%swap3A_48, %swap3A_49] : memref<16384x128xf32, #tpu.memory_space<vmem>>, vector<128x128xf32>
    tpu.vector_store %arg2[%swap3A_48, %swap3A_49], %transpose3A_47 {strides = array<i32>} : memref<16384x128xf32, #tpu.memory_space<vmem>>, vector<128x128xf32>,
    %get3A_51 = arith.constant 0 : index
    %get3A_52 = arith.constant 1280 : index
    %get3A_53 = vector.load %arg1[%get3A_51, %get3A_52] : memref<64x32768xf32, #tpu.memory_space<vmem>>, vector<64x128xf32>
    %get3A_54 = arith.constant 0 : index
    %get3A_55 = arith.constant 1408 : index
    %get3A_56 = vector.load %arg1[%get3A_54, %get3A_55] : memref<64x32768xf32, #tpu.memory_space<vmem>>, vector<64x128xf32>
    %concatenate3A_57 = tpu.concatenate %get3A_53, %get3A_56 in 0 : vector<64x128xf32>, vector<64x128xf32> -> vector<128x128xf32>
    %transpose3A_58 = tpu.transpose %concatenate3A_57, [1, 0] : vector<128x128xf32> -> vector<128x128xf32>
    %swap3A_59 = arith.constant 640 : index
    %swap3A_60 = arith.constant 0 : index
    %swap3A_61 = vector.load %arg2[%swap3A_59, %swap3A_60] : memref<16384x128xf32, #tpu.memory_space<vmem>>, vector<128x128xf32>
    tpu.vector_store %arg2[%swap3A_59, %swap3A_60], %transpose3A_58 {strides = array<i32>} : memref<16384x128xf32, #tpu.memory_space<vmem>>, vector<128x128xf32>,
    %get3A_62 = arith.constant 0 : index
    %get3A_63 = arith.constant 1536 : index
    %get3A_64 = vector.load %arg1[%get3A_62, %get3A_63] : memref<64x32768xf32, #tpu.memory_space<vmem>>, vector<64x128xf32>
    %get3A_65 = arith.constant 0 : index
    %get3A_66 = arith.constant 1664 : index
    %get3A_67 = vector.load %arg1[%get3A_65, %get3A_66] : memref<64x32768xf32, #tpu.memory_space<vmem>>, vector<64x128xf32>
    %concatenate3A_68 = tpu.concatenate %get3A_64, %get3A_67 in 0 : vector<64x128xf32>, vector<64x128xf32> -> vector<128x128xf32>
    %transpose3A_69 = tpu.transpose %concatenate3A_68, [1, 0] : vector<128x128xf32> -> vector<128x128xf32>
    %swap3A_70 = arith.constant 768 : index
    %swap3A_71 = arith.constant 0 : index
    %swap3A_72 = vector.load %arg2[%swap3A_70, %swap3A_71] : memref<16384x128xf32, #tpu.memory_space<vmem>>, vector<128x128xf32>
    tpu.vector_store %arg2[%swap3A_70, %swap3A_71], %transpose3A_69 {strides = array<i32>} : memref<16384x128xf32, #tpu.memory_space<vmem>>, vector<128x128xf32>,
    %get3A_73 = arith.constant 0 : index
    %get3A_74 = arith.constant 1792 : index
    %get3A_75 = vector.load %arg1[%get3A_73, %get3A_74] : memref<64x32768xf32, #tpu.memory_space<vmem>>, vector<64x128xf32>
    %get3A_76 = arith.constant 0 : index
    %get3A_77 = arith.constant 1920 : index
    %get3A_78 = vector.load %arg1[%get3A_76, %get3A_77] : memref<64x32768xf32, #tpu.memory_space<vmem>>, vector<64x128xf32>
    %concatenate3A_79 = tpu.concatenate %get3A_75, %get3A_78 in 0 : vector<64x128xf32>, vector<64x128xf32> -> vector<128x128xf32>
    %transpose3A_80 = tpu.transpose %concatenate3A_79, [1, 0] : vector<128x128xf32> -> vector<128x128xf32>
    %swap3A_81 = arith.constant 896 : index
    %swap3A_82 = arith.constant 0 : index
    %swap3A_83 = vector.load %arg2[%swap3A_81, %swap3A_82] : memref<16384x128xf32, #tpu.memory_space<vmem>>, vector<128x128xf32>
    tpu.vector_store %arg2[%swap3A_81, %swap3A_82], %transpose3A_80 {strides = array<i32>} : memref<16384x128xf32, #tpu.memory_space<vmem>>, vector<128x128xf32>,
    %get3A_84 = arith.constant 0 : index
    %get3A_85 = arith.constant 2048 : index
    %get3A_86 = vector.load %arg1[%get3A_84, %get3A_85] : memref<64x32768xf32, #tpu.memory_space<vmem>>, vector<64x128xf32>
    %get3A_87 = arith.constant 0 : index
    %get3A_88 = arith.constant 2176 : index
    %get3A_89 = vector.load %arg1[%get3A_87, %get3A_88] : memref<64x32768xf32, #tpu.memory_space<vmem>>, vector<64x128xf32>
    %concatenate3A_90 = tpu.concatenate %get3A_86, %get3A_89 in 0 : vector<64x128xf32>, vector<64x128xf32> -> vector<128x128xf32>
    %transpose3A_91 = tpu.transpose %concatenate3A_90, [1, 0] : vector<128x128xf32> -> vector<128x128xf32>
    %swap3A_92 = arith.constant 1024 : index
    %swap3A_93 = arith.constant 0 : index
    %swap3A_94 = vector.load %arg2[%swap3A_92, %swap3A_93] : memref<16384x128xf32, #tpu.memory_space<vmem>>, vector<128x128xf32>
    tpu.vector_store %arg2[%swap3A_92, %swap3A_93], %transpose3A_91 {strides = array<i32>} : memref<16384x128xf32, #tpu.memory_space<vmem>>, vector<128x128xf32>,
    %get3A_95 = arith.constant 0 : index
    %get3A_96 = arith.constant 2304 : index
    %get3A_97 = vector.load %arg1[%get3A_95, %get3A_96] : memref<64x32768xf32, #tpu.memory_space<vmem>>, vector<64x128xf32>
    %get3A_98 = arith.constant 0 : index
    %get3A_99 = arith.constant 2432 : index
    %get3A_100 = vector.load %arg1[%get3A_98, %get3A_99] : memref<64x32768xf32, #tpu.memory_space<vmem>>, vector<64x128xf32>
    %concatenate3A_101 = tpu.concatenate %get3A_97, %get3A_100 in 0 : vector<64x128xf32>, vector<64x128xf32> -> vector<128x128xf32>
    %transpose3A_102 = tpu.transpose %concatenate3A_101, [1, 0] : vector<128x128xf32> -> vector<128x128xf32>
    %swap3A_103 = arith.constant 1152 : index
    %swap3A_104 = arith.constant 0 : index
    %swap3A_105 = vector.load %arg2[%swap3A_103, %swap3A_104] : memref<16384x128xf32, #tpu.memory_space<vmem>>, vector<128x128xf32>
    tpu.vector_store %arg2[%swap3A_103, %swap3A_104], %transpose3A_102 {strides = array<i32>} : memref<16384x128xf32, #tpu.memory_space<vmem>>, vector<128x128xf32>,
    %get3A_106 = arith.constant 0 : index
    %get3A_107 = arith.constant 2560 : index
    %get3A_108 = vector.load %arg1[%get3A_106, %get3A_107] : memref<64x32768xf32, #tpu.memory_space<vmem>>, vector<64x128xf32>
    %get3A_109 = arith.constant 0 : index
    %get3A_110 = arith.constant 2688 : index
    %get3A_111 = vector.load %arg1[%get3A_109, %get3A_110] : memref<64x32768xf32, #tpu.memory_space<vmem>>, vector<64x128xf32>
    %concatenate3A_112 = tpu.concatenate %get3A_108, %get3A_111 in 0 : vector<64x128xf32>, vector<64x128xf32> -> vector<128x128xf32>
    %transpose3A_113 = tpu.transpose %concatenate3A_112, [1, 0] : vector<128x128xf32> -> vector<128x128xf32>
    %swap3A_114 = arith.constant 1280 : index
    %swap3A_115 = arith.constant 0 : index
    %swap3A_116 = vector.load %arg2[%swap3A_114, %swap3A_115] : memref<16384x128xf32, #tpu.memory_space<vmem>>, vector<128x128xf32>
    tpu.vector_store %arg2[%swap3A_114, %swap3A_115], %transpose3A_113 {strides = array<i32>} : memref<16384x128xf32, #tpu.memory_space<vmem>>, vector<128x128xf32>,
    %get3A_117 = arith.constant 0 : index
    %get3A_118 = arith.constant 2816 : index
    %get3A_119 = vector.load %arg1[%get3A_117, %get3A_118] : memref<64x32768xf32, #tpu.memory_space<vmem>>, vector<64x128xf32>
    %get3A_120 = arith.constant 0 : index
    %get3A_121 = arith.constant 2944 : index
    %get3A_122 = vector.load %arg1[%get3A_120, %get3A_121] : memref<64x32768xf32, #tpu.memory_space<vmem>>, vector<64x128xf32>
    %concatenate3A_123 = tpu.concatenate %get3A_119, %get3A_122 in 0 : vector<64x128xf32>, vector<64x128xf32> -> vector<128x128xf32>
    %transpose3A_124 = tpu.transpose %concatenate3A_123, [1, 0] : vector<128x128xf32> -> vector<128x128xf32>
    %swap3A_125 = arith.constant 1408 : index
    %swap3A_126 = arith.constant 0 : index
    %swap3A_127 = vector.load %arg2[%swap3A_125, %swap3A_126] : memref<16384x128xf32, #tpu.memory_space<vmem>>, vector<128x128xf32>
    tpu.vector_store %arg2[%swap3A_125, %swap3A_126], %transpose3A_124 {strides = array<i32>} : memref<16384x128xf32, #tpu.memory_space<vmem>>, vector<128x128xf32>,
    %get3A_128 = arith.constant 0 : index
    %get3A_129 = arith.constant 3072 : index
    %get3A_130 = vector.load %arg1[%get3A_128, %get3A_129] : memref<64x32768xf32, #tpu.memory_space<vmem>>, vector<64x128xf32>
    %get3A_131 = arith.constant 0 : index
    %get3A_132 = arith.constant 3200 : index
    %get3A_133 = vector.load %arg1[%get3A_131, %get3A_132] : memref<64x32768xf32, #tpu.memory_space<vmem>>, vector<64x128xf32>
    %concatenate3A_134 = tpu.concatenate %get3A_130, %get3A_133 in 0 : vector<64x128xf32>, vector<64x128xf32> -> vector<128x128xf32>
    %transpose3A_135 = tpu.transpose %concatenate3A_134, [1, 0] : vector<128x128xf32> -> vector<128x128xf32>
    %swap3A_136 = arith.constant 1536 : index
    %swap3A_137 = arith.constant 0 : index
    %swap3A_138 = vector.load %arg2[%swap3A_136, %swap3A_137] : memref<16384x128xf32, #tpu.memory_space<vmem>>, vector<128x128xf32>
    tpu.vector_store %arg2[%swap3A_136, %swap3A_137], %transpose3A_135 {strides = array<i32>} : memref<16384x128xf32, #tpu.memory_space<vmem>>, vector<128x128xf32>,
    %get3A_139 = arith.constant 0 : index
    %get3A_140 = arith.constant 3328 : index
    %get3A_141 = vector.load %arg1[%get3A_139, %get3A_140] : memref<64x32768xf32, #tpu.memory_space<vmem>>, vector<64x128xf32>
    %get3A_142 = arith.constant 0 : index
    %get3A_143 = arith.constant 3456 : index
    %get3A_144 = vector.load %arg1[%get3A_142, %get3A_143] : memref<64x32768xf32, #tpu.memory_space<vmem>>, vector<64x128xf32>
    %concatenate3A_145 = tpu.concatenate %get3A_141, %get3A_144 in 0 : vector<64x128xf32>, vector<64x128xf32> -> vector<128x128xf32>
    %transpose3A_146 = tpu.transpose %concatenate3A_145, [1, 0] : vector<128x128xf32> -> vector<128x128xf32>
    %swap3A_147 = arith.constant 1664 : index
    %swap3A_148 = arith.constant 0 : index
    %swap3A_149 = vector.load %arg2[%swap3A_147, %swap3A_148] : memref<16384x128xf32, #tpu.memory_space<vmem>>, vector<128x128xf32>
    tpu.vector_store %arg2[%swap3A_147, %swap3A_148], %transpose3A_146 {strides = array<i32>} : memref<16384x128xf32, #tpu.memory_space<vmem>>, vector<128x128xf32>,
    %get3A_150 = arith.constant 0 : index
    %get3A_151 = arith.constant 3584 : index
    %get3A_152 = vector.load %arg1[%get3A_150, %get3A_151] : memref<64x32768xf32, #tpu.memory_space<vmem>>, vector<64x128xf32>
    %get3A_153 = arith.constant 0 : index
    %get3A_154 = arith.constant 3712 : index
    %get3A_155 = vector.load %arg1[%get3A_153, %get3A_154] : memref<64x32768xf32, #tpu.memory_space<vmem>>, vector<64x128xf32>
    %concatenate3A_156 = tpu.concatenate %get3A_152, %get3A_155 in 0 : vector<64x128xf32>, vector<64x128xf32> -> vector<128x128xf32>
    %transpose3A_157 = tpu.transpose %concatenate3A_156, [1, 0] : vector<128x128xf32> -> vector<128x128xf32>
    %swap3A_158 = arith.constant 1792 : index
    %swap3A_159 = arith.constant 0 : index
    %swap3A_160 = vector.load %arg2[%swap3A_158, %swap3A_159] : memref<16384x128xf32, #tpu.memory_space<vmem>>, vector<128x128xf32>
    tpu.vector_store %arg2[%swap3A_158, %swap3A_159], %transpose3A_157 {strides = array<i32>} : memref<16384x128xf32, #tpu.memory_space<vmem>>, vector<128x128xf32>,
    %get3A_161 = arith.constant 0 : index
    %get3A_162 = arith.constant 3840 : index
    %get3A_163 = vector.load %arg1[%get3A_161, %get3A_162] : memref<64x32768xf32, #tpu.memory_space<vmem>>, vector<64x128xf32>
    %get3A_164 = arith.constant 0 : index
    %get3A_165 = arith.constant 3968 : index
    %get3A_166 = vector.load %arg1[%get3A_164, %get3A_165] : memref<64x32768xf32, #tpu.memory_space<vmem>>, vector<64x128xf32>
    %concatenate3A_167 = tpu.concatenate %get3A_163, %get3A_166 in 0 : vector<64x128xf32>, vector<64x128xf32> -> vector<128x128xf32>
    %transpose3A_168 = tpu.transpose %concatenate3A_167, [1, 0] : vector<128x128xf32> -> vector<128x128xf32>
    %swap3A_169 = arith.constant 1920 : index
    %swap3A_170 = arith.constant 0 : index
    %swap3A_171 = vector.load %arg2[%swap3A_169, %swap3A_170] : memref<16384x128xf32, #tpu.memory_space<vmem>>, vector<128x128xf32>
    tpu.vector_store %arg2[%swap3A_169, %swap3A_170], %transpose3A_168 {strides = array<i32>} : memref<16384x128xf32, #tpu.memory_space<vmem>>, vector<128x128xf32>,
    %get3A_172 = arith.constant 0 : index
    %get3A_173 = arith.constant 4096 : index
    %get3A_174 = vector.load %arg1[%get3A_172, %get3A_173] : memref<64x32768xf32, #tpu.memory_space<vmem>>, vector<64x128xf32>
    %get3A_175 = arith.constant 0 : index
    %get3A_176 = arith.constant 4224 : index
    %get3A_177 = vector.load %arg1[%get3A_175, %get3A_176] : memref<64x32768xf32, #tpu.memory_space<vmem>>, vector<64x128xf32>
    %concatenate3A_178 = tpu.concatenate %get3A_174, %get3A_177 in 0 : vector<64x128xf32>, vector<64x128xf32> -> vector<128x128xf32>
    %transpose3A_179 = tpu.transpose %concatenate3A_178, [1, 0] : vector<128x128xf32> -> vector<128x128xf32>
    %swap3A_180 = arith.constant 2048 : index
    %swap3A_181 = arith.constant 0 : index
    %swap3A_182 = vector.load %arg2[%swap3A_180, %swap3A_181] : memref<16384x128xf32, #tpu.memory_space<vmem>>, vector<128x128xf32>
    tpu.vector_store %arg2[%swap3A_180, %swap3A_181], %transpose3A_179 {strides = array<i32>} : memref<16384x128xf32, #tpu.memory_space<vmem>>, vector<128x128xf32>,
    %get3A_183 = arith.constant 0 : index
    %get3A_184 = arith.constant 4352 : index
    %get3A_185 = vector.load %arg1[%get3A_183, %get3A_184] : memref<64x32768xf32, #tpu.memory_space<vmem>>, vector<64x128xf32>
    %get3A_186 = arith.constant 0 : index
    %get3A_187 = arith.constant 4480 : index
    %get3A_188 = vector.load %arg1[%get3A_186, %get3A_187] : memref<64x32768xf32, #tpu.memory_space<vmem>>, vector<64x128xf32>
    %concatenate3A_189 = tpu.concatenate %get3A_185, %get3A_188 in 0 : vector<64x128xf32>, vector<64x128xf32> -> vector<128x128xf32>
    %transpose3A_190 = tpu.transpose %concatenate3A_189, [1, 0] : vector<128x128xf32> -> vector<128x128xf32>
    %swap3A_191 = arith.constant 2176 : index
    %swap3A_192 = arith.constant 0 : index
    %swap3A_193 = vector.load %arg2[%swap3A_191, %swap3A_192] : memref<16384x128xf32, #tpu.memory_space<vmem>>, vector<128x128xf32>
    tpu.vector_store %arg2[%swap3A_191, %swap3A_192], %transpose3A_190 {strides = array<i32>} : memref<16384x128xf32, #tpu.memory_space<vmem>>, vector<128x128xf32>,
    %get3A_194 = arith.constant 0 : index
    %get3A_195 = arith.constant 4608 : index
    %get3A_196 = vector.load %arg1[%get3A_194, %get3A_195] : memref<64x32768xf32, #tpu.memory_space<vmem>>, vector<64x128xf32>
    %get3A_197 = arith.constant 0 : index
    %get3A_198 = arith.constant 4736 : index
    %get3A_199 = vector.load %arg1[%get3A_197, %get3A_198] : memref<64x32768xf32, #tpu.memory_space<vmem>>, vector<64x128xf32>
    %concatenate3A_200 = tpu.concatenate %get3A_196, %get3A_199 in 0 : vector<64x128xf32>, vector<64x128xf32> -> vector<128x128xf32>
    %transpose3A_201 = tpu.transpose %concatenate3A_200, [1, 0] : vector<128x128xf32> -> vector<128x128xf32>
    %swap3A_202 = arith.constant 2304 : index
    %swap3A_203 = arith.constant 0 : index
    %swap3A_204 = vector.load %arg2[%swap3A_202, %swap3A_203] : memref<16384x128xf32, #tpu.memory_space<vmem>>, vector<128x128xf32>
    tpu.vector_store %arg2[%swap3A_202, %swap3A_203], %transpose3A_201 {strides = array<i32>} : memref<16384x128xf32, #tpu.memory_space<vmem>>, vector<128x128xf32>,
    %get3A_205 = arith.constant 0 : index
    %get3A_206 = arith.constant 4864 : index
    %get3A_207 = vector.load %arg1[%get3A_205, %get3A_206] : memref<64x32768xf32, #tpu.memory_space<vmem>>, vector<64x128xf32>
    %get3A_208 = arith.constant 0 : index
    %get3A_209 = arith.constant 4992 : index
    %get3A_210 = vector.load %arg1[%get3A_208, %get3A_209] : memref<64x32768xf32, #tpu.memory_space<vmem>>, vector<64x128xf32>
    %concatenate3A_211 = tpu.concatenate %get3A_207, %get3A_210 in 0 : vector<64x128xf32>, vector<64x128xf32> -> vector<128x128xf32>
    %transpose3A_212 = tpu.transpose %concatenate3A_211, [1, 0] : vector<128x128xf32> -> vector<128x128xf32>
    %swap3A_213 = arith.constant 2432 : index
    %swap3A_214 = arith.constant 0 : index
    %swap3A_215 = vector.load %arg2[%swap3A_213, %swap3A_214] : memref<16384x128xf32, #tpu.memory_space<vmem>>, vector<128x128xf32>
    tpu.vector_store %arg2[%swap3A_213, %swap3A_214], %transpose3A_212 {strides = array<i32>} : memref<16384x128xf32, #tpu.memory_space<vmem>>, vector<128x128xf32>,
    %get3A_216 = arith.constant 0 : index
    %get3A_217 = arith.constant 5120 : index
    %get3A_218 = vector.load %arg1[%get3A_216, %get3A_217] : memref<64x32768xf32, #tpu.memory_space<vmem>>, vector<64x128xf32>
    %get3A_219 = arith.constant 0 : index
    %get3A_220 = arith.constant 5248 : index
    %get3A_221 = vector.load %arg1[%get3A_219, %get3A_220] : memref<64x32768xf32, #tpu.memory_space<vmem>>, vector<64x128xf32>
    %concatenate3A_222 = tpu.concatenate %get3A_218, %get3A_221 in 0 : vector<64x128xf32>, vector<64x128xf32> -> vector<128x128xf32>
    %transpose3A_223 = tpu.transpose %concatenate3A_222, [1, 0] : vector<128x128xf32> -> vector<128x128xf32>
    %swap3A_224 = arith.constant 2560 : index
    %swap3A_225 = arith.constant 0 : index
    %swap3A_226 = vector.load %arg2[%swap3A_224, %swap3A_225] : memref<16384x128xf32, #tpu.memory_space<vmem>>, vector<128x128xf32>
    tpu.vector_store %arg2[%swap3A_224, %swap3A_225], %transpose3A_223 {strides = array<i32>} : memref<16384x128xf32, #tpu.memory_space<vmem>>, vector<128x128xf32>,
    %get3A_227 = arith.constant 0 : index
    %get3A_228 = arith.constant 5376 : index
    %get3A_229 = vector.load %arg1[%get3A_227, %get3A_228] : memref<64x32768xf32, #tpu.memory_space<vmem>>, vector<64x128xf32>
    %get3A_230 = arith.constant 0 : index
    %get3A_231 = arith.constant 5504 : index
    %get3A_232 = vector.load %arg1[%get3A_230, %get3A_231] : memref<64x32768xf32, #tpu.memory_space<vmem>>, vector<64x128xf32>
    %concatenate3A_233 = tpu.concatenate %get3A_229, %get3A_232 in 0 : vector<64x128xf32>, vector<64x128xf32> -> vector<128x128xf32>
    %transpose3A_234 = tpu.transpose %concatenate3A_233, [1, 0] : vector<128x128xf32> -> vector<128x128xf32>
    %swap3A_235 = arith.constant 2688 : index
    %swap3A_236 = arith.constant 0 : index
    %swap3A_237 = vector.load %arg2[%swap3A_235, %swap3A_236] : memref<16384x128xf32, #tpu.memory_space<vmem>>, vector<128x128xf32>
    tpu.vector_store %arg2[%swap3A_235, %swap3A_236], %transpose3A_234 {strides = array<i32>} : memref<16384x128xf32, #tpu.memory_space<vmem>>, vector<128x128xf32>,
    %get3A_238 = arith.constant 0 : index
    %get3A_239 = arith.constant 5632 : index
    %get3A_240 = vector.load %arg1[%get3A_238, %get3A_239] : memref<64x32768xf32, #tpu.memory_space<vmem>>, vector<64x128xf32>
    %get3A_241 = arith.constant 0 : index
    %get3A_242 = arith.constant 5760 : index
    %get3A_243 = vector.load %arg1[%get3A_241, %get3A_242] : memref<64x32768xf32, #tpu.memory_space<vmem>>, vector<64x128xf32>
    %concatenate3A_244 = tpu.concatenate %get3A_240, %get3A_243 in 0 : vector<64x128xf32>, vector<64x128xf32> -> vector<128x128xf32>
    %transpose3A_245 = tpu.transpose %concatenate3A_244, [1, 0] : vector<128x128xf32> -> vector<128x128xf32>
    %swap3A_246 = arith.constant 2816 : index
    %swap3A_247 = arith.constant 0 : index
    %swap3A_248 = vector.load %arg2[%swap3A_246, %swap3A_247] : memref<16384x128xf32, #tpu.memory_space<vmem>>, vector<128x128xf32>
    tpu.vector_store %arg2[%swap3A_246, %swap3A_247], %transpose3A_245 {strides = array<i32>} : memref<16384x128xf32, #tpu.memory_space<vmem>>, vector<128x128xf32>,
    %get3A_249 = arith.constant 0 : index
    %get3A_250 = arith.constant 5888 : index
    %get3A_251 = vector.load %arg1[%get3A_249, %get3A_250] : memref<64x32768xf32, #tpu.memory_space<vmem>>, vector<64x128xf32>
    %get3A_252 = arith.constant 0 : index
    %get3A_253 = arith.constant 6016 : index
    %get3A_254 = vector.load %arg1[%get3A_252, %get3A_253] : memref<64x32768xf32, #tpu.memory_space<vmem>>, vector<64x128xf32>
    %concatenate3A_255 = tpu.concatenate %get3A_251, %get3A_254 in 0 : vector<64x128xf32>, vector<64x128xf32> -> vector<128x128xf32>
    %transpose3A_256 = tpu.transpose %concatenate3A_255, [1, 0] : vector<128x128xf32> -> vector<128x128xf32>
    %swap3A_257 = arith.constant 2944 : index
    %swap3A_258 = arith.constant 0 : index
    %swap3A_259 = vector.load %arg2[%swap3A_257, %swap3A_258] : memref<16384x128xf32, #tpu.memory_space<vmem>>, vector<128x128xf32>
    tpu.vector_store %arg2[%swap3A_257, %swap3A_258], %transpose3A_256 {strides = array<i32>} : memref<16384x128xf32, #tpu.memory_space<vmem>>, vector<128x128xf32>,
    %get3A_260 = arith.constant 0 : index
    %get3A_261 = arith.constant 6144 : index
    %get3A_262 = vector.load %arg1[%get3A_260, %get3A_261] : memref<64x32768xf32, #tpu.memory_space<vmem>>, vector<64x128xf32>
    %get3A_263 = arith.constant 0 : index
    %get3A_264 = arith.constant 6272 : index
    %get3A_265 = vector.load %arg1[%get3A_263, %get3A_264] : memref<64x32768xf32, #tpu.memory_space<vmem>>, vector<64x128xf32>
    %concatenate3A_266 = tpu.concatenate %get3A_262, %get3A_265 in 0 : vector<64x128xf32>, vector<64x128xf32> -> vector<128x128xf32>
    %transpose3A_267 = tpu.transpose %concatenate3A_266, [1, 0] : vector<128x128xf32> -> vector<128x128xf32>
    %swap3A_268 = arith.constant 3072 : index
    %swap3A_269 = arith.constant 0 : index
    %swap3A_270 = vector.load %arg2[%swap3A_268, %swap3A_269] : memref<16384x128xf32, #tpu.memory_space<vmem>>, vector<128x128xf32>
    tpu.vector_store %arg2[%swap3A_268, %swap3A_269], %transpose3A_267 {strides = array<i32>} : memref<16384x128xf32, #tpu.memory_space<vmem>>, vector<128x128xf32>,
    %get3A_271 = arith.constant 0 : index
    %get3A_272 = arith.constant 6400 : index
    %get3A_273 = vector.load %arg1[%get3A_271, %get3A_272] : memref<64x32768xf32, #tpu.memory_space<vmem>>, vector<64x128xf32>
    %get3A_274 = arith.constant 0 : index
    %get3A_275 = arith.constant 6528 : index
    %get3A_276 = vector.load %arg1[%get3A_274, %get3A_275] : memref<64x32768xf32, #tpu.memory_space<vmem>>, vector<64x128xf32>
    %concatenate3A_277 = tpu.concatenate %get3A_273, %get3A_276 in 0 : vector<64x128xf32>, vector<64x128xf32> -> vector<128x128xf32>
    %transpose3A_278 = tpu.transpose %concatenate3A_277, [1, 0] : vector<128x128xf32> -> vector<128x128xf32>
    %swap3A_279 = arith.constant 3200 : index
    %swap3A_280 = arith.constant 0 : index
    %swap3A_281 = vector.load %arg2[%swap3A_279, %swap3A_280] : memref<16384x128xf32, #tpu.memory_space<vmem>>, vector<128x128xf32>
    tpu.vector_store %arg2[%swap3A_279, %swap3A_280], %transpose3A_278 {strides = array<i32>} : memref<16384x128xf32, #tpu.memory_space<vmem>>, vector<128x128xf32>,
    %get3A_282 = arith.constant 0 : index
    %get3A_283 = arith.constant 6656 : index
    %get3A_284 = vector.load %arg1[%get3A_282, %get3A_283] : memref<64x32768xf32, #tpu.memory_space<vmem>>, vector<64x128xf32>
    %get3A_285 = arith.constant 0 : index
    %get3A_286 = arith.constant 6784 : index
    %get3A_287 = vector.load %arg1[%get3A_285, %get3A_286] : memref<64x32768xf32, #tpu.memory_space<vmem>>, vector<64x128xf32>
    %concatenate3A_288 = tpu.concatenate %get3A_284, %get3A_287 in 0 : vector<64x128xf32>, vector<64x128xf32> -> vector<128x128xf32>
    %transpose3A_289 = tpu.transpose %concatenate3A_288, [1, 0] : vector<128x128xf32> -> vector<128x128xf32>
    %swap3A_290 = arith.constant 3328 : index
    %swap3A_291 = arith.constant 0 : index
    %swap3A_292 = vector.load %arg2[%swap3A_290, %swap3A_291] : memref<16384x128xf32, #tpu.memory_space<vmem>>, vector<128x128xf32>
    tpu.vector_store %arg2[%swap3A_290, %swap3A_291], %transpose3A_289 {strides = array<i32>} : memref<16384x128xf32, #tpu.memory_space<vmem>>, vector<128x128xf32>,
    %get3A_293 = arith.constant 0 : index
    %get3A_294 = arith.constant 6912 : index
    %get3A_295 = vector.load %arg1[%get3A_293, %get3A_294] : memref<64x32768xf32, #tpu.memory_space<vmem>>, vector<64x128xf32>
    %get3A_296 = arith.constant 0 : index
    %get3A_297 = arith.constant 7040 : index
    %get3A_298 = vector.load %arg1[%get3A_296, %get3A_297] : memref<64x32768xf32, #tpu.memory_space<vmem>>, vector<64x128xf32>
    %concatenate3A_299 = tpu.concatenate %get3A_295, %get3A_298 in 0 : vector<64x128xf32>, vector<64x128xf32> -> vector<128x128xf32>
    %transpose3A_300 = tpu.transpose %concatenate3A_299, [1, 0] : vector<128x128xf32> -> vector<128x128xf32>
    %swap3A_301 = arith.constant 3456 : index
    %swap3A_302 = arith.constant 0 : index
    %swap3A_303 = vector.load %arg2[%swap3A_301, %swap3A_302] : memref<16384x128xf32, #tpu.memory_space<vmem>>, vector<128x128xf32>
    tpu.vector_store %arg2[%swap3A_301, %swap3A_302], %transpose3A_300 {strides = array<i32>} : memref<16384x128xf32, #tpu.memory_space<vmem>>, vector<128x128xf32>,
    %get3A_304 = arith.constant 0 : index
    %get3A_305 = arith.constant 7168 : index
    %get3A_306 = vector.load %arg1[%get3A_304, %get3A_305] : memref<64x32768xf32, #tpu.memory_space<vmem>>, vector<64x128xf32>
    %get3A_307 = arith.constant 0 : index
    %get3A_308 = arith.constant 7296 : index
    %get3A_309 = vector.load %arg1[%get3A_307, %get3A_308] : memref<64x32768xf32, #tpu.memory_space<vmem>>, vector<64x128xf32>
    %concatenate3A_310 = tpu.concatenate %get3A_306, %get3A_309 in 0 : vector<64x128xf32>, vector<64x128xf32> -> vector<128x128xf32>
    %transpose3A_311 = tpu.transpose %concatenate3A_310, [1, 0] : vector<128x128xf32> -> vector<128x128xf32>
    %swap3A_312 = arith.constant 3584 : index
    %swap3A_313 = arith.constant 0 : index
    %swap3A_314 = vector.load %arg2[%swap3A_312, %swap3A_313] : memref<16384x128xf32, #tpu.memory_space<vmem>>, vector<128x128xf32>
    tpu.vector_store %arg2[%swap3A_312, %swap3A_313], %transpose3A_311 {strides = array<i32>} : memref<16384x128xf32, #tpu.memory_space<vmem>>, vector<128x128xf32>,
    %get3A_315 = arith.constant 0 : index
    %get3A_316 = arith.constant 7424 : index
    %get3A_317 = vector.load %arg1[%get3A_315, %get3A_316] : memref<64x32768xf32, #tpu.memory_space<vmem>>, vector<64x128xf32>
    %get3A_318 = arith.constant 0 : index
    %get3A_319 = arith.constant 7552 : index
    %get3A_320 = vector.load %arg1[%get3A_318, %get3A_319] : memref<64x32768xf32, #tpu.memory_space<vmem>>, vector<64x128xf32>
    %concatenate3A_321 = tpu.concatenate %get3A_317, %get3A_320 in 0 : vector<64x128xf32>, vector<64x128xf32> -> vector<128x128xf32>
    %transpose3A_322 = tpu.transpose %concatenate3A_321, [1, 0] : vector<128x128xf32> -> vector<128x128xf32>
    %swap3A_323 = arith.constant 3712 : index
    %swap3A_324 = arith.constant 0 : index
    %swap3A_325 = vector.load %arg2[%swap3A_323, %swap3A_324] : memref<16384x128xf32, #tpu.memory_space<vmem>>, vector<128x128xf32>
    tpu.vector_store %arg2[%swap3A_323, %swap3A_324], %transpose3A_322 {strides = array<i32>} : memref<16384x128xf32, #tpu.memory_space<vmem>>, vector<128x128xf32>,
    %get3A_326 = arith.constant 0 : index
    %get3A_327 = arith.constant 7680 : index
    %get3A_328 = vector.load %arg1[%get3A_326, %get3A_327] : memref<64x32768xf32, #tpu.memory_space<vmem>>, vector<64x128xf32>
    %get3A_329 = arith.constant 0 : index
    %get3A_330 = arith.constant 7808 : index
    %get3A_331 = vector.load %arg1[%get3A_329, %get3A_330] : memref<64x32768xf32, #tpu.memory_space<vmem>>, vector<64x128xf32>
    %concatenate3A_332 = tpu.concatenate %get3A_328, %get3A_331 in 0 : vector<64x128xf32>, vector<64x128xf32> -> vector<128x128xf32>
    %transpose3A_333 = tpu.transpose %concatenate3A_332, [1, 0] : vector<128x128xf32> -> vector<128x128xf32>
    %swap3A_334 = arith.constant 3840 : index
    %swap3A_335 = arith.constant 0 : index
    %swap3A_336 = vector.load %arg2[%swap3A_334, %swap3A_335] : memref<16384x128xf32, #tpu.memory_space<vmem>>, vector<128x128xf32>
    tpu.vector_store %arg2[%swap3A_334, %swap3A_335], %transpose3A_333 {strides = array<i32>} : memref<16384x128xf32, #tpu.memory_space<vmem>>, vector<128x128xf32>,
    %get3A_337 = arith.constant 0 : index
    %get3A_338 = arith.constant 7936 : index
    %get3A_339 = vector.load %arg1[%get3A_337, %get3A_338] : memref<64x32768xf32, #tpu.memory_space<vmem>>, vector<64x128xf32>
    %get3A_340 = arith.constant 0 : index
    %get3A_341 = arith.constant 8064 : index
    %get3A_342 = vector.load %arg1[%get3A_340, %get3A_341] : memref<64x32768xf32, #tpu.memory_space<vmem>>, vector<64x128xf32>
    %concatenate3A_343 = tpu.concatenate %get3A_339, %get3A_342 in 0 : vector<64x128xf32>, vector<64x128xf32> -> vector<128x128xf32>
    %transpose3A_344 = tpu.transpose %concatenate3A_343, [1, 0] : vector<128x128xf32> -> vector<128x128xf32>
    %swap3A_345 = arith.constant 3968 : index
    %swap3A_346 = arith.constant 0 : index
    %swap3A_347 = vector.load %arg2[%swap3A_345, %swap3A_346] : memref<16384x128xf32, #tpu.memory_space<vmem>>, vector<128x128xf32>
    tpu.vector_store %arg2[%swap3A_345, %swap3A_346], %transpose3A_344 {strides = array<i32>} : memref<16384x128xf32, #tpu.memory_space<vmem>>, vector<128x128xf32>,
    %get3A_348 = arith.constant 0 : index
    %get3A_349 = arith.constant 8192 : index
    %get3A_350 = vector.load %arg1[%get3A_348, %get3A_349] : memref<64x32768xf32, #tpu.memory_space<vmem>>, vector<64x128xf32>
    %get3A_351 = arith.constant 0 : index
    %get3A_352 = arith.constant 8320 : index
    %get3A_353 = vector.load %arg1[%get3A_351, %get3A_352] : memref<64x32768xf32, #tpu.memory_space<vmem>>, vector<64x128xf32>
    %concatenate3A_354 = tpu.concatenate %get3A_350, %get3A_353 in 0 : vector<64x128xf32>, vector<64x128xf32> -> vector<128x128xf32>
    %transpose3A_355 = tpu.transpose %concatenate3A_354, [1, 0] : vector<128x128xf32> -> vector<128x128xf32>
    %swap3A_356 = arith.constant 4096 : index
    %swap3A_357 = arith.constant 0 : index
    %swap3A_358 = vector.load %arg2[%swap3A_356, %swap3A_357] : memref<16384x128xf32, #tpu.memory_space<vmem>>, vector<128x128xf32>
    tpu.vector_store %arg2[%swap3A_356, %swap3A_357], %transpose3A_355 {strides = array<i32>} : memref<16384x128xf32, #tpu.memory_space<vmem>>, vector<128x128xf32>,
    %get3A_359 = arith.constant 0 : index
    %get3A_360 = arith.constant 8448 : index
    %get3A_361 = vector.load %arg1[%get3A_359, %get3A_360] : memref<64x32768xf32, #tpu.memory_space<vmem>>, vector<64x128xf32>
    %get3A_362 = arith.constant 0 : index
    %get3A_363 = arith.constant 8576 : index
    %get3A_364 = vector.load %arg1[%get3A_362, %get3A_363] : memref<64x32768xf32, #tpu.memory_space<vmem>>, vector<64x128xf32>
    %concatenate3A_365 = tpu.concatenate %get3A_361, %get3A_364 in 0 : vector<64x128xf32>, vector<64x128xf32> -> vector<128x128xf32>
    %transpose3A_366 = tpu.transpose %concatenate3A_365, [1, 0] : vector<128x128xf32> -> vector<128x128xf32>
    %swap3A_367 = arith.constant 4224 : index
    %swap3A_368 = arith.constant 0 : index
    %swap3A_369 = vector.load %arg2[%swap3A_367, %swap3A_368] : memref<16384x128xf32, #tpu.memory_space<vmem>>, vector<128x128xf32>
    tpu.vector_store %arg2[%swap3A_367, %swap3A_368], %transpose3A_366 {strides = array<i32>} : memref<16384x128xf32, #tpu.memory_space<vmem>>, vector<128x128xf32>,
    %get3A_370 = arith.constant 0 : index
    %get3A_371 = arith.constant 8704 : index
    %get3A_372 = vector.load %arg1[%get3A_370, %get3A_371] : memref<64x32768xf32, #tpu.memory_space<vmem>>, vector<64x128xf32>
    %get3A_373 = arith.constant 0 : index
    %get3A_374 = arith.constant 8832 : index
    %get3A_375 = vector.load %arg1[%get3A_373, %get3A_374] : memref<64x32768xf32, #tpu.memory_space<vmem>>, vector<64x128xf32>
    %concatenate3A_376 = tpu.concatenate %get3A_372, %get3A_375 in 0 : vector<64x128xf32>, vector<64x128xf32> -> vector<128x128xf32>
    %transpose3A_377 = tpu.transpose %concatenate3A_376, [1, 0] : vector<128x128xf32> -> vector<128x128xf32>
    %swap3A_378 = arith.constant 4352 : index
    %swap3A_379 = arith.constant 0 : index
    %swap3A_380 = vector.load %arg2[%swap3A_378, %swap3A_379] : memref<16384x128xf32, #tpu.memory_space<vmem>>, vector<128x128xf32>
    tpu.vector_store %arg2[%swap3A_378, %swap3A_379], %transpose3A_377 {strides = array<i32>} : memref<16384x128xf32, #tpu.memory_space<vmem>>, vector<128x128xf32>,
    %get3A_381 = arith.constant 0 : index
    %get3A_382 = arith.constant 8960 : index
    %get3A_383 = vector.load %arg1[%get3A_381, %get3A_382] : memref<64x32768xf32, #tpu.memory_space<vmem>>, vector<64x128xf32>
    %get3A_384 = arith.constant 0 : index
    %get3A_385 = arith.constant 9088 : index
    %get3A_386 = vector.load %arg1[%get3A_384, %get3A_385] : memref<64x32768xf32, #tpu.memory_space<vmem>>, vector<64x128xf32>
    %concatenate3A_387 = tpu.concatenate %get3A_383, %get3A_386 in 0 : vector<64x128xf32>, vector<64x128xf32> -> vector<128x128xf32>
    %transpose3A_388 = tpu.transpose %concatenate3A_387, [1, 0] : vector<128x128xf32> -> vector<128x128xf32>
    %swap3A_389 = arith.constant 4480 : index
    %swap3A_390 = arith.constant 0 : index
    %swap3A_391 = vector.load %arg2[%swap3A_389, %swap3A_390] : memref<16384x128xf32, #tpu.memory_space<vmem>>, vector<128x128xf32>
    tpu.vector_store %arg2[%swap3A_389, %swap3A_390], %transpose3A_388 {strides = array<i32>} : memref<16384x128xf32, #tpu.memory_space<vmem>>, vector<128x128xf32>,
    %get3A_392 = arith.constant 0 : index
    %get3A_393 = arith.constant 9216 : index
    %get3A_394 = vector.load %arg1[%get3A_392, %get3A_393] : memref<64x32768xf32, #tpu.memory_space<vmem>>, vector<64x128xf32>
    %get3A_395 = arith.constant 0 : index
    %get3A_396 = arith.constant 9344 : index
    %get3A_397 = vector.load %arg1[%get3A_395, %get3A_396] : memref<64x32768xf32, #tpu.memory_space<vmem>>, vector<64x128xf32>
    %concatenate3A_398 = tpu.concatenate %get3A_394, %get3A_397 in 0 : vector<64x128xf32>, vector<64x128xf32> -> vector<128x128xf32>
    %transpose3A_399 = tpu.transpose %concatenate3A_398, [1, 0] : vector<128x128xf32> -> vector<128x128xf32>
    %swap3A_400 = arith.constant 4608 : index
    %swap3A_401 = arith.constant 0 : index
    %swap3A_402 = vector.load %arg2[%swap3A_400, %swap3A_401] : memref<16384x128xf32, #tpu.memory_space<vmem>>, vector<128x128xf32>
    tpu.vector_store %arg2[%swap3A_400, %swap3A_401], %transpose3A_399 {strides = array<i32>} : memref<16384x128xf32, #tpu.memory_space<vmem>>, vector<128x128xf32>,
    %get3A_403 = arith.constant 0 : index
    %get3A_404 = arith.constant 9472 : index
    %get3A_405 = vector.load %arg1[%get3A_403, %get3A_404] : memref<64x32768xf32, #tpu.memory_space<vmem>>, vector<64x128xf32>
    %get3A_406 = arith.constant 0 : index
    %get3A_407 = arith.constant 9600 : index
    %get3A_408 = vector.load %arg1[%get3A_406, %get3A_407] : memref<64x32768xf32, #tpu.memory_space<vmem>>, vector<64x128xf32>
    %concatenate3A_409 = tpu.concatenate %get3A_405, %get3A_408 in 0 : vector<64x128xf32>, vector<64x128xf32> -> vector<128x128xf32>
    %transpose3A_410 = tpu.transpose %concatenate3A_409, [1, 0] : vector<128x128xf32> -> vector<128x128xf32>
    %swap3A_411 = arith.constant 4736 : index
    %swap3A_412 = arith.constant 0 : index
    %swap3A_413 = vector.load %arg2[%swap3A_411, %swap3A_412] : memref<16384x128xf32, #tpu.memory_space<vmem>>, vector<128x128xf32>
    tpu.vector_store %arg2[%swap3A_411, %swap3A_412], %transpose3A_410 {strides = array<i32>} : memref<16384x128xf32, #tpu.memory_space<vmem>>, vector<128x128xf32>,
    %get3A_414 = arith.constant 0 : index
    %get3A_415 = arith.constant 9728 : index
    %get3A_416 = vector.load %arg1[%get3A_414, %get3A_415] : memref<64x32768xf32, #tpu.memory_space<vmem>>, vector<64x128xf32>
    %get3A_417 = arith.constant 0 : index
    %get3A_418 = arith.constant 9856 : index
    %get3A_419 = vector.load %arg1[%get3A_417, %get3A_418] : memref<64x32768xf32, #tpu.memory_space<vmem>>, vector<64x128xf32>
    %concatenate3A_420 = tpu.concatenate %get3A_416, %get3A_419 in 0 : vector<64x128xf32>, vector<64x128xf32> -> vector<128x128xf32>
    %transpose3A_421 = tpu.transpose %concatenate3A_420, [1, 0] : vector<128x128xf32> -> vector<128x128xf32>
    %swap3A_422 = arith.constant 4864 : index
    %swap3A_423 = arith.constant 0 : index
    %swap3A_424 = vector.load %arg2[%swap3A_422, %swap3A_423] : memref<16384x128xf32, #tpu.memory_space<vmem>>, vector<128x128xf32>
    tpu.vector_store %arg2[%swap3A_422, %swap3A_423], %transpose3A_421 {strides = array<i32>} : memref<16384x128xf32, #tpu.memory_space<vmem>>, vector<128x128xf32>,
    %get3A_425 = arith.constant 0 : index
    %get3A_426 = arith.constant 9984 : index
    %get3A_427 = vector.load %arg1[%get3A_425, %get3A_426] : memref<64x32768xf32, #tpu.memory_space<vmem>>, vector<64x128xf32>
    %get3A_428 = arith.constant 0 : index
    %get3A_429 = arith.constant 10112 : index
    %get3A_430 = vector.load %arg1[%get3A_428, %get3A_429] : memref<64x32768xf32, #tpu.memory_space<vmem>>, vector<64x128xf32>
    %concatenate3A_431 = tpu.concatenate %get3A_427, %get3A_430 in 0 : vector<64x128xf32>, vector<64x128xf32> -> vector<128x128xf32>
    %transpose3A_432 = tpu.transpose %concatenate3A_431, [1, 0] : vector<128x128xf32> -> vector<128x128xf32>
    %swap3A_433 = arith.constant 4992 : index
    %swap3A_434 = arith.constant 0 : index
    %swap3A_435 = vector.load %arg2[%swap3A_433, %swap3A_434] : memref<16384x128xf32, #tpu.memory_space<vmem>>, vector<128x128xf32>
    tpu.vector_store %arg2[%swap3A_433, %swap3A_434], %transpose3A_432 {strides = array<i32>} : memref<16384x128xf32, #tpu.memory_space<vmem>>, vector<128x128xf32>,
    %get3A_436 = arith.constant 0 : index
    %get3A_437 = arith.constant 10240 : index
    %get3A_438 = vector.load %arg1[%get3A_436, %get3A_437] : memref<64x32768xf32, #tpu.memory_space<vmem>>, vector<64x128xf32>
    %get3A_439 = arith.constant 0 : index
    %get3A_440 = arith.constant 10368 : index
    %get3A_441 = vector.load %arg1[%get3A_439, %get3A_440] : memref<64x32768xf32, #tpu.memory_space<vmem>>, vector<64x128xf32>
    %concatenate3A_442 = tpu.concatenate %get3A_438, %get3A_441 in 0 : vector<64x128xf32>, vector<64x128xf32> -> vector<128x128xf32>
    %transpose3A_443 = tpu.transpose %concatenate3A_442, [1, 0] : vector<128x128xf32> -> vector<128x128xf32>
    %swap3A_444 = arith.constant 5120 : index
    %swap3A_445 = arith.constant 0 : index
    %swap3A_446 = vector.load %arg2[%swap3A_444, %swap3A_445] : memref<16384x128xf32, #tpu.memory_space<vmem>>, vector<128x128xf32>
    tpu.vector_store %arg2[%swap3A_444, %swap3A_445], %transpose3A_443 {strides = array<i32>} : memref<16384x128xf32, #tpu.memory_space<vmem>>, vector<128x128xf32>,
    %get3A_447 = arith.constant 0 : index
    %get3A_448 = arith.constant 10496 : index
    %get3A_449 = vector.load %arg1[%get3A_447, %get3A_448] : memref<64x32768xf32, #tpu.memory_space<vmem>>, vector<64x128xf32>
    %get3A_450 = arith.constant 0 : index
    %get3A_451 = arith.constant 10624 : index
    %get3A_452 = vector.load %arg1[%get3A_450, %get3A_451] : memref<64x32768xf32, #tpu.memory_space<vmem>>, vector<64x128xf32>
    %concatenate3A_453 = tpu.concatenate %get3A_449, %get3A_452 in 0 : vector<64x128xf32>, vector<64x128xf32> -> vector<128x128xf32>
    %transpose3A_454 = tpu.transpose %concatenate3A_453, [1, 0] : vector<128x128xf32> -> vector<128x128xf32>
    %swap3A_455 = arith.constant 5248 : index
    %swap3A_456 = arith.constant 0 : index
    %swap3A_457 = vector.load %arg2[%swap3A_455, %swap3A_456] : memref<16384x128xf32, #tpu.memory_space<vmem>>, vector<128x128xf32>
    tpu.vector_store %arg2[%swap3A_455, %swap3A_456], %transpose3A_454 {strides = array<i32>} : memref<16384x128xf32, #tpu.memory_space<vmem>>, vector<128x128xf32>,
    %get3A_458 = arith.constant 0 : index
    %get3A_459 = arith.constant 10752 : index
    %get3A_460 = vector.load %arg1[%get3A_458, %get3A_459] : memref<64x32768xf32, #tpu.memory_space<vmem>>, vector<64x128xf32>
    %get3A_461 = arith.constant 0 : index
    %get3A_462 = arith.constant 10880 : index
    %get3A_463 = vector.load %arg1[%get3A_461, %get3A_462] : memref<64x32768xf32, #tpu.memory_space<vmem>>, vector<64x128xf32>
    %concatenate3A_464 = tpu.concatenate %get3A_460, %get3A_463 in 0 : vector<64x128xf32>, vector<64x128xf32> -> vector<128x128xf32>
    %transpose3A_465 = tpu.transpose %concatenate3A_464, [1, 0] : vector<128x128xf32> -> vector<128x128xf32>
    %swap3A_466 = arith.constant 5376 : index
    %swap3A_467 = arith.constant 0 : index
    %swap3A_468 = vector.load %arg2[%swap3A_466, %swap3A_467] : memref<16384x128xf32, #tpu.memory_space<vmem>>, vector<128x128xf32>
    tpu.vector_store %arg2[%swap3A_466, %swap3A_467], %transpose3A_465 {strides = array<i32>} : memref<16384x128xf32, #tpu.memory_space<vmem>>, vector<128x128xf32>,
    %get3A_469 = arith.constant 0 : index
    %get3A_470 = arith.constant 11008 : index
    %get3A_471 = vector.load %arg1[%get3A_469, %get3A_470] : memref<64x32768xf32, #tpu.memory_space<vmem>>, vector<64x128xf32>
    %get3A_472 = arith.constant 0 : index
    %get3A_473 = arith.constant 11136 : index
    %get3A_474 = vector.load %arg1[%get3A_472, %get3A_473] : memref<64x32768xf32, #tpu.memory_space<vmem>>, vector<64x128xf32>
    %concatenate3A_475 = tpu.concatenate %get3A_471, %get3A_474 in 0 : vector<64x128xf32>, vector<64x128xf32> -> vector<128x128xf32>
    %transpose3A_476 = tpu.transpose %concatenate3A_475, [1, 0] : vector<128x128xf32> -> vector<128x128xf32>
    %swap3A_477 = arith.constant 5504 : index
    %swap3A_478 = arith.constant 0 : index
    %swap3A_479 = vector.load %arg2[%swap3A_477, %swap3A_478] : memref<16384x128xf32, #tpu.memory_space<vmem>>, vector<128x128xf32>
    tpu.vector_store %arg2[%swap3A_477, %swap3A_478], %transpose3A_476 {strides = array<i32>} : memref<16384x128xf32, #tpu.memory_space<vmem>>, vector<128x128xf32>,
    %get3A_480 = arith.constant 0 : index
    %get3A_481 = arith.constant 11264 : index
    %get3A_482 = vector.load %arg1[%get3A_480, %get3A_481] : memref<64x32768xf32, #tpu.memory_space<vmem>>, vector<64x128xf32>
    %get3A_483 = arith.constant 0 : index
    %get3A_484 = arith.constant 11392 : index
    %get3A_485 = vector.load %arg1[%get3A_483, %get3A_484] : memref<64x32768xf32, #tpu.memory_space<vmem>>, vector<64x128xf32>
    %concatenate3A_486 = tpu.concatenate %get3A_482, %get3A_485 in 0 : vector<64x128xf32>, vector<64x128xf32> -> vector<128x128xf32>
    %transpose3A_487 = tpu.transpose %concatenate3A_486, [1, 0] : vector<128x128xf32> -> vector<128x128xf32>
    %swap3A_488 = arith.constant 5632 : index
    %swap3A_489 = arith.constant 0 : index
    %swap3A_490 = vector.load %arg2[%swap3A_488, %swap3A_489] : memref<16384x128xf32, #tpu.memory_space<vmem>>, vector<128x128xf32>
    tpu.vector_store %arg2[%swap3A_488, %swap3A_489], %transpose3A_487 {strides = array<i32>} : memref<16384x128xf32, #tpu.memory_space<vmem>>, vector<128x128xf32>,
    %get3A_491 = arith.constant 0 : index
    %get3A_492 = arith.constant 11520 : index
    %get3A_493 = vector.load %arg1[%get3A_491, %get3A_492] : memref<64x32768xf32, #tpu.memory_space<vmem>>, vector<64x128xf32>
    %get3A_494 = arith.constant 0 : index
    %get3A_495 = arith.constant 11648 : index
    %get3A_496 = vector.load %arg1[%get3A_494, %get3A_495] : memref<64x32768xf32, #tpu.memory_space<vmem>>, vector<64x128xf32>
    %concatenate3A_497 = tpu.concatenate %get3A_493, %get3A_496 in 0 : vector<64x128xf32>, vector<64x128xf32> -> vector<128x128xf32>
    %transpose3A_498 = tpu.transpose %concatenate3A_497, [1, 0] : vector<128x128xf32> -> vector<128x128xf32>
    %swap3A_499 = arith.constant 5760 : index
    %swap3A_500 = arith.constant 0 : index
    %swap3A_501 = vector.load %arg2[%swap3A_499, %swap3A_500] : memref<16384x128xf32, #tpu.memory_space<vmem>>, vector<128x128xf32>
    tpu.vector_store %arg2[%swap3A_499, %swap3A_500], %transpose3A_498 {strides = array<i32>} : memref<16384x128xf32, #tpu.memory_space<vmem>>, vector<128x128xf32>,
    %get3A_502 = arith.constant 0 : index
    %get3A_503 = arith.constant 11776 : index
    %get3A_504 = vector.load %arg1[%get3A_502, %get3A_503] : memref<64x32768xf32, #tpu.memory_space<vmem>>, vector<64x128xf32>
    %get3A_505 = arith.constant 0 : index
    %get3A_506 = arith.constant 11904 : index
    %get3A_507 = vector.load %arg1[%get3A_505, %get3A_506] : memref<64x32768xf32, #tpu.memory_space<vmem>>, vector<64x128xf32>
    %concatenate3A_508 = tpu.concatenate %get3A_504, %get3A_507 in 0 : vector<64x128xf32>, vector<64x128xf32> -> vector<128x128xf32>
    %transpose3A_509 = tpu.transpose %concatenate3A_508, [1, 0] : vector<128x128xf32> -> vector<128x128xf32>
    %swap3A_510 = arith.constant 5888 : index
    %swap3A_511 = arith.constant 0 : index
    %swap3A_512 = vector.load %arg2[%swap3A_510, %swap3A_511] : memref<16384x128xf32, #tpu.memory_space<vmem>>, vector<128x128xf32>
    tpu.vector_store %arg2[%swap3A_510, %swap3A_511], %transpose3A_509 {strides = array<i32>} : memref<16384x128xf32, #tpu.memory_space<vmem>>, vector<128x128xf32>,
    %get3A_513 = arith.constant 0 : index
    %get3A_514 = arith.constant 12032 : index
    %get3A_515 = vector.load %arg1[%get3A_513, %get3A_514] : memref<64x32768xf32, #tpu.memory_space<vmem>>, vector<64x128xf32>
    %get3A_516 = arith.constant 0 : index
    %get3A_517 = arith.constant 12160 : index
    %get3A_518 = vector.load %arg1[%get3A_516, %get3A_517] : memref<64x32768xf32, #tpu.memory_space<vmem>>, vector<64x128xf32>
    %concatenate3A_519 = tpu.concatenate %get3A_515, %get3A_518 in 0 : vector<64x128xf32>, vector<64x128xf32> -> vector<128x128xf32>
    %transpose3A_520 = tpu.transpose %concatenate3A_519, [1, 0] : vector<128x128xf32> -> vector<128x128xf32>
    %swap3A_521 = arith.constant 6016 : index
    %swap3A_522 = arith.constant 0 : index
    %swap3A_523 = vector.load %arg2[%swap3A_521, %swap3A_522] : memref<16384x128xf32, #tpu.memory_space<vmem>>, vector<128x128xf32>
    tpu.vector_store %arg2[%swap3A_521, %swap3A_522], %transpose3A_520 {strides = array<i32>} : memref<16384x128xf32, #tpu.memory_space<vmem>>, vector<128x128xf32>,
    %get3A_524 = arith.constant 0 : index
    %get3A_525 = arith.constant 12288 : index
    %get3A_526 = vector.load %arg1[%get3A_524, %get3A_525] : memref<64x32768xf32, #tpu.memory_space<vmem>>, vector<64x128xf32>
    %get3A_527 = arith.constant 0 : index
    %get3A_528 = arith.constant 12416 : index
    %get3A_529 = vector.load %arg1[%get3A_527, %get3A_528] : memref<64x32768xf32, #tpu.memory_space<vmem>>, vector<64x128xf32>
    %concatenate3A_530 = tpu.concatenate %get3A_526, %get3A_529 in 0 : vector<64x128xf32>, vector<64x128xf32> -> vector<128x128xf32>
    %transpose3A_531 = tpu.transpose %concatenate3A_530, [1, 0] : vector<128x128xf32> -> vector<128x128xf32>
    %swap3A_532 = arith.constant 6144 : index
    %swap3A_533 = arith.constant 0 : index
    %swap3A_534 = vector.load %arg2[%swap3A_532, %swap3A_533] : memref<16384x128xf32, #tpu.memory_space<vmem>>, vector<128x128xf32>
    tpu.vector_store %arg2[%swap3A_532, %swap3A_533], %transpose3A_531 {strides = array<i32>} : memref<16384x128xf32, #tpu.memory_space<vmem>>, vector<128x128xf32>,
    %get3A_535 = arith.constant 0 : index
    %get3A_536 = arith.constant 12544 : index
    %get3A_537 = vector.load %arg1[%get3A_535, %get3A_536] : memref<64x32768xf32, #tpu.memory_space<vmem>>, vector<64x128xf32>
    %get3A_538 = arith.constant 0 : index
    %get3A_539 = arith.constant 12672 : index
    %get3A_540 = vector.load %arg1[%get3A_538, %get3A_539] : memref<64x32768xf32, #tpu.memory_space<vmem>>, vector<64x128xf32>
    %concatenate3A_541 = tpu.concatenate %get3A_537, %get3A_540 in 0 : vector<64x128xf32>, vector<64x128xf32> -> vector<128x128xf32>
    %transpose3A_542 = tpu.transpose %concatenate3A_541, [1, 0] : vector<128x128xf32> -> vector<128x128xf32>
    %swap3A_543 = arith.constant 6272 : index
    %swap3A_544 = arith.constant 0 : index
    %swap3A_545 = vector.load %arg2[%swap3A_543, %swap3A_544] : memref<16384x128xf32, #tpu.memory_space<vmem>>, vector<128x128xf32>
    tpu.vector_store %arg2[%swap3A_543, %swap3A_544], %transpose3A_542 {strides = array<i32>} : memref<16384x128xf32, #tpu.memory_space<vmem>>, vector<128x128xf32>,
    %get3A_546 = arith.constant 0 : index
    %get3A_547 = arith.constant 12800 : index
    %get3A_548 = vector.load %arg1[%get3A_546, %get3A_547] : memref<64x32768xf32, #tpu.memory_space<vmem>>, vector<64x128xf32>
    %get3A_549 = arith.constant 0 : index
    %get3A_550 = arith.constant 12928 : index
    %get3A_551 = vector.load %arg1[%get3A_549, %get3A_550] : memref<64x32768xf32, #tpu.memory_space<vmem>>, vector<64x128xf32>
    %concatenate3A_552 = tpu.concatenate %get3A_548, %get3A_551 in 0 : vector<64x128xf32>, vector<64x128xf32> -> vector<128x128xf32>
    %transpose3A_553 = tpu.transpose %concatenate3A_552, [1, 0] : vector<128x128xf32> -> vector<128x128xf32>
    %swap3A_554 = arith.constant 6400 : index
    %swap3A_555 = arith.constant 0 : index
    %swap3A_556 = vector.load %arg2[%swap3A_554, %swap3A_555] : memref<16384x128xf32, #tpu.memory_space<vmem>>, vector<128x128xf32>
    tpu.vector_store %arg2[%swap3A_554, %swap3A_555], %transpose3A_553 {strides = array<i32>} : memref<16384x128xf32, #tpu.memory_space<vmem>>, vector<128x128xf32>,
    %get3A_557 = arith.constant 0 : index
    %get3A_558 = arith.constant 13056 : index
    %get3A_559 = vector.load %arg1[%get3A_557, %get3A_558] : memref<64x32768xf32, #tpu.memory_space<vmem>>, vector<64x128xf32>
    %get3A_560 = arith.constant 0 : index
    %get3A_561 = arith.constant 13184 : index
    %get3A_562 = vector.load %arg1[%get3A_560, %get3A_561] : memref<64x32768xf32, #tpu.memory_space<vmem>>, vector<64x128xf32>
    %concatenate3A_563 = tpu.concatenate %get3A_559, %get3A_562 in 0 : vector<64x128xf32>, vector<64x128xf32> -> vector<128x128xf32>
    %transpose3A_564 = tpu.transpose %concatenate3A_563, [1, 0] : vector<128x128xf32> -> vector<128x128xf32>
    %swap3A_565 = arith.constant 6528 : index
    %swap3A_566 = arith.constant 0 : index
    %swap3A_567 = vector.load %arg2[%swap3A_565, %swap3A_566] : memref<16384x128xf32, #tpu.memory_space<vmem>>, vector<128x128xf32>
    tpu.vector_store %arg2[%swap3A_565, %swap3A_566], %transpose3A_564 {strides = array<i32>} : memref<16384x128xf32, #tpu.memory_space<vmem>>, vector<128x128xf32>,
    %get3A_568 = arith.constant 0 : index
    %get3A_569 = arith.constant 13312 : index
    %get3A_570 = vector.load %arg1[%get3A_568, %get3A_569] : memref<64x32768xf32, #tpu.memory_space<vmem>>, vector<64x128xf32>
    %get3A_571 = arith.constant 0 : index
    %get3A_572 = arith.constant 13440 : index
    %get3A_573 = vector.load %arg1[%get3A_571, %get3A_572] : memref<64x32768xf32, #tpu.memory_space<vmem>>, vector<64x128xf32>
    %concatenate3A_574 = tpu.concatenate %get3A_570, %get3A_573 in 0 : vector<64x128xf32>, vector<64x128xf32> -> vector<128x128xf32>
    %transpose3A_575 = tpu.transpose %concatenate3A_574, [1, 0] : vector<128x128xf32> -> vector<128x128xf32>
    %swap3A_576 = arith.constant 6656 : index
    %swap3A_577 = arith.constant 0 : index
    %swap3A_578 = vector.load %arg2[%swap3A_576, %swap3A_577] : memref<16384x128xf32, #tpu.memory_space<vmem>>, vector<128x128xf32>
    tpu.vector_store %arg2[%swap3A_576, %swap3A_577], %transpose3A_575 {strides = array<i32>} : memref<16384x128xf32, #tpu.memory_space<vmem>>, vector<128x128xf32>,
    %get3A_579 = arith.constant 0 : index
    %get3A_580 = arith.constant 13568 : index
    %get3A_581 = vector.load %arg1[%get3A_579, %get3A_580] : memref<64x32768xf32, #tpu.memory_space<vmem>>, vector<64x128xf32>
    %get3A_582 = arith.constant 0 : index
    %get3A_583 = arith.constant 13696 : index
    %get3A_584 = vector.load %arg1[%get3A_582, %get3A_583] : memref<64x32768xf32, #tpu.memory_space<vmem>>, vector<64x128xf32>
    %concatenate3A_585 = tpu.concatenate %get3A_581, %get3A_584 in 0 : vector<64x128xf32>, vector<64x128xf32> -> vector<128x128xf32>
    %transpose3A_586 = tpu.transpose %concatenate3A_585, [1, 0] : vector<128x128xf32> -> vector<128x128xf32>
    %swap3A_587 = arith.constant 6784 : index
    %swap3A_588 = arith.constant 0 : index
    %swap3A_589 = vector.load %arg2[%swap3A_587, %swap3A_588] : memref<16384x128xf32, #tpu.memory_space<vmem>>, vector<128x128xf32>
    tpu.vector_store %arg2[%swap3A_587, %swap3A_588], %transpose3A_586 {strides = array<i32>} : memref<16384x128xf32, #tpu.memory_space<vmem>>, vector<128x128xf32>,
    %get3A_590 = arith.constant 0 : index
    %get3A_591 = arith.constant 13824 : index
    %get3A_592 = vector.load %arg1[%get3A_590, %get3A_591] : memref<64x32768xf32, #tpu.memory_space<vmem>>, vector<64x128xf32>
    %get3A_593 = arith.constant 0 : index
    %get3A_594 = arith.constant 13952 : index
    %get3A_595 = vector.load %arg1[%get3A_593, %get3A_594] : memref<64x32768xf32, #tpu.memory_space<vmem>>, vector<64x128xf32>
    %concatenate3A_596 = tpu.concatenate %get3A_592, %get3A_595 in 0 : vector<64x128xf32>, vector<64x128xf32> -> vector<128x128xf32>
    %transpose3A_597 = tpu.transpose %concatenate3A_596, [1, 0] : vector<128x128xf32> -> vector<128x128xf32>
    %swap3A_598 = arith.constant 6912 : index
    %swap3A_599 = arith.constant 0 : index
    %swap3A_600 = vector.load %arg2[%swap3A_598, %swap3A_599] : memref<16384x128xf32, #tpu.memory_space<vmem>>, vector<128x128xf32>
    tpu.vector_store %arg2[%swap3A_598, %swap3A_599], %transpose3A_597 {strides = array<i32>} : memref<16384x128xf32, #tpu.memory_space<vmem>>, vector<128x128xf32>,
    %get3A_601 = arith.constant 0 : index
    %get3A_602 = arith.constant 14080 : index
    %get3A_603 = vector.load %arg1[%get3A_601, %get3A_602] : memref<64x32768xf32, #tpu.memory_space<vmem>>, vector<64x128xf32>
    %get3A_604 = arith.constant 0 : index
    %get3A_605 = arith.constant 14208 : index
    %get3A_606 = vector.load %arg1[%get3A_604, %get3A_605] : memref<64x32768xf32, #tpu.memory_space<vmem>>, vector<64x128xf32>
    %concatenate3A_607 = tpu.concatenate %get3A_603, %get3A_606 in 0 : vector<64x128xf32>, vector<64x128xf32> -> vector<128x128xf32>
    %transpose3A_608 = tpu.transpose %concatenate3A_607, [1, 0] : vector<128x128xf32> -> vector<128x128xf32>
    %swap3A_609 = arith.constant 7040 : index
    %swap3A_610 = arith.constant 0 : index
    %swap3A_611 = vector.load %arg2[%swap3A_609, %swap3A_610] : memref<16384x128xf32, #tpu.memory_space<vmem>>, vector<128x128xf32>
    tpu.vector_store %arg2[%swap3A_609, %swap3A_610], %transpose3A_608 {strides = array<i32>} : memref<16384x128xf32, #tpu.memory_space<vmem>>, vector<128x128xf32>,
    %get3A_612 = arith.constant 0 : index
    %get3A_613 = arith.constant 14336 : index
    %get3A_614 = vector.load %arg1[%get3A_612, %get3A_613] : memref<64x32768xf32, #tpu.memory_space<vmem>>, vector<64x128xf32>
    %get3A_615 = arith.constant 0 : index
    %get3A_616 = arith.constant 14464 : index
    %get3A_617 = vector.load %arg1[%get3A_615, %get3A_616] : memref<64x32768xf32, #tpu.memory_space<vmem>>, vector<64x128xf32>
    %concatenate3A_618 = tpu.concatenate %get3A_614, %get3A_617 in 0 : vector<64x128xf32>, vector<64x128xf32> -> vector<128x128xf32>
    %transpose3A_619 = tpu.transpose %concatenate3A_618, [1, 0] : vector<128x128xf32> -> vector<128x128xf32>
    %swap3A_620 = arith.constant 7168 : index
    %swap3A_621 = arith.constant 0 : index
    %swap3A_622 = vector.load %arg2[%swap3A_620, %swap3A_621] : memref<16384x128xf32, #tpu.memory_space<vmem>>, vector<128x128xf32>
    tpu.vector_store %arg2[%swap3A_620, %swap3A_621], %transpose3A_619 {strides = array<i32>} : memref<16384x128xf32, #tpu.memory_space<vmem>>, vector<128x128xf32>,
    %get3A_623 = arith.constant 0 : index
    %get3A_624 = arith.constant 14592 : index
    %get3A_625 = vector.load %arg1[%get3A_623, %get3A_624] : memref<64x32768xf32, #tpu.memory_space<vmem>>, vector<64x128xf32>
    %get3A_626 = arith.constant 0 : index
    %get3A_627 = arith.constant 14720 : index
    %get3A_628 = vector.load %arg1[%get3A_626, %get3A_627] : memref<64x32768xf32, #tpu.memory_space<vmem>>, vector<64x128xf32>
    %concatenate3A_629 = tpu.concatenate %get3A_625, %get3A_628 in 0 : vector<64x128xf32>, vector<64x128xf32> -> vector<128x128xf32>
    %transpose3A_630 = tpu.transpose %concatenate3A_629, [1, 0] : vector<128x128xf32> -> vector<128x128xf32>
    %swap3A_631 = arith.constant 7296 : index
    %swap3A_632 = arith.constant 0 : index
    %swap3A_633 = vector.load %arg2[%swap3A_631, %swap3A_632] : memref<16384x128xf32, #tpu.memory_space<vmem>>, vector<128x128xf32>
    tpu.vector_store %arg2[%swap3A_631, %swap3A_632], %transpose3A_630 {strides = array<i32>} : memref<16384x128xf32, #tpu.memory_space<vmem>>, vector<128x128xf32>,
    %get3A_634 = arith.constant 0 : index
    %get3A_635 = arith.constant 14848 : index
    %get3A_636 = vector.load %arg1[%get3A_634, %get3A_635] : memref<64x32768xf32, #tpu.memory_space<vmem>>, vector<64x128xf32>
    %get3A_637 = arith.constant 0 : index
    %get3A_638 = arith.constant 14976 : index
    %get3A_639 = vector.load %arg1[%get3A_637, %get3A_638] : memref<64x32768xf32, #tpu.memory_space<vmem>>, vector<64x128xf32>
    %concatenate3A_640 = tpu.concatenate %get3A_636, %get3A_639 in 0 : vector<64x128xf32>, vector<64x128xf32> -> vector<128x128xf32>
    %transpose3A_641 = tpu.transpose %concatenate3A_640, [1, 0] : vector<128x128xf32> -> vector<128x128xf32>
    %swap3A_642 = arith.constant 7424 : index
    %swap3A_643 = arith.constant 0 : index
    %swap3A_644 = vector.load %arg2[%swap3A_642, %swap3A_643] : memref<16384x128xf32, #tpu.memory_space<vmem>>, vector<128x128xf32>
    tpu.vector_store %arg2[%swap3A_642, %swap3A_643], %transpose3A_641 {strides = array<i32>} : memref<16384x128xf32, #tpu.memory_space<vmem>>, vector<128x128xf32>,
    %get3A_645 = arith.constant 0 : index
    %get3A_646 = arith.constant 15104 : index
    %get3A_647 = vector.load %arg1[%get3A_645, %get3A_646] : memref<64x32768xf32, #tpu.memory_space<vmem>>, vector<64x128xf32>
    %get3A_648 = arith.constant 0 : index
    %get3A_649 = arith.constant 15232 : index
    %get3A_650 = vector.load %arg1[%get3A_648, %get3A_649] : memref<64x32768xf32, #tpu.memory_space<vmem>>, vector<64x128xf32>
    %concatenate3A_651 = tpu.concatenate %get3A_647, %get3A_650 in 0 : vector<64x128xf32>, vector<64x128xf32> -> vector<128x128xf32>
    %transpose3A_652 = tpu.transpose %concatenate3A_651, [1, 0] : vector<128x128xf32> -> vector<128x128xf32>
    %swap3A_653 = arith.constant 7552 : index
    %swap3A_654 = arith.constant 0 : index
    %swap3A_655 = vector.load %arg2[%swap3A_653, %swap3A_654] : memref<16384x128xf32, #tpu.memory_space<vmem>>, vector<128x128xf32>
    tpu.vector_store %arg2[%swap3A_653, %swap3A_654], %transpose3A_652 {strides = array<i32>} : memref<16384x128xf32, #tpu.memory_space<vmem>>, vector<128x128xf32>,
    %get3A_656 = arith.constant 0 : index
    %get3A_657 = arith.constant 15360 : index
    %get3A_658 = vector.load %arg1[%get3A_656, %get3A_657] : memref<64x32768xf32, #tpu.memory_space<vmem>>, vector<64x128xf32>
    %get3A_659 = arith.constant 0 : index
    %get3A_660 = arith.constant 15488 : index
    %get3A_661 = vector.load %arg1[%get3A_659, %get3A_660] : memref<64x32768xf32, #tpu.memory_space<vmem>>, vector<64x128xf32>
    %concatenate3A_662 = tpu.concatenate %get3A_658, %get3A_661 in 0 : vector<64x128xf32>, vector<64x128xf32> -> vector<128x128xf32>
    %transpose3A_663 = tpu.transpose %concatenate3A_662, [1, 0] : vector<128x128xf32> -> vector<128x128xf32>
    %swap3A_664 = arith.constant 7680 : index
    %swap3A_665 = arith.constant 0 : index
    %swap3A_666 = vector.load %arg2[%swap3A_664, %swap3A_665] : memref<16384x128xf32, #tpu.memory_space<vmem>>, vector<128x128xf32>
    tpu.vector_store %arg2[%swap3A_664, %swap3A_665], %transpose3A_663 {strides = array<i32>} : memref<16384x128xf32, #tpu.memory_space<vmem>>, vector<128x128xf32>,
    %get3A_667 = arith.constant 0 : index
    %get3A_668 = arith.constant 15616 : index
    %get3A_669 = vector.load %arg1[%get3A_667, %get3A_668] : memref<64x32768xf32, #tpu.memory_space<vmem>>, vector<64x128xf32>
    %get3A_670 = arith.constant 0 : index
    %get3A_671 = arith.constant 15744 : index
    %get3A_672 = vector.load %arg1[%get3A_670, %get3A_671] : memref<64x32768xf32, #tpu.memory_space<vmem>>, vector<64x128xf32>
    %concatenate3A_673 = tpu.concatenate %get3A_669, %get3A_672 in 0 : vector<64x128xf32>, vector<64x128xf32> -> vector<128x128xf32>
    %transpose3A_674 = tpu.transpose %concatenate3A_673, [1, 0] : vector<128x128xf32> -> vector<128x128xf32>
    %swap3A_675 = arith.constant 7808 : index
    %swap3A_676 = arith.constant 0 : index
    %swap3A_677 = vector.load %arg2[%swap3A_675, %swap3A_676] : memref<16384x128xf32, #tpu.memory_space<vmem>>, vector<128x128xf32>
    tpu.vector_store %arg2[%swap3A_675, %swap3A_676], %transpose3A_674 {strides = array<i32>} : memref<16384x128xf32, #tpu.memory_space<vmem>>, vector<128x128xf32>,
    %get3A_678 = arith.constant 0 : index
    %get3A_679 = arith.constant 15872 : index
    %get3A_680 = vector.load %arg1[%get3A_678, %get3A_679] : memref<64x32768xf32, #tpu.memory_space<vmem>>, vector<64x128xf32>
    %get3A_681 = arith.constant 0 : index
    %get3A_682 = arith.constant 16000 : index
    %get3A_683 = vector.load %arg1[%get3A_681, %get3A_682] : memref<64x32768xf32, #tpu.memory_space<vmem>>, vector<64x128xf32>
    %concatenate3A_684 = tpu.concatenate %get3A_680, %get3A_683 in 0 : vector<64x128xf32>, vector<64x128xf32> -> vector<128x128xf32>
    %transpose3A_685 = tpu.transpose %concatenate3A_684, [1, 0] : vector<128x128xf32> -> vector<128x128xf32>
    %swap3A_686 = arith.constant 7936 : index
    %swap3A_687 = arith.constant 0 : index
    %swap3A_688 = vector.load %arg2[%swap3A_686, %swap3A_687] : memref<16384x128xf32, #tpu.memory_space<vmem>>, vector<128x128xf32>
    tpu.vector_store %arg2[%swap3A_686, %swap3A_687], %transpose3A_685 {strides = array<i32>} : memref<16384x128xf32, #tpu.memory_space<vmem>>, vector<128x128xf32>,
    %get3A_689 = arith.constant 0 : index
    %get3A_690 = arith.constant 16128 : index
    %get3A_691 = vector.load %arg1[%get3A_689, %get3A_690] : memref<64x32768xf32, #tpu.memory_space<vmem>>, vector<64x128xf32>
    %get3A_692 = arith.constant 0 : index
    %get3A_693 = arith.constant 16256 : index
    %get3A_694 = vector.load %arg1[%get3A_692, %get3A_693] : memref<64x32768xf32, #tpu.memory_space<vmem>>, vector<64x128xf32>
    %concatenate3A_695 = tpu.concatenate %get3A_691, %get3A_694 in 0 : vector<64x128xf32>, vector<64x128xf32> -> vector<128x128xf32>
    %transpose3A_696 = tpu.transpose %concatenate3A_695, [1, 0] : vector<128x128xf32> -> vector<128x128xf32>
    %swap3A_697 = arith.constant 8064 : index
    %swap3A_698 = arith.constant 0 : index
    %swap3A_699 = vector.load %arg2[%swap3A_697, %swap3A_698] : memref<16384x128xf32, #tpu.memory_space<vmem>>, vector<128x128xf32>
    tpu.vector_store %arg2[%swap3A_697, %swap3A_698], %transpose3A_696 {strides = array<i32>} : memref<16384x128xf32, #tpu.memory_space<vmem>>, vector<128x128xf32>,
    %get3A_700 = arith.constant 0 : index
    %get3A_701 = arith.constant 16384 : index
    %get3A_702 = vector.load %arg1[%get3A_700, %get3A_701] : memref<64x32768xf32, #tpu.memory_space<vmem>>, vector<64x128xf32>
    %get3A_703 = arith.constant 0 : index
    %get3A_704 = arith.constant 16512 : index
    %get3A_705 = vector.load %arg1[%get3A_703, %get3A_704] : memref<64x32768xf32, #tpu.memory_space<vmem>>, vector<64x128xf32>
    %concatenate3A_706 = tpu.concatenate %get3A_702, %get3A_705 in 0 : vector<64x128xf32>, vector<64x128xf32> -> vector<128x128xf32>
    %transpose3A_707 = tpu.transpose %concatenate3A_706, [1, 0] : vector<128x128xf32> -> vector<128x128xf32>
    %swap3A_708 = arith.constant 8192 : index
    %swap3A_709 = arith.constant 0 : index
    %swap3A_710 = vector.load %arg2[%swap3A_708, %swap3A_709] : memref<16384x128xf32, #tpu.memory_space<vmem>>, vector<128x128xf32>
    tpu.vector_store %arg2[%swap3A_708, %swap3A_709], %transpose3A_707 {strides = array<i32>} : memref<16384x128xf32, #tpu.memory_space<vmem>>, vector<128x128xf32>,
    %get3A_711 = arith.constant 0 : index
    %get3A_712 = arith.constant 16640 : index
    %get3A_713 = vector.load %arg1[%get3A_711, %get3A_712] : memref<64x32768xf32, #tpu.memory_space<vmem>>, vector<64x128xf32>
    %get3A_714 = arith.constant 0 : index
    %get3A_715 = arith.constant 16768 : index
    %get3A_716 = vector.load %arg1[%get3A_714, %get3A_715] : memref<64x32768xf32, #tpu.memory_space<vmem>>, vector<64x128xf32>
    %concatenate3A_717 = tpu.concatenate %get3A_713, %get3A_716 in 0 : vector<64x128xf32>, vector<64x128xf32> -> vector<128x128xf32>
    %transpose3A_718 = tpu.transpose %concatenate3A_717, [1, 0] : vector<128x128xf32> -> vector<128x128xf32>
    %swap3A_719 = arith.constant 8320 : index
    %swap3A_720 = arith.constant 0 : index
    %swap3A_721 = vector.load %arg2[%swap3A_719, %swap3A_720] : memref<16384x128xf32, #tpu.memory_space<vmem>>, vector<128x128xf32>
    tpu.vector_store %arg2[%swap3A_719, %swap3A_720], %transpose3A_718 {strides = array<i32>} : memref<16384x128xf32, #tpu.memory_space<vmem>>, vector<128x128xf32>,
    %get3A_722 = arith.constant 0 : index
    %get3A_723 = arith.constant 16896 : index
    %get3A_724 = vector.load %arg1[%get3A_722, %get3A_723] : memref<64x32768xf32, #tpu.memory_space<vmem>>, vector<64x128xf32>
    %get3A_725 = arith.constant 0 : index
    %get3A_726 = arith.constant 17024 : index
    %get3A_727 = vector.load %arg1[%get3A_725, %get3A_726] : memref<64x32768xf32, #tpu.memory_space<vmem>>, vector<64x128xf32>
    %concatenate3A_728 = tpu.concatenate %get3A_724, %get3A_727 in 0 : vector<64x128xf32>, vector<64x128xf32> -> vector<128x128xf32>
    %transpose3A_729 = tpu.transpose %concatenate3A_728, [1, 0] : vector<128x128xf32> -> vector<128x128xf32>
    %swap3A_730 = arith.constant 8448 : index
    %swap3A_731 = arith.constant 0 : index
    %swap3A_732 = vector.load %arg2[%swap3A_730, %swap3A_731] : memref<16384x128xf32, #tpu.memory_space<vmem>>, vector<128x128xf32>
    tpu.vector_store %arg2[%swap3A_730, %swap3A_731], %transpose3A_729 {strides = array<i32>} : memref<16384x128xf32, #tpu.memory_space<vmem>>, vector<128x128xf32>,
    %get3A_733 = arith.constant 0 : index
    %get3A_734 = arith.constant 17152 : index
    %get3A_735 = vector.load %arg1[%get3A_733, %get3A_734] : memref<64x32768xf32, #tpu.memory_space<vmem>>, vector<64x128xf32>
    %get3A_736 = arith.constant 0 : index
    %get3A_737 = arith.constant 17280 : index
    %get3A_738 = vector.load %arg1[%get3A_736, %get3A_737] : memref<64x32768xf32, #tpu.memory_space<vmem>>, vector<64x128xf32>
    %concatenate3A_739 = tpu.concatenate %get3A_735, %get3A_738 in 0 : vector<64x128xf32>, vector<64x128xf32> -> vector<128x128xf32>
    %transpose3A_740 = tpu.transpose %concatenate3A_739, [1, 0] : vector<128x128xf32> -> vector<128x128xf32>
    %swap3A_741 = arith.constant 8576 : index
    %swap3A_742 = arith.constant 0 : index
    %swap3A_743 = vector.load %arg2[%swap3A_741, %swap3A_742] : memref<16384x128xf32, #tpu.memory_space<vmem>>, vector<128x128xf32>
    tpu.vector_store %arg2[%swap3A_741, %swap3A_742], %transpose3A_740 {strides = array<i32>} : memref<16384x128xf32, #tpu.memory_space<vmem>>, vector<128x128xf32>,
    %get3A_744 = arith.constant 0 : index
    %get3A_745 = arith.constant 17408 : index
    %get3A_746 = vector.load %arg1[%get3A_744, %get3A_745] : memref<64x32768xf32, #tpu.memory_space<vmem>>, vector<64x128xf32>
    %get3A_747 = arith.constant 0 : index
    %get3A_748 = arith.constant 17536 : index
    %get3A_749 = vector.load %arg1[%get3A_747, %get3A_748] : memref<64x32768xf32, #tpu.memory_space<vmem>>, vector<64x128xf32>
    %concatenate3A_750 = tpu.concatenate %get3A_746, %get3A_749 in 0 : vector<64x128xf32>, vector<64x128xf32> -> vector<128x128xf32>
    %transpose3A_751 = tpu.transpose %concatenate3A_750, [1, 0] : vector<128x128xf32> -> vector<128x128xf32>
    %swap3A_752 = arith.constant 8704 : index
    %swap3A_753 = arith.constant 0 : index
    %swap3A_754 = vector.load %arg2[%swap3A_752, %swap3A_753] : memref<16384x128xf32, #tpu.memory_space<vmem>>, vector<128x128xf32>
    tpu.vector_store %arg2[%swap3A_752, %swap3A_753], %transpose3A_751 {strides = array<i32>} : memref<16384x128xf32, #tpu.memory_space<vmem>>, vector<128x128xf32>,
    %get3A_755 = arith.constant 0 : index
    %get3A_756 = arith.constant 17664 : index
    %get3A_757 = vector.load %arg1[%get3A_755, %get3A_756] : memref<64x32768xf32, #tpu.memory_space<vmem>>, vector<64x128xf32>
    %get3A_758 = arith.constant 0 : index
    %get3A_759 = arith.constant 17792 : index
    %get3A_760 = vector.load %arg1[%get3A_758, %get3A_759] : memref<64x32768xf32, #tpu.memory_space<vmem>>, vector<64x128xf32>
    %concatenate3A_761 = tpu.concatenate %get3A_757, %get3A_760 in 0 : vector<64x128xf32>, vector<64x128xf32> -> vector<128x128xf32>
    %transpose3A_762 = tpu.transpose %concatenate3A_761, [1, 0] : vector<128x128xf32> -> vector<128x128xf32>
    %swap3A_763 = arith.constant 8832 : index
    %swap3A_764 = arith.constant 0 : index
    %swap3A_765 = vector.load %arg2[%swap3A_763, %swap3A_764] : memref<16384x128xf32, #tpu.memory_space<vmem>>, vector<128x128xf32>
    tpu.vector_store %arg2[%swap3A_763, %swap3A_764], %transpose3A_762 {strides = array<i32>} : memref<16384x128xf32, #tpu.memory_space<vmem>>, vector<128x128xf32>,
    %get3A_766 = arith.constant 0 : index
    %get3A_767 = arith.constant 17920 : index
    %get3A_768 = vector.load %arg1[%get3A_766, %get3A_767] : memref<64x32768xf32, #tpu.memory_space<vmem>>, vector<64x128xf32>
    %get3A_769 = arith.constant 0 : index
    %get3A_770 = arith.constant 18048 : index
    %get3A_771 = vector.load %arg1[%get3A_769, %get3A_770] : memref<64x32768xf32, #tpu.memory_space<vmem>>, vector<64x128xf32>
    %concatenate3A_772 = tpu.concatenate %get3A_768, %get3A_771 in 0 : vector<64x128xf32>, vector<64x128xf32> -> vector<128x128xf32>
    %transpose3A_773 = tpu.transpose %concatenate3A_772, [1, 0] : vector<128x128xf32> -> vector<128x128xf32>
    %swap3A_774 = arith.constant 8960 : index
    %swap3A_775 = arith.constant 0 : index
    %swap3A_776 = vector.load %arg2[%swap3A_774, %swap3A_775] : memref<16384x128xf32, #tpu.memory_space<vmem>>, vector<128x128xf32>
    tpu.vector_store %arg2[%swap3A_774, %swap3A_775], %transpose3A_773 {strides = array<i32>} : memref<16384x128xf32, #tpu.memory_space<vmem>>, vector<128x128xf32>,
    %get3A_777 = arith.constant 0 : index
    %get3A_778 = arith.constant 18176 : index
    %get3A_779 = vector.load %arg1[%get3A_777, %get3A_778] : memref<64x32768xf32, #tpu.memory_space<vmem>>, vector<64x128xf32>
    %get3A_780 = arith.constant 0 : index
    %get3A_781 = arith.constant 18304 : index
    %get3A_782 = vector.load %arg1[%get3A_780, %get3A_781] : memref<64x32768xf32, #tpu.memory_space<vmem>>, vector<64x128xf32>
    %concatenate3A_783 = tpu.concatenate %get3A_779, %get3A_782 in 0 : vector<64x128xf32>, vector<64x128xf32> -> vector<128x128xf32>
    %transpose3A_784 = tpu.transpose %concatenate3A_783, [1, 0] : vector<128x128xf32> -> vector<128x128xf32>
    %swap3A_785 = arith.constant 9088 : index
    %swap3A_786 = arith.constant 0 : index
    %swap3A_787 = vector.load %arg2[%swap3A_785, %swap3A_786] : memref<16384x128xf32, #tpu.memory_space<vmem>>, vector<128x128xf32>
    tpu.vector_store %arg2[%swap3A_785, %swap3A_786], %transpose3A_784 {strides = array<i32>} : memref<16384x128xf32, #tpu.memory_space<vmem>>, vector<128x128xf32>,
    %get3A_788 = arith.constant 0 : index
    %get3A_789 = arith.constant 18432 : index
    %get3A_790 = vector.load %arg1[%get3A_788, %get3A_789] : memref<64x32768xf32, #tpu.memory_space<vmem>>, vector<64x128xf32>
    %get3A_791 = arith.constant 0 : index
    %get3A_792 = arith.constant 18560 : index
    %get3A_793 = vector.load %arg1[%get3A_791, %get3A_792] : memref<64x32768xf32, #tpu.memory_space<vmem>>, vector<64x128xf32>
    %concatenate3A_794 = tpu.concatenate %get3A_790, %get3A_793 in 0 : vector<64x128xf32>, vector<64x128xf32> -> vector<128x128xf32>
    %transpose3A_795 = tpu.transpose %concatenate3A_794, [1, 0] : vector<128x128xf32> -> vector<128x128xf32>
    %swap3A_796 = arith.constant 9216 : index
    %swap3A_797 = arith.constant 0 : index
    %swap3A_798 = vector.load %arg2[%swap3A_796, %swap3A_797] : memref<16384x128xf32, #tpu.memory_space<vmem>>, vector<128x128xf32>
    tpu.vector_store %arg2[%swap3A_796, %swap3A_797], %transpose3A_795 {strides = array<i32>} : memref<16384x128xf32, #tpu.memory_space<vmem>>, vector<128x128xf32>,
    %get3A_799 = arith.constant 0 : index
    %get3A_800 = arith.constant 18688 : index
    %get3A_801 = vector.load %arg1[%get3A_799, %get3A_800] : memref<64x32768xf32, #tpu.memory_space<vmem>>, vector<64x128xf32>
    %get3A_802 = arith.constant 0 : index
    %get3A_803 = arith.constant 18816 : index
    %get3A_804 = vector.load %arg1[%get3A_802, %get3A_803] : memref<64x32768xf32, #tpu.memory_space<vmem>>, vector<64x128xf32>
    %concatenate3A_805 = tpu.concatenate %get3A_801, %get3A_804 in 0 : vector<64x128xf32>, vector<64x128xf32> -> vector<128x128xf32>
    %transpose3A_806 = tpu.transpose %concatenate3A_805, [1, 0] : vector<128x128xf32> -> vector<128x128xf32>
    %swap3A_807 = arith.constant 9344 : index
    %swap3A_808 = arith.constant 0 : index
    %swap3A_809 = vector.load %arg2[%swap3A_807, %swap3A_808] : memref<16384x128xf32, #tpu.memory_space<vmem>>, vector<128x128xf32>
    tpu.vector_store %arg2[%swap3A_807, %swap3A_808], %transpose3A_806 {strides = array<i32>} : memref<16384x128xf32, #tpu.memory_space<vmem>>, vector<128x128xf32>,
    %get3A_810 = arith.constant 0 : index
    %get3A_811 = arith.constant 18944 : index
    %get3A_812 = vector.load %arg1[%get3A_810, %get3A_811] : memref<64x32768xf32, #tpu.memory_space<vmem>>, vector<64x128xf32>
    %get3A_813 = arith.constant 0 : index
    %get3A_814 = arith.constant 19072 : index
    %get3A_815 = vector.load %arg1[%get3A_813, %get3A_814] : memref<64x32768xf32, #tpu.memory_space<vmem>>, vector<64x128xf32>
    %concatenate3A_816 = tpu.concatenate %get3A_812, %get3A_815 in 0 : vector<64x128xf32>, vector<64x128xf32> -> vector<128x128xf32>
    %transpose3A_817 = tpu.transpose %concatenate3A_816, [1, 0] : vector<128x128xf32> -> vector<128x128xf32>
    %swap3A_818 = arith.constant 9472 : index
    %swap3A_819 = arith.constant 0 : index
    %swap3A_820 = vector.load %arg2[%swap3A_818, %swap3A_819] : memref<16384x128xf32, #tpu.memory_space<vmem>>, vector<128x128xf32>
    tpu.vector_store %arg2[%swap3A_818, %swap3A_819], %transpose3A_817 {strides = array<i32>} : memref<16384x128xf32, #tpu.memory_space<vmem>>, vector<128x128xf32>,
    %get3A_821 = arith.constant 0 : index
    %get3A_822 = arith.constant 19200 : index
    %get3A_823 = vector.load %arg1[%get3A_821, %get3A_822] : memref<64x32768xf32, #tpu.memory_space<vmem>>, vector<64x128xf32>
    %get3A_824 = arith.constant 0 : index
    %get3A_825 = arith.constant 19328 : index
    %get3A_826 = vector.load %arg1[%get3A_824, %get3A_825] : memref<64x32768xf32, #tpu.memory_space<vmem>>, vector<64x128xf32>
    %concatenate3A_827 = tpu.concatenate %get3A_823, %get3A_826 in 0 : vector<64x128xf32>, vector<64x128xf32> -> vector<128x128xf32>
    %transpose3A_828 = tpu.transpose %concatenate3A_827, [1, 0] : vector<128x128xf32> -> vector<128x128xf32>
    %swap3A_829 = arith.constant 9600 : index
    %swap3A_830 = arith.constant 0 : index
    %swap3A_831 = vector.load %arg2[%swap3A_829, %swap3A_830] : memref<16384x128xf32, #tpu.memory_space<vmem>>, vector<128x128xf32>
    tpu.vector_store %arg2[%swap3A_829, %swap3A_830], %transpose3A_828 {strides = array<i32>} : memref<16384x128xf32, #tpu.memory_space<vmem>>, vector<128x128xf32>,
    %get3A_832 = arith.constant 0 : index
    %get3A_833 = arith.constant 19456 : index
    %get3A_834 = vector.load %arg1[%get3A_832, %get3A_833] : memref<64x32768xf32, #tpu.memory_space<vmem>>, vector<64x128xf32>
    %get3A_835 = arith.constant 0 : index
    %get3A_836 = arith.constant 19584 : index
    %get3A_837 = vector.load %arg1[%get3A_835, %get3A_836] : memref<64x32768xf32, #tpu.memory_space<vmem>>, vector<64x128xf32>
    %concatenate3A_838 = tpu.concatenate %get3A_834, %get3A_837 in 0 : vector<64x128xf32>, vector<64x128xf32> -> vector<128x128xf32>
    %transpose3A_839 = tpu.transpose %concatenate3A_838, [1, 0] : vector<128x128xf32> -> vector<128x128xf32>
    %swap3A_840 = arith.constant 9728 : index
    %swap3A_841 = arith.constant 0 : index
    %swap3A_842 = vector.load %arg2[%swap3A_840, %swap3A_841] : memref<16384x128xf32, #tpu.memory_space<vmem>>, vector<128x128xf32>
    tpu.vector_store %arg2[%swap3A_840, %swap3A_841], %transpose3A_839 {strides = array<i32>} : memref<16384x128xf32, #tpu.memory_space<vmem>>, vector<128x128xf32>,
    %get3A_843 = arith.constant 0 : index
    %get3A_844 = arith.constant 19712 : index
    %get3A_845 = vector.load %arg1[%get3A_843, %get3A_844] : memref<64x32768xf32, #tpu.memory_space<vmem>>, vector<64x128xf32>
    %get3A_846 = arith.constant 0 : index
    %get3A_847 = arith.constant 19840 : index
    %get3A_848 = vector.load %arg1[%get3A_846, %get3A_847] : memref<64x32768xf32, #tpu.memory_space<vmem>>, vector<64x128xf32>
    %concatenate3A_849 = tpu.concatenate %get3A_845, %get3A_848 in 0 : vector<64x128xf32>, vector<64x128xf32> -> vector<128x128xf32>
    %transpose3A_850 = tpu.transpose %concatenate3A_849, [1, 0] : vector<128x128xf32> -> vector<128x128xf32>
    %swap3A_851 = arith.constant 9856 : index
    %swap3A_852 = arith.constant 0 : index
    %swap3A_853 = vector.load %arg2[%swap3A_851, %swap3A_852] : memref<16384x128xf32, #tpu.memory_space<vmem>>, vector<128x128xf32>
    tpu.vector_store %arg2[%swap3A_851, %swap3A_852], %transpose3A_850 {strides = array<i32>} : memref<16384x128xf32, #tpu.memory_space<vmem>>, vector<128x128xf32>,
    %get3A_854 = arith.constant 0 : index
    %get3A_855 = arith.constant 19968 : index
    %get3A_856 = vector.load %arg1[%get3A_854, %get3A_855] : memref<64x32768xf32, #tpu.memory_space<vmem>>, vector<64x128xf32>
    %get3A_857 = arith.constant 0 : index
    %get3A_858 = arith.constant 20096 : index
    %get3A_859 = vector.load %arg1[%get3A_857, %get3A_858] : memref<64x32768xf32, #tpu.memory_space<vmem>>, vector<64x128xf32>
    %concatenate3A_860 = tpu.concatenate %get3A_856, %get3A_859 in 0 : vector<64x128xf32>, vector<64x128xf32> -> vector<128x128xf32>
    %transpose3A_861 = tpu.transpose %concatenate3A_860, [1, 0] : vector<128x128xf32> -> vector<128x128xf32>
    %swap3A_862 = arith.constant 9984 : index
    %swap3A_863 = arith.constant 0 : index
    %swap3A_864 = vector.load %arg2[%swap3A_862, %swap3A_863] : memref<16384x128xf32, #tpu.memory_space<vmem>>, vector<128x128xf32>
    tpu.vector_store %arg2[%swap3A_862, %swap3A_863], %transpose3A_861 {strides = array<i32>} : memref<16384x128xf32, #tpu.memory_space<vmem>>, vector<128x128xf32>,
    %get3A_865 = arith.constant 0 : index
    %get3A_866 = arith.constant 20224 : index
    %get3A_867 = vector.load %arg1[%get3A_865, %get3A_866] : memref<64x32768xf32, #tpu.memory_space<vmem>>, vector<64x128xf32>
    %get3A_868 = arith.constant 0 : index
    %get3A_869 = arith.constant 20352 : index
    %get3A_870 = vector.load %arg1[%get3A_868, %get3A_869] : memref<64x32768xf32, #tpu.memory_space<vmem>>, vector<64x128xf32>
    %concatenate3A_871 = tpu.concatenate %get3A_867, %get3A_870 in 0 : vector<64x128xf32>, vector<64x128xf32> -> vector<128x128xf32>
    %transpose3A_872 = tpu.transpose %concatenate3A_871, [1, 0] : vector<128x128xf32> -> vector<128x128xf32>
    %swap3A_873 = arith.constant 10112 : index
    %swap3A_874 = arith.constant 0 : index
    %swap3A_875 = vector.load %arg2[%swap3A_873, %swap3A_874] : memref<16384x128xf32, #tpu.memory_space<vmem>>, vector<128x128xf32>
    tpu.vector_store %arg2[%swap3A_873, %swap3A_874], %transpose3A_872 {strides = array<i32>} : memref<16384x128xf32, #tpu.memory_space<vmem>>, vector<128x128xf32>,
    %get3A_876 = arith.constant 0 : index
    %get3A_877 = arith.constant 20480 : index
    %get3A_878 = vector.load %arg1[%get3A_876, %get3A_877] : memref<64x32768xf32, #tpu.memory_space<vmem>>, vector<64x128xf32>
    %get3A_879 = arith.constant 0 : index
    %get3A_880 = arith.constant 20608 : index
    %get3A_881 = vector.load %arg1[%get3A_879, %get3A_880] : memref<64x32768xf32, #tpu.memory_space<vmem>>, vector<64x128xf32>
    %concatenate3A_882 = tpu.concatenate %get3A_878, %get3A_881 in 0 : vector<64x128xf32>, vector<64x128xf32> -> vector<128x128xf32>
    %transpose3A_883 = tpu.transpose %concatenate3A_882, [1, 0] : vector<128x128xf32> -> vector<128x128xf32>
    %swap3A_884 = arith.constant 10240 : index
    %swap3A_885 = arith.constant 0 : index
    %swap3A_886 = vector.load %arg2[%swap3A_884, %swap3A_885] : memref<16384x128xf32, #tpu.memory_space<vmem>>, vector<128x128xf32>
    tpu.vector_store %arg2[%swap3A_884, %swap3A_885], %transpose3A_883 {strides = array<i32>} : memref<16384x128xf32, #tpu.memory_space<vmem>>, vector<128x128xf32>,
    %get3A_887 = arith.constant 0 : index
    %get3A_888 = arith.constant 20736 : index
    %get3A_889 = vector.load %arg1[%get3A_887, %get3A_888] : memref<64x32768xf32, #tpu.memory_space<vmem>>, vector<64x128xf32>
    %get3A_890 = arith.constant 0 : index
    %get3A_891 = arith.constant 20864 : index
    %get3A_892 = vector.load %arg1[%get3A_890, %get3A_891] : memref<64x32768xf32, #tpu.memory_space<vmem>>, vector<64x128xf32>
    %concatenate3A_893 = tpu.concatenate %get3A_889, %get3A_892 in 0 : vector<64x128xf32>, vector<64x128xf32> -> vector<128x128xf32>
    %transpose3A_894 = tpu.transpose %concatenate3A_893, [1, 0] : vector<128x128xf32> -> vector<128x128xf32>
    %swap3A_895 = arith.constant 10368 : index
    %swap3A_896 = arith.constant 0 : index
    %swap3A_897 = vector.load %arg2[%swap3A_895, %swap3A_896] : memref<16384x128xf32, #tpu.memory_space<vmem>>, vector<128x128xf32>
    tpu.vector_store %arg2[%swap3A_895, %swap3A_896], %transpose3A_894 {strides = array<i32>} : memref<16384x128xf32, #tpu.memory_space<vmem>>, vector<128x128xf32>,
    %get3A_898 = arith.constant 0 : index
    %get3A_899 = arith.constant 20992 : index
    %get3A_900 = vector.load %arg1[%get3A_898, %get3A_899] : memref<64x32768xf32, #tpu.memory_space<vmem>>, vector<64x128xf32>
    %get3A_901 = arith.constant 0 : index
    %get3A_902 = arith.constant 21120 : index
    %get3A_903 = vector.load %arg1[%get3A_901, %get3A_902] : memref<64x32768xf32, #tpu.memory_space<vmem>>, vector<64x128xf32>
    %concatenate3A_904 = tpu.concatenate %get3A_900, %get3A_903 in 0 : vector<64x128xf32>, vector<64x128xf32> -> vector<128x128xf32>
    %transpose3A_905 = tpu.transpose %concatenate3A_904, [1, 0] : vector<128x128xf32> -> vector<128x128xf32>
    %swap3A_906 = arith.constant 10496 : index
    %swap3A_907 = arith.constant 0 : index
    %swap3A_908 = vector.load %arg2[%swap3A_906, %swap3A_907] : memref<16384x128xf32, #tpu.memory_space<vmem>>, vector<128x128xf32>
    tpu.vector_store %arg2[%swap3A_906, %swap3A_907], %transpose3A_905 {strides = array<i32>} : memref<16384x128xf32, #tpu.memory_space<vmem>>, vector<128x128xf32>,
    %get3A_909 = arith.constant 0 : index
    %get3A_910 = arith.constant 21248 : index
    %get3A_911 = vector.load %arg1[%get3A_909, %get3A_910] : memref<64x32768xf32, #tpu.memory_space<vmem>>, vector<64x128xf32>
    %get3A_912 = arith.constant 0 : index
    %get3A_913 = arith.constant 21376 : index
    %get3A_914 = vector.load %arg1[%get3A_912, %get3A_913] : memref<64x32768xf32, #tpu.memory_space<vmem>>, vector<64x128xf32>
    %concatenate3A_915 = tpu.concatenate %get3A_911, %get3A_914 in 0 : vector<64x128xf32>, vector<64x128xf32> -> vector<128x128xf32>
    %transpose3A_916 = tpu.transpose %concatenate3A_915, [1, 0] : vector<128x128xf32> -> vector<128x128xf32>
    %swap3A_917 = arith.constant 10624 : index
    %swap3A_918 = arith.constant 0 : index
    %swap3A_919 = vector.load %arg2[%swap3A_917, %swap3A_918] : memref<16384x128xf32, #tpu.memory_space<vmem>>, vector<128x128xf32>
    tpu.vector_store %arg2[%swap3A_917, %swap3A_918], %transpose3A_916 {strides = array<i32>} : memref<16384x128xf32, #tpu.memory_space<vmem>>, vector<128x128xf32>,
    %get3A_920 = arith.constant 0 : index
    %get3A_921 = arith.constant 21504 : index
    %get3A_922 = vector.load %arg1[%get3A_920, %get3A_921] : memref<64x32768xf32, #tpu.memory_space<vmem>>, vector<64x128xf32>
    %get3A_923 = arith.constant 0 : index
    %get3A_924 = arith.constant 21632 : index
    %get3A_925 = vector.load %arg1[%get3A_923, %get3A_924] : memref<64x32768xf32, #tpu.memory_space<vmem>>, vector<64x128xf32>
    %concatenate3A_926 = tpu.concatenate %get3A_922, %get3A_925 in 0 : vector<64x128xf32>, vector<64x128xf32> -> vector<128x128xf32>
    %transpose3A_927 = tpu.transpose %concatenate3A_926, [1, 0] : vector<128x128xf32> -> vector<128x128xf32>
    %swap3A_928 = arith.constant 10752 : index
    %swap3A_929 = arith.constant 0 : index
    %swap3A_930 = vector.load %arg2[%swap3A_928, %swap3A_929] : memref<16384x128xf32, #tpu.memory_space<vmem>>, vector<128x128xf32>
    tpu.vector_store %arg2[%swap3A_928, %swap3A_929], %transpose3A_927 {strides = array<i32>} : memref<16384x128xf32, #tpu.memory_space<vmem>>, vector<128x128xf32>,
    %get3A_931 = arith.constant 0 : index
    %get3A_932 = arith.constant 21760 : index
    %get3A_933 = vector.load %arg1[%get3A_931, %get3A_932] : memref<64x32768xf32, #tpu.memory_space<vmem>>, vector<64x128xf32>
    %get3A_934 = arith.constant 0 : index
    %get3A_935 = arith.constant 21888 : index
    %get3A_936 = vector.load %arg1[%get3A_934, %get3A_935] : memref<64x32768xf32, #tpu.memory_space<vmem>>, vector<64x128xf32>
    %concatenate3A_937 = tpu.concatenate %get3A_933, %get3A_936 in 0 : vector<64x128xf32>, vector<64x128xf32> -> vector<128x128xf32>
    %transpose3A_938 = tpu.transpose %concatenate3A_937, [1, 0] : vector<128x128xf32> -> vector<128x128xf32>
    %swap3A_939 = arith.constant 10880 : index
    %swap3A_940 = arith.constant 0 : index
    %swap3A_941 = vector.load %arg2[%swap3A_939, %swap3A_940] : memref<16384x128xf32, #tpu.memory_space<vmem>>, vector<128x128xf32>
    tpu.vector_store %arg2[%swap3A_939, %swap3A_940], %transpose3A_938 {strides = array<i32>} : memref<16384x128xf32, #tpu.memory_space<vmem>>, vector<128x128xf32>,
    %get3A_942 = arith.constant 0 : index
    %get3A_943 = arith.constant 22016 : index
    %get3A_944 = vector.load %arg1[%get3A_942, %get3A_943] : memref<64x32768xf32, #tpu.memory_space<vmem>>, vector<64x128xf32>
    %get3A_945 = arith.constant 0 : index
    %get3A_946 = arith.constant 22144 : index
    %get3A_947 = vector.load %arg1[%get3A_945, %get3A_946] : memref<64x32768xf32, #tpu.memory_space<vmem>>, vector<64x128xf32>
    %concatenate3A_948 = tpu.concatenate %get3A_944, %get3A_947 in 0 : vector<64x128xf32>, vector<64x128xf32> -> vector<128x128xf32>
    %transpose3A_949 = tpu.transpose %concatenate3A_948, [1, 0] : vector<128x128xf32> -> vector<128x128xf32>
    %swap3A_950 = arith.constant 11008 : index
    %swap3A_951 = arith.constant 0 : index
    %swap3A_952 = vector.load %arg2[%swap3A_950, %swap3A_951] : memref<16384x128xf32, #tpu.memory_space<vmem>>, vector<128x128xf32>
    tpu.vector_store %arg2[%swap3A_950, %swap3A_951], %transpose3A_949 {strides = array<i32>} : memref<16384x128xf32, #tpu.memory_space<vmem>>, vector<128x128xf32>,
    %get3A_953 = arith.constant 0 : index
    %get3A_954 = arith.constant 22272 : index
    %get3A_955 = vector.load %arg1[%get3A_953, %get3A_954] : memref<64x32768xf32, #tpu.memory_space<vmem>>, vector<64x128xf32>
    %get3A_956 = arith.constant 0 : index
    %get3A_957 = arith.constant 22400 : index
    %get3A_958 = vector.load %arg1[%get3A_956, %get3A_957] : memref<64x32768xf32, #tpu.memory_space<vmem>>, vector<64x128xf32>
    %concatenate3A_959 = tpu.concatenate %get3A_955, %get3A_958 in 0 : vector<64x128xf32>, vector<64x128xf32> -> vector<128x128xf32>
    %transpose3A_960 = tpu.transpose %concatenate3A_959, [1, 0] : vector<128x128xf32> -> vector<128x128xf32>
    %swap3A_961 = arith.constant 11136 : index
    %swap3A_962 = arith.constant 0 : index
    %swap3A_963 = vector.load %arg2[%swap3A_961, %swap3A_962] : memref<16384x128xf32, #tpu.memory_space<vmem>>, vector<128x128xf32>
    tpu.vector_store %arg2[%swap3A_961, %swap3A_962], %transpose3A_960 {strides = array<i32>} : memref<16384x128xf32, #tpu.memory_space<vmem>>, vector<128x128xf32>,
    %get3A_964 = arith.constant 0 : index
    %get3A_965 = arith.constant 22528 : index
    %get3A_966 = vector.load %arg1[%get3A_964, %get3A_965] : memref<64x32768xf32, #tpu.memory_space<vmem>>, vector<64x128xf32>
    %get3A_967 = arith.constant 0 : index
    %get3A_968 = arith.constant 22656 : index
    %get3A_969 = vector.load %arg1[%get3A_967, %get3A_968] : memref<64x32768xf32, #tpu.memory_space<vmem>>, vector<64x128xf32>
    %concatenate3A_970 = tpu.concatenate %get3A_966, %get3A_969 in 0 : vector<64x128xf32>, vector<64x128xf32> -> vector<128x128xf32>
    %transpose3A_971 = tpu.transpose %concatenate3A_970, [1, 0] : vector<128x128xf32> -> vector<128x128xf32>
    %swap3A_972 = arith.constant 11264 : index
    %swap3A_973 = arith.constant 0 : index
    %swap3A_974 = vector.load %arg2[%swap3A_972, %swap3A_973] : memref<16384x128xf32, #tpu.memory_space<vmem>>, vector<128x128xf32>
    tpu.vector_store %arg2[%swap3A_972, %swap3A_973], %transpose3A_971 {strides = array<i32>} : memref<16384x128xf32, #tpu.memory_space<vmem>>, vector<128x128xf32>,
    %get3A_975 = arith.constant 0 : index
    %get3A_976 = arith.constant 22784 : index
    %get3A_977 = vector.load %arg1[%get3A_975, %get3A_976] : memref<64x32768xf32, #tpu.memory_space<vmem>>, vector<64x128xf32>
    %get3A_978 = arith.constant 0 : index
    %get3A_979 = arith.constant 22912 : index
    %get3A_980 = vector.load %arg1[%get3A_978, %get3A_979] : memref<64x32768xf32, #tpu.memory_space<vmem>>, vector<64x128xf32>
    %concatenate3A_981 = tpu.concatenate %get3A_977, %get3A_980 in 0 : vector<64x128xf32>, vector<64x128xf32> -> vector<128x128xf32>
    %transpose3A_982 = tpu.transpose %concatenate3A_981, [1, 0] : vector<128x128xf32> -> vector<128x128xf32>
    %swap3A_983 = arith.constant 11392 : index
    %swap3A_984 = arith.constant 0 : index
    %swap3A_985 = vector.load %arg2[%swap3A_983, %swap3A_984] : memref<16384x128xf32, #tpu.memory_space<vmem>>, vector<128x128xf32>
    tpu.vector_store %arg2[%swap3A_983, %swap3A_984], %transpose3A_982 {strides = array<i32>} : memref<16384x128xf32, #tpu.memory_space<vmem>>, vector<128x128xf32>,
    %get3A_986 = arith.constant 0 : index
    %get3A_987 = arith.constant 23040 : index
    %get3A_988 = vector.load %arg1[%get3A_986, %get3A_987] : memref<64x32768xf32, #tpu.memory_space<vmem>>, vector<64x128xf32>
    %get3A_989 = arith.constant 0 : index
    %get3A_990 = arith.constant 23168 : index
    %get3A_991 = vector.load %arg1[%get3A_989, %get3A_990] : memref<64x32768xf32, #tpu.memory_space<vmem>>, vector<64x128xf32>
    %concatenate3A_992 = tpu.concatenate %get3A_988, %get3A_991 in 0 : vector<64x128xf32>, vector<64x128xf32> -> vector<128x128xf32>
    %transpose3A_993 = tpu.transpose %concatenate3A_992, [1, 0] : vector<128x128xf32> -> vector<128x128xf32>
    %swap3A_994 = arith.constant 11520 : index
    %swap3A_995 = arith.constant 0 : index
    %swap3A_996 = vector.load %arg2[%swap3A_994, %swap3A_995] : memref<16384x128xf32, #tpu.memory_space<vmem>>, vector<128x128xf32>
    tpu.vector_store %arg2[%swap3A_994, %swap3A_995], %transpose3A_993 {strides = array<i32>} : memref<16384x128xf32, #tpu.memory_space<vmem>>, vector<128x128xf32>,
    %get3A_997 = arith.constant 0 : index
    %get3A_998 = arith.constant 23296 : index
    %get3A_999 = vector.load %arg1[%get3A_997, %get3A_998] : memref<64x32768xf32, #tpu.memory_space<vmem>>, vector<64x128xf32>
    %get3A_1000 = arith.constant 0 : index
    %get3A_1001 = arith.constant 23424 : index
    %get3A_1002 = vector.load %arg1[%get3A_1000, %get3A_1001] : memref<64x32768xf32, #tpu.memory_space<vmem>>, vector<64x128xf32>
    %concatenate3A_1003 = tpu.concatenate %get3A_999, %get3A_1002 in 0 : vector<64x128xf32>, vector<64x128xf32> -> vector<128x128xf32>
    %transpose3A_1004 = tpu.transpose %concatenate3A_1003, [1, 0] : vector<128x128xf32> -> vector<128x128xf32>
    %swap3A_1005 = arith.constant 11648 : index
    %swap3A_1006 = arith.constant 0 : index
    %swap3A_1007 = vector.load %arg2[%swap3A_1005, %swap3A_1006] : memref<16384x128xf32, #tpu.memory_space<vmem>>, vector<128x128xf32>
    tpu.vector_store %arg2[%swap3A_1005, %swap3A_1006], %transpose3A_1004 {strides = array<i32>} : memref<16384x128xf32, #tpu.memory_space<vmem>>, vector<128x128xf32>,
    %get3A_1008 = arith.constant 0 : index
    %get3A_1009 = arith.constant 23552 : index
    %get3A_1010 = vector.load %arg1[%get3A_1008, %get3A_1009] : memref<64x32768xf32, #tpu.memory_space<vmem>>, vector<64x128xf32>
    %get3A_1011 = arith.constant 0 : index
    %get3A_1012 = arith.constant 23680 : index
    %get3A_1013 = vector.load %arg1[%get3A_1011, %get3A_1012] : memref<64x32768xf32, #tpu.memory_space<vmem>>, vector<64x128xf32>
    %concatenate3A_1014 = tpu.concatenate %get3A_1010, %get3A_1013 in 0 : vector<64x128xf32>, vector<64x128xf32> -> vector<128x128xf32>
    %transpose3A_1015 = tpu.transpose %concatenate3A_1014, [1, 0] : vector<128x128xf32> -> vector<128x128xf32>
    %swap3A_1016 = arith.constant 11776 : index
    %swap3A_1017 = arith.constant 0 : index
    %swap3A_1018 = vector.load %arg2[%swap3A_1016, %swap3A_1017] : memref<16384x128xf32, #tpu.memory_space<vmem>>, vector<128x128xf32>
    tpu.vector_store %arg2[%swap3A_1016, %swap3A_1017], %transpose3A_1015 {strides = array<i32>} : memref<16384x128xf32, #tpu.memory_space<vmem>>, vector<128x128xf32>,
    %get3A_1019 = arith.constant 0 : index
    %get3A_1020 = arith.constant 23808 : index
    %get3A_1021 = vector.load %arg1[%get3A_1019, %get3A_1020] : memref<64x32768xf32, #tpu.memory_space<vmem>>, vector<64x128xf32>
    %get3A_1022 = arith.constant 0 : index
    %get3A_1023 = arith.constant 23936 : index
    %get3A_1024 = vector.load %arg1[%get3A_1022, %get3A_1023] : memref<64x32768xf32, #tpu.memory_space<vmem>>, vector<64x128xf32>
    %concatenate3A_1025 = tpu.concatenate %get3A_1021, %get3A_1024 in 0 : vector<64x128xf32>, vector<64x128xf32> -> vector<128x128xf32>
    %transpose3A_1026 = tpu.transpose %concatenate3A_1025, [1, 0] : vector<128x128xf32> -> vector<128x128xf32>
    %swap3A_1027 = arith.constant 11904 : index
    %swap3A_1028 = arith.constant 0 : index
    %swap3A_1029 = vector.load %arg2[%swap3A_1027, %swap3A_1028] : memref<16384x128xf32, #tpu.memory_space<vmem>>, vector<128x128xf32>
    tpu.vector_store %arg2[%swap3A_1027, %swap3A_1028], %transpose3A_1026 {strides = array<i32>} : memref<16384x128xf32, #tpu.memory_space<vmem>>, vector<128x128xf32>,
    %get3A_1030 = arith.constant 0 : index
    %get3A_1031 = arith.constant 24064 : index
    %get3A_1032 = vector.load %arg1[%get3A_1030, %get3A_1031] : memref<64x32768xf32, #tpu.memory_space<vmem>>, vector<64x128xf32>
    %get3A_1033 = arith.constant 0 : index
    %get3A_1034 = arith.constant 24192 : index
    %get3A_1035 = vector.load %arg1[%get3A_1033, %get3A_1034] : memref<64x32768xf32, #tpu.memory_space<vmem>>, vector<64x128xf32>
    %concatenate3A_1036 = tpu.concatenate %get3A_1032, %get3A_1035 in 0 : vector<64x128xf32>, vector<64x128xf32> -> vector<128x128xf32>
    %transpose3A_1037 = tpu.transpose %concatenate3A_1036, [1, 0] : vector<128x128xf32> -> vector<128x128xf32>
    %swap3A_1038 = arith.constant 12032 : index
    %swap3A_1039 = arith.constant 0 : index
    %swap3A_1040 = vector.load %arg2[%swap3A_1038, %swap3A_1039] : memref<16384x128xf32, #tpu.memory_space<vmem>>, vector<128x128xf32>
    tpu.vector_store %arg2[%swap3A_1038, %swap3A_1039], %transpose3A_1037 {strides = array<i32>} : memref<16384x128xf32, #tpu.memory_space<vmem>>, vector<128x128xf32>,
    %get3A_1041 = arith.constant 0 : index
    %get3A_1042 = arith.constant 24320 : index
    %get3A_1043 = vector.load %arg1[%get3A_1041, %get3A_1042] : memref<64x32768xf32, #tpu.memory_space<vmem>>, vector<64x128xf32>
    %get3A_1044 = arith.constant 0 : index
    %get3A_1045 = arith.constant 24448 : index
    %get3A_1046 = vector.load %arg1[%get3A_1044, %get3A_1045] : memref<64x32768xf32, #tpu.memory_space<vmem>>, vector<64x128xf32>
    %concatenate3A_1047 = tpu.concatenate %get3A_1043, %get3A_1046 in 0 : vector<64x128xf32>, vector<64x128xf32> -> vector<128x128xf32>
    %transpose3A_1048 = tpu.transpose %concatenate3A_1047, [1, 0] : vector<128x128xf32> -> vector<128x128xf32>
    %swap3A_1049 = arith.constant 12160 : index
    %swap3A_1050 = arith.constant 0 : index
    %swap3A_1051 = vector.load %arg2[%swap3A_1049, %swap3A_1050] : memref<16384x128xf32, #tpu.memory_space<vmem>>, vector<128x128xf32>
    tpu.vector_store %arg2[%swap3A_1049, %swap3A_1050], %transpose3A_1048 {strides = array<i32>} : memref<16384x128xf32, #tpu.memory_space<vmem>>, vector<128x128xf32>,
    %get3A_1052 = arith.constant 0 : index
    %get3A_1053 = arith.constant 24576 : index
    %get3A_1054 = vector.load %arg1[%get3A_1052, %get3A_1053] : memref<64x32768xf32, #tpu.memory_space<vmem>>, vector<64x128xf32>
    %get3A_1055 = arith.constant 0 : index
    %get3A_1056 = arith.constant 24704 : index
    %get3A_1057 = vector.load %arg1[%get3A_1055, %get3A_1056] : memref<64x32768xf32, #tpu.memory_space<vmem>>, vector<64x128xf32>
    %concatenate3A_1058 = tpu.concatenate %get3A_1054, %get3A_1057 in 0 : vector<64x128xf32>, vector<64x128xf32> -> vector<128x128xf32>
    %transpose3A_1059 = tpu.transpose %concatenate3A_1058, [1, 0] : vector<128x128xf32> -> vector<128x128xf32>
    %swap3A_1060 = arith.constant 12288 : index
    %swap3A_1061 = arith.constant 0 : index
    %swap3A_1062 = vector.load %arg2[%swap3A_1060, %swap3A_1061] : memref<16384x128xf32, #tpu.memory_space<vmem>>, vector<128x128xf32>
    tpu.vector_store %arg2[%swap3A_1060, %swap3A_1061], %transpose3A_1059 {strides = array<i32>} : memref<16384x128xf32, #tpu.memory_space<vmem>>, vector<128x128xf32>,
    %get3A_1063 = arith.constant 0 : index
    %get3A_1064 = arith.constant 24832 : index
    %get3A_1065 = vector.load %arg1[%get3A_1063, %get3A_1064] : memref<64x32768xf32, #tpu.memory_space<vmem>>, vector<64x128xf32>
    %get3A_1066 = arith.constant 0 : index
    %get3A_1067 = arith.constant 24960 : index
    %get3A_1068 = vector.load %arg1[%get3A_1066, %get3A_1067] : memref<64x32768xf32, #tpu.memory_space<vmem>>, vector<64x128xf32>
    %concatenate3A_1069 = tpu.concatenate %get3A_1065, %get3A_1068 in 0 : vector<64x128xf32>, vector<64x128xf32> -> vector<128x128xf32>
    %transpose3A_1070 = tpu.transpose %concatenate3A_1069, [1, 0] : vector<128x128xf32> -> vector<128x128xf32>
    %swap3A_1071 = arith.constant 12416 : index
    %swap3A_1072 = arith.constant 0 : index
    %swap3A_1073 = vector.load %arg2[%swap3A_1071, %swap3A_1072] : memref<16384x128xf32, #tpu.memory_space<vmem>>, vector<128x128xf32>
    tpu.vector_store %arg2[%swap3A_1071, %swap3A_1072], %transpose3A_1070 {strides = array<i32>} : memref<16384x128xf32, #tpu.memory_space<vmem>>, vector<128x128xf32>,
    %get3A_1074 = arith.constant 0 : index
    %get3A_1075 = arith.constant 25088 : index
    %get3A_1076 = vector.load %arg1[%get3A_1074, %get3A_1075] : memref<64x32768xf32, #tpu.memory_space<vmem>>, vector<64x128xf32>
    %get3A_1077 = arith.constant 0 : index
    %get3A_1078 = arith.constant 25216 : index
    %get3A_1079 = vector.load %arg1[%get3A_1077, %get3A_1078] : memref<64x32768xf32, #tpu.memory_space<vmem>>, vector<64x128xf32>
    %concatenate3A_1080 = tpu.concatenate %get3A_1076, %get3A_1079 in 0 : vector<64x128xf32>, vector<64x128xf32> -> vector<128x128xf32>
    %transpose3A_1081 = tpu.transpose %concatenate3A_1080, [1, 0] : vector<128x128xf32> -> vector<128x128xf32>
    %swap3A_1082 = arith.constant 12544 : index
    %swap3A_1083 = arith.constant 0 : index
    %swap3A_1084 = vector.load %arg2[%swap3A_1082, %swap3A_1083] : memref<16384x128xf32, #tpu.memory_space<vmem>>, vector<128x128xf32>
    tpu.vector_store %arg2[%swap3A_1082, %swap3A_1083], %transpose3A_1081 {strides = array<i32>} : memref<16384x128xf32, #tpu.memory_space<vmem>>, vector<128x128xf32>,
    %get3A_1085 = arith.constant 0 : index
    %get3A_1086 = arith.constant 25344 : index
    %get3A_1087 = vector.load %arg1[%get3A_1085, %get3A_1086] : memref<64x32768xf32, #tpu.memory_space<vmem>>, vector<64x128xf32>
    %get3A_1088 = arith.constant 0 : index
    %get3A_1089 = arith.constant 25472 : index
    %get3A_1090 = vector.load %arg1[%get3A_1088, %get3A_1089] : memref<64x32768xf32, #tpu.memory_space<vmem>>, vector<64x128xf32>
    %concatenate3A_1091 = tpu.concatenate %get3A_1087, %get3A_1090 in 0 : vector<64x128xf32>, vector<64x128xf32> -> vector<128x128xf32>
    %transpose3A_1092 = tpu.transpose %concatenate3A_1091, [1, 0] : vector<128x128xf32> -> vector<128x128xf32>
    %swap3A_1093 = arith.constant 12672 : index
    %swap3A_1094 = arith.constant 0 : index
    %swap3A_1095 = vector.load %arg2[%swap3A_1093, %swap3A_1094] : memref<16384x128xf32, #tpu.memory_space<vmem>>, vector<128x128xf32>
    tpu.vector_store %arg2[%swap3A_1093, %swap3A_1094], %transpose3A_1092 {strides = array<i32>} : memref<16384x128xf32, #tpu.memory_space<vmem>>, vector<128x128xf32>,
    %get3A_1096 = arith.constant 0 : index
    %get3A_1097 = arith.constant 25600 : index
    %get3A_1098 = vector.load %arg1[%get3A_1096, %get3A_1097] : memref<64x32768xf32, #tpu.memory_space<vmem>>, vector<64x128xf32>
    %get3A_1099 = arith.constant 0 : index
    %get3A_1100 = arith.constant 25728 : index
    %get3A_1101 = vector.load %arg1[%get3A_1099, %get3A_1100] : memref<64x32768xf32, #tpu.memory_space<vmem>>, vector<64x128xf32>
    %concatenate3A_1102 = tpu.concatenate %get3A_1098, %get3A_1101 in 0 : vector<64x128xf32>, vector<64x128xf32> -> vector<128x128xf32>
    %transpose3A_1103 = tpu.transpose %concatenate3A_1102, [1, 0] : vector<128x128xf32> -> vector<128x128xf32>
    %swap3A_1104 = arith.constant 12800 : index
    %swap3A_1105 = arith.constant 0 : index
    %swap3A_1106 = vector.load %arg2[%swap3A_1104, %swap3A_1105] : memref<16384x128xf32, #tpu.memory_space<vmem>>, vector<128x128xf32>
    tpu.vector_store %arg2[%swap3A_1104, %swap3A_1105], %transpose3A_1103 {strides = array<i32>} : memref<16384x128xf32, #tpu.memory_space<vmem>>, vector<128x128xf32>,
    %get3A_1107 = arith.constant 0 : index
    %get3A_1108 = arith.constant 25856 : index
    %get3A_1109 = vector.load %arg1[%get3A_1107, %get3A_1108] : memref<64x32768xf32, #tpu.memory_space<vmem>>, vector<64x128xf32>
    %get3A_1110 = arith.constant 0 : index
    %get3A_1111 = arith.constant 25984 : index
    %get3A_1112 = vector.load %arg1[%get3A_1110, %get3A_1111] : memref<64x32768xf32, #tpu.memory_space<vmem>>, vector<64x128xf32>
    %concatenate3A_1113 = tpu.concatenate %get3A_1109, %get3A_1112 in 0 : vector<64x128xf32>, vector<64x128xf32> -> vector<128x128xf32>
    %transpose3A_1114 = tpu.transpose %concatenate3A_1113, [1, 0] : vector<128x128xf32> -> vector<128x128xf32>
    %swap3A_1115 = arith.constant 12928 : index
    %swap3A_1116 = arith.constant 0 : index
    %swap3A_1117 = vector.load %arg2[%swap3A_1115, %swap3A_1116] : memref<16384x128xf32, #tpu.memory_space<vmem>>, vector<128x128xf32>
    tpu.vector_store %arg2[%swap3A_1115, %swap3A_1116], %transpose3A_1114 {strides = array<i32>} : memref<16384x128xf32, #tpu.memory_space<vmem>>, vector<128x128xf32>,
    %get3A_1118 = arith.constant 0 : index
    %get3A_1119 = arith.constant 26112 : index
    %get3A_1120 = vector.load %arg1[%get3A_1118, %get3A_1119] : memref<64x32768xf32, #tpu.memory_space<vmem>>, vector<64x128xf32>
    %get3A_1121 = arith.constant 0 : index
    %get3A_1122 = arith.constant 26240 : index
    %get3A_1123 = vector.load %arg1[%get3A_1121, %get3A_1122] : memref<64x32768xf32, #tpu.memory_space<vmem>>, vector<64x128xf32>
    %concatenate3A_1124 = tpu.concatenate %get3A_1120, %get3A_1123 in 0 : vector<64x128xf32>, vector<64x128xf32> -> vector<128x128xf32>
    %transpose3A_1125 = tpu.transpose %concatenate3A_1124, [1, 0] : vector<128x128xf32> -> vector<128x128xf32>
    %swap3A_1126 = arith.constant 13056 : index
    %swap3A_1127 = arith.constant 0 : index
    %swap3A_1128 = vector.load %arg2[%swap3A_1126, %swap3A_1127] : memref<16384x128xf32, #tpu.memory_space<vmem>>, vector<128x128xf32>
    tpu.vector_store %arg2[%swap3A_1126, %swap3A_1127], %transpose3A_1125 {strides = array<i32>} : memref<16384x128xf32, #tpu.memory_space<vmem>>, vector<128x128xf32>,
    %get3A_1129 = arith.constant 0 : index
    %get3A_1130 = arith.constant 26368 : index
    %get3A_1131 = vector.load %arg1[%get3A_1129, %get3A_1130] : memref<64x32768xf32, #tpu.memory_space<vmem>>, vector<64x128xf32>
    %get3A_1132 = arith.constant 0 : index
    %get3A_1133 = arith.constant 26496 : index
    %get3A_1134 = vector.load %arg1[%get3A_1132, %get3A_1133] : memref<64x32768xf32, #tpu.memory_space<vmem>>, vector<64x128xf32>
    %concatenate3A_1135 = tpu.concatenate %get3A_1131, %get3A_1134 in 0 : vector<64x128xf32>, vector<64x128xf32> -> vector<128x128xf32>
    %transpose3A_1136 = tpu.transpose %concatenate3A_1135, [1, 0] : vector<128x128xf32> -> vector<128x128xf32>
    %swap3A_1137 = arith.constant 13184 : index
    %swap3A_1138 = arith.constant 0 : index
    %swap3A_1139 = vector.load %arg2[%swap3A_1137, %swap3A_1138] : memref<16384x128xf32, #tpu.memory_space<vmem>>, vector<128x128xf32>
    tpu.vector_store %arg2[%swap3A_1137, %swap3A_1138], %transpose3A_1136 {strides = array<i32>} : memref<16384x128xf32, #tpu.memory_space<vmem>>, vector<128x128xf32>,
    %get3A_1140 = arith.constant 0 : index
    %get3A_1141 = arith.constant 26624 : index
    %get3A_1142 = vector.load %arg1[%get3A_1140, %get3A_1141] : memref<64x32768xf32, #tpu.memory_space<vmem>>, vector<64x128xf32>
    %get3A_1143 = arith.constant 0 : index
    %get3A_1144 = arith.constant 26752 : index
    %get3A_1145 = vector.load %arg1[%get3A_1143, %get3A_1144] : memref<64x32768xf32, #tpu.memory_space<vmem>>, vector<64x128xf32>
    %concatenate3A_1146 = tpu.concatenate %get3A_1142, %get3A_1145 in 0 : vector<64x128xf32>, vector<64x128xf32> -> vector<128x128xf32>
    %transpose3A_1147 = tpu.transpose %concatenate3A_1146, [1, 0] : vector<128x128xf32> -> vector<128x128xf32>
    %swap3A_1148 = arith.constant 13312 : index
    %swap3A_1149 = arith.constant 0 : index
    %swap3A_1150 = vector.load %arg2[%swap3A_1148, %swap3A_1149] : memref<16384x128xf32, #tpu.memory_space<vmem>>, vector<128x128xf32>
    tpu.vector_store %arg2[%swap3A_1148, %swap3A_1149], %transpose3A_1147 {strides = array<i32>} : memref<16384x128xf32, #tpu.memory_space<vmem>>, vector<128x128xf32>,
    %get3A_1151 = arith.constant 0 : index
    %get3A_1152 = arith.constant 26880 : index
    %get3A_1153 = vector.load %arg1[%get3A_1151, %get3A_1152] : memref<64x32768xf32, #tpu.memory_space<vmem>>, vector<64x128xf32>
    %get3A_1154 = arith.constant 0 : index
    %get3A_1155 = arith.constant 27008 : index
    %get3A_1156 = vector.load %arg1[%get3A_1154, %get3A_1155] : memref<64x32768xf32, #tpu.memory_space<vmem>>, vector<64x128xf32>
    %concatenate3A_1157 = tpu.concatenate %get3A_1153, %get3A_1156 in 0 : vector<64x128xf32>, vector<64x128xf32> -> vector<128x128xf32>
    %transpose3A_1158 = tpu.transpose %concatenate3A_1157, [1, 0] : vector<128x128xf32> -> vector<128x128xf32>
    %swap3A_1159 = arith.constant 13440 : index
    %swap3A_1160 = arith.constant 0 : index
    %swap3A_1161 = vector.load %arg2[%swap3A_1159, %swap3A_1160] : memref<16384x128xf32, #tpu.memory_space<vmem>>, vector<128x128xf32>
    tpu.vector_store %arg2[%swap3A_1159, %swap3A_1160], %transpose3A_1158 {strides = array<i32>} : memref<16384x128xf32, #tpu.memory_space<vmem>>, vector<128x128xf32>,
    %get3A_1162 = arith.constant 0 : index
    %get3A_1163 = arith.constant 27136 : index
    %get3A_1164 = vector.load %arg1[%get3A_1162, %get3A_1163] : memref<64x32768xf32, #tpu.memory_space<vmem>>, vector<64x128xf32>
    %get3A_1165 = arith.constant 0 : index
    %get3A_1166 = arith.constant 27264 : index
    %get3A_1167 = vector.load %arg1[%get3A_1165, %get3A_1166] : memref<64x32768xf32, #tpu.memory_space<vmem>>, vector<64x128xf32>
    %concatenate3A_1168 = tpu.concatenate %get3A_1164, %get3A_1167 in 0 : vector<64x128xf32>, vector<64x128xf32> -> vector<128x128xf32>
    %transpose3A_1169 = tpu.transpose %concatenate3A_1168, [1, 0] : vector<128x128xf32> -> vector<128x128xf32>
    %swap3A_1170 = arith.constant 13568 : index
    %swap3A_1171 = arith.constant 0 : index
    %swap3A_1172 = vector.load %arg2[%swap3A_1170, %swap3A_1171] : memref<16384x128xf32, #tpu.memory_space<vmem>>, vector<128x128xf32>
    tpu.vector_store %arg2[%swap3A_1170, %swap3A_1171], %transpose3A_1169 {strides = array<i32>} : memref<16384x128xf32, #tpu.memory_space<vmem>>, vector<128x128xf32>,
    %get3A_1173 = arith.constant 0 : index
    %get3A_1174 = arith.constant 27392 : index
    %get3A_1175 = vector.load %arg1[%get3A_1173, %get3A_1174] : memref<64x32768xf32, #tpu.memory_space<vmem>>, vector<64x128xf32>
    %get3A_1176 = arith.constant 0 : index
    %get3A_1177 = arith.constant 27520 : index
    %get3A_1178 = vector.load %arg1[%get3A_1176, %get3A_1177] : memref<64x32768xf32, #tpu.memory_space<vmem>>, vector<64x128xf32>
    %concatenate3A_1179 = tpu.concatenate %get3A_1175, %get3A_1178 in 0 : vector<64x128xf32>, vector<64x128xf32> -> vector<128x128xf32>
    %transpose3A_1180 = tpu.transpose %concatenate3A_1179, [1, 0] : vector<128x128xf32> -> vector<128x128xf32>
    %swap3A_1181 = arith.constant 13696 : index
    %swap3A_1182 = arith.constant 0 : index
    %swap3A_1183 = vector.load %arg2[%swap3A_1181, %swap3A_1182] : memref<16384x128xf32, #tpu.memory_space<vmem>>, vector<128x128xf32>
    tpu.vector_store %arg2[%swap3A_1181, %swap3A_1182], %transpose3A_1180 {strides = array<i32>} : memref<16384x128xf32, #tpu.memory_space<vmem>>, vector<128x128xf32>,
    %get3A_1184 = arith.constant 0 : index
    %get3A_1185 = arith.constant 27648 : index
    %get3A_1186 = vector.load %arg1[%get3A_1184, %get3A_1185] : memref<64x32768xf32, #tpu.memory_space<vmem>>, vector<64x128xf32>
    %get3A_1187 = arith.constant 0 : index
    %get3A_1188 = arith.constant 27776 : index
    %get3A_1189 = vector.load %arg1[%get3A_1187, %get3A_1188] : memref<64x32768xf32, #tpu.memory_space<vmem>>, vector<64x128xf32>
    %concatenate3A_1190 = tpu.concatenate %get3A_1186, %get3A_1189 in 0 : vector<64x128xf32>, vector<64x128xf32> -> vector<128x128xf32>
    %transpose3A_1191 = tpu.transpose %concatenate3A_1190, [1, 0] : vector<128x128xf32> -> vector<128x128xf32>
    %swap3A_1192 = arith.constant 13824 : index
    %swap3A_1193 = arith.constant 0 : index
    %swap3A_1194 = vector.load %arg2[%swap3A_1192, %swap3A_1193] : memref<16384x128xf32, #tpu.memory_space<vmem>>, vector<128x128xf32>
    tpu.vector_store %arg2[%swap3A_1192, %swap3A_1193], %transpose3A_1191 {strides = array<i32>} : memref<16384x128xf32, #tpu.memory_space<vmem>>, vector<128x128xf32>,
    %get3A_1195 = arith.constant 0 : index
    %get3A_1196 = arith.constant 27904 : index
    %get3A_1197 = vector.load %arg1[%get3A_1195, %get3A_1196] : memref<64x32768xf32, #tpu.memory_space<vmem>>, vector<64x128xf32>
    %get3A_1198 = arith.constant 0 : index
    %get3A_1199 = arith.constant 28032 : index
    %get3A_1200 = vector.load %arg1[%get3A_1198, %get3A_1199] : memref<64x32768xf32, #tpu.memory_space<vmem>>, vector<64x128xf32>
    %concatenate3A_1201 = tpu.concatenate %get3A_1197, %get3A_1200 in 0 : vector<64x128xf32>, vector<64x128xf32> -> vector<128x128xf32>
    %transpose3A_1202 = tpu.transpose %concatenate3A_1201, [1, 0] : vector<128x128xf32> -> vector<128x128xf32>
    %swap3A_1203 = arith.constant 13952 : index
    %swap3A_1204 = arith.constant 0 : index
    %swap3A_1205 = vector.load %arg2[%swap3A_1203, %swap3A_1204] : memref<16384x128xf32, #tpu.memory_space<vmem>>, vector<128x128xf32>
    tpu.vector_store %arg2[%swap3A_1203, %swap3A_1204], %transpose3A_1202 {strides = array<i32>} : memref<16384x128xf32, #tpu.memory_space<vmem>>, vector<128x128xf32>,
    %get3A_1206 = arith.constant 0 : index
    %get3A_1207 = arith.constant 28160 : index
    %get3A_1208 = vector.load %arg1[%get3A_1206, %get3A_1207] : memref<64x32768xf32, #tpu.memory_space<vmem>>, vector<64x128xf32>
    %get3A_1209 = arith.constant 0 : index
    %get3A_1210 = arith.constant 28288 : index
    %get3A_1211 = vector.load %arg1[%get3A_1209, %get3A_1210] : memref<64x32768xf32, #tpu.memory_space<vmem>>, vector<64x128xf32>
    %concatenate3A_1212 = tpu.concatenate %get3A_1208, %get3A_1211 in 0 : vector<64x128xf32>, vector<64x128xf32> -> vector<128x128xf32>
    %transpose3A_1213 = tpu.transpose %concatenate3A_1212, [1, 0] : vector<128x128xf32> -> vector<128x128xf32>
    %swap3A_1214 = arith.constant 14080 : index
    %swap3A_1215 = arith.constant 0 : index
    %swap3A_1216 = vector.load %arg2[%swap3A_1214, %swap3A_1215] : memref<16384x128xf32, #tpu.memory_space<vmem>>, vector<128x128xf32>
    tpu.vector_store %arg2[%swap3A_1214, %swap3A_1215], %transpose3A_1213 {strides = array<i32>} : memref<16384x128xf32, #tpu.memory_space<vmem>>, vector<128x128xf32>,
    %get3A_1217 = arith.constant 0 : index
    %get3A_1218 = arith.constant 28416 : index
    %get3A_1219 = vector.load %arg1[%get3A_1217, %get3A_1218] : memref<64x32768xf32, #tpu.memory_space<vmem>>, vector<64x128xf32>
    %get3A_1220 = arith.constant 0 : index
    %get3A_1221 = arith.constant 28544 : index
    %get3A_1222 = vector.load %arg1[%get3A_1220, %get3A_1221] : memref<64x32768xf32, #tpu.memory_space<vmem>>, vector<64x128xf32>
    %concatenate3A_1223 = tpu.concatenate %get3A_1219, %get3A_1222 in 0 : vector<64x128xf32>, vector<64x128xf32> -> vector<128x128xf32>
    %transpose3A_1224 = tpu.transpose %concatenate3A_1223, [1, 0] : vector<128x128xf32> -> vector<128x128xf32>
    %swap3A_1225 = arith.constant 14208 : index
    %swap3A_1226 = arith.constant 0 : index
    %swap3A_1227 = vector.load %arg2[%swap3A_1225, %swap3A_1226] : memref<16384x128xf32, #tpu.memory_space<vmem>>, vector<128x128xf32>
    tpu.vector_store %arg2[%swap3A_1225, %swap3A_1226], %transpose3A_1224 {strides = array<i32>} : memref<16384x128xf32, #tpu.memory_space<vmem>>, vector<128x128xf32>,
    %get3A_1228 = arith.constant 0 : index
    %get3A_1229 = arith.constant 28672 : index
    %get3A_1230 = vector.load %arg1[%get3A_1228, %get3A_1229] : memref<64x32768xf32, #tpu.memory_space<vmem>>, vector<64x128xf32>
    %get3A_1231 = arith.constant 0 : index
    %get3A_1232 = arith.constant 28800 : index
    %get3A_1233 = vector.load %arg1[%get3A_1231, %get3A_1232] : memref<64x32768xf32, #tpu.memory_space<vmem>>, vector<64x128xf32>
    %concatenate3A_1234 = tpu.concatenate %get3A_1230, %get3A_1233 in 0 : vector<64x128xf32>, vector<64x128xf32> -> vector<128x128xf32>
    %transpose3A_1235 = tpu.transpose %concatenate3A_1234, [1, 0] : vector<128x128xf32> -> vector<128x128xf32>
    %swap3A_1236 = arith.constant 14336 : index
    %swap3A_1237 = arith.constant 0 : index
    %swap3A_1238 = vector.load %arg2[%swap3A_1236, %swap3A_1237] : memref<16384x128xf32, #tpu.memory_space<vmem>>, vector<128x128xf32>
    tpu.vector_store %arg2[%swap3A_1236, %swap3A_1237], %transpose3A_1235 {strides = array<i32>} : memref<16384x128xf32, #tpu.memory_space<vmem>>, vector<128x128xf32>,
    %get3A_1239 = arith.constant 0 : index
    %get3A_1240 = arith.constant 28928 : index
    %get3A_1241 = vector.load %arg1[%get3A_1239, %get3A_1240] : memref<64x32768xf32, #tpu.memory_space<vmem>>, vector<64x128xf32>
    %get3A_1242 = arith.constant 0 : index
    %get3A_1243 = arith.constant 29056 : index
    %get3A_1244 = vector.load %arg1[%get3A_1242, %get3A_1243] : memref<64x32768xf32, #tpu.memory_space<vmem>>, vector<64x128xf32>
    %concatenate3A_1245 = tpu.concatenate %get3A_1241, %get3A_1244 in 0 : vector<64x128xf32>, vector<64x128xf32> -> vector<128x128xf32>
    %transpose3A_1246 = tpu.transpose %concatenate3A_1245, [1, 0] : vector<128x128xf32> -> vector<128x128xf32>
    %swap3A_1247 = arith.constant 14464 : index
    %swap3A_1248 = arith.constant 0 : index
    %swap3A_1249 = vector.load %arg2[%swap3A_1247, %swap3A_1248] : memref<16384x128xf32, #tpu.memory_space<vmem>>, vector<128x128xf32>
    tpu.vector_store %arg2[%swap3A_1247, %swap3A_1248], %transpose3A_1246 {strides = array<i32>} : memref<16384x128xf32, #tpu.memory_space<vmem>>, vector<128x128xf32>,
    %get3A_1250 = arith.constant 0 : index
    %get3A_1251 = arith.constant 29184 : index
    %get3A_1252 = vector.load %arg1[%get3A_1250, %get3A_1251] : memref<64x32768xf32, #tpu.memory_space<vmem>>, vector<64x128xf32>
    %get3A_1253 = arith.constant 0 : index
    %get3A_1254 = arith.constant 29312 : index
    %get3A_1255 = vector.load %arg1[%get3A_1253, %get3A_1254] : memref<64x32768xf32, #tpu.memory_space<vmem>>, vector<64x128xf32>
    %concatenate3A_1256 = tpu.concatenate %get3A_1252, %get3A_1255 in 0 : vector<64x128xf32>, vector<64x128xf32> -> vector<128x128xf32>
    %transpose3A_1257 = tpu.transpose %concatenate3A_1256, [1, 0] : vector<128x128xf32> -> vector<128x128xf32>
    %swap3A_1258 = arith.constant 14592 : index
    %swap3A_1259 = arith.constant 0 : index
    %swap3A_1260 = vector.load %arg2[%swap3A_1258, %swap3A_1259] : memref<16384x128xf32, #tpu.memory_space<vmem>>, vector<128x128xf32>
    tpu.vector_store %arg2[%swap3A_1258, %swap3A_1259], %transpose3A_1257 {strides = array<i32>} : memref<16384x128xf32, #tpu.memory_space<vmem>>, vector<128x128xf32>,
    %get3A_1261 = arith.constant 0 : index
    %get3A_1262 = arith.constant 29440 : index
    %get3A_1263 = vector.load %arg1[%get3A_1261, %get3A_1262] : memref<64x32768xf32, #tpu.memory_space<vmem>>, vector<64x128xf32>
    %get3A_1264 = arith.constant 0 : index
    %get3A_1265 = arith.constant 29568 : index
    %get3A_1266 = vector.load %arg1[%get3A_1264, %get3A_1265] : memref<64x32768xf32, #tpu.memory_space<vmem>>, vector<64x128xf32>
    %concatenate3A_1267 = tpu.concatenate %get3A_1263, %get3A_1266 in 0 : vector<64x128xf32>, vector<64x128xf32> -> vector<128x128xf32>
    %transpose3A_1268 = tpu.transpose %concatenate3A_1267, [1, 0] : vector<128x128xf32> -> vector<128x128xf32>
    %swap3A_1269 = arith.constant 14720 : index
    %swap3A_1270 = arith.constant 0 : index
    %swap3A_1271 = vector.load %arg2[%swap3A_1269, %swap3A_1270] : memref<16384x128xf32, #tpu.memory_space<vmem>>, vector<128x128xf32>
    tpu.vector_store %arg2[%swap3A_1269, %swap3A_1270], %transpose3A_1268 {strides = array<i32>} : memref<16384x128xf32, #tpu.memory_space<vmem>>, vector<128x128xf32>,
    %get3A_1272 = arith.constant 0 : index
    %get3A_1273 = arith.constant 29696 : index
    %get3A_1274 = vector.load %arg1[%get3A_1272, %get3A_1273] : memref<64x32768xf32, #tpu.memory_space<vmem>>, vector<64x128xf32>
    %get3A_1275 = arith.constant 0 : index
    %get3A_1276 = arith.constant 29824 : index
    %get3A_1277 = vector.load %arg1[%get3A_1275, %get3A_1276] : memref<64x32768xf32, #tpu.memory_space<vmem>>, vector<64x128xf32>
    %concatenate3A_1278 = tpu.concatenate %get3A_1274, %get3A_1277 in 0 : vector<64x128xf32>, vector<64x128xf32> -> vector<128x128xf32>
    %transpose3A_1279 = tpu.transpose %concatenate3A_1278, [1, 0] : vector<128x128xf32> -> vector<128x128xf32>
    %swap3A_1280 = arith.constant 14848 : index
    %swap3A_1281 = arith.constant 0 : index
    %swap3A_1282 = vector.load %arg2[%swap3A_1280, %swap3A_1281] : memref<16384x128xf32, #tpu.memory_space<vmem>>, vector<128x128xf32>
    tpu.vector_store %arg2[%swap3A_1280, %swap3A_1281], %transpose3A_1279 {strides = array<i32>} : memref<16384x128xf32, #tpu.memory_space<vmem>>, vector<128x128xf32>,
    %get3A_1283 = arith.constant 0 : index
    %get3A_1284 = arith.constant 29952 : index
    %get3A_1285 = vector.load %arg1[%get3A_1283, %get3A_1284] : memref<64x32768xf32, #tpu.memory_space<vmem>>, vector<64x128xf32>
    %get3A_1286 = arith.constant 0 : index
    %get3A_1287 = arith.constant 30080 : index
    %get3A_1288 = vector.load %arg1[%get3A_1286, %get3A_1287] : memref<64x32768xf32, #tpu.memory_space<vmem>>, vector<64x128xf32>
    %concatenate3A_1289 = tpu.concatenate %get3A_1285, %get3A_1288 in 0 : vector<64x128xf32>, vector<64x128xf32> -> vector<128x128xf32>
    %transpose3A_1290 = tpu.transpose %concatenate3A_1289, [1, 0] : vector<128x128xf32> -> vector<128x128xf32>
    %swap3A_1291 = arith.constant 14976 : index
    %swap3A_1292 = arith.constant 0 : index
    %swap3A_1293 = vector.load %arg2[%swap3A_1291, %swap3A_1292] : memref<16384x128xf32, #tpu.memory_space<vmem>>, vector<128x128xf32>
    tpu.vector_store %arg2[%swap3A_1291, %swap3A_1292], %transpose3A_1290 {strides = array<i32>} : memref<16384x128xf32, #tpu.memory_space<vmem>>, vector<128x128xf32>,
    %get3A_1294 = arith.constant 0 : index
    %get3A_1295 = arith.constant 30208 : index
    %get3A_1296 = vector.load %arg1[%get3A_1294, %get3A_1295] : memref<64x32768xf32, #tpu.memory_space<vmem>>, vector<64x128xf32>
    %get3A_1297 = arith.constant 0 : index
    %get3A_1298 = arith.constant 30336 : index
    %get3A_1299 = vector.load %arg1[%get3A_1297, %get3A_1298] : memref<64x32768xf32, #tpu.memory_space<vmem>>, vector<64x128xf32>
    %concatenate3A_1300 = tpu.concatenate %get3A_1296, %get3A_1299 in 0 : vector<64x128xf32>, vector<64x128xf32> -> vector<128x128xf32>
    %transpose3A_1301 = tpu.transpose %concatenate3A_1300, [1, 0] : vector<128x128xf32> -> vector<128x128xf32>
    %swap3A_1302 = arith.constant 15104 : index
    %swap3A_1303 = arith.constant 0 : index
    %swap3A_1304 = vector.load %arg2[%swap3A_1302, %swap3A_1303] : memref<16384x128xf32, #tpu.memory_space<vmem>>, vector<128x128xf32>
    tpu.vector_store %arg2[%swap3A_1302, %swap3A_1303], %transpose3A_1301 {strides = array<i32>} : memref<16384x128xf32, #tpu.memory_space<vmem>>, vector<128x128xf32>,
    %get3A_1305 = arith.constant 0 : index
    %get3A_1306 = arith.constant 30464 : index
    %get3A_1307 = vector.load %arg1[%get3A_1305, %get3A_1306] : memref<64x32768xf32, #tpu.memory_space<vmem>>, vector<64x128xf32>
    %get3A_1308 = arith.constant 0 : index
    %get3A_1309 = arith.constant 30592 : index
    %get3A_1310 = vector.load %arg1[%get3A_1308, %get3A_1309] : memref<64x32768xf32, #tpu.memory_space<vmem>>, vector<64x128xf32>
    %concatenate3A_1311 = tpu.concatenate %get3A_1307, %get3A_1310 in 0 : vector<64x128xf32>, vector<64x128xf32> -> vector<128x128xf32>
    %transpose3A_1312 = tpu.transpose %concatenate3A_1311, [1, 0] : vector<128x128xf32> -> vector<128x128xf32>
    %swap3A_1313 = arith.constant 15232 : index
    %swap3A_1314 = arith.constant 0 : index
    %swap3A_1315 = vector.load %arg2[%swap3A_1313, %swap3A_1314] : memref<16384x128xf32, #tpu.memory_space<vmem>>, vector<128x128xf32>
    tpu.vector_store %arg2[%swap3A_1313, %swap3A_1314], %transpose3A_1312 {strides = array<i32>} : memref<16384x128xf32, #tpu.memory_space<vmem>>, vector<128x128xf32>,
    %get3A_1316 = arith.constant 0 : index
    %get3A_1317 = arith.constant 30720 : index
    %get3A_1318 = vector.load %arg1[%get3A_1316, %get3A_1317] : memref<64x32768xf32, #tpu.memory_space<vmem>>, vector<64x128xf32>
    %get3A_1319 = arith.constant 0 : index
    %get3A_1320 = arith.constant 30848 : index
    %get3A_1321 = vector.load %arg1[%get3A_1319, %get3A_1320] : memref<64x32768xf32, #tpu.memory_space<vmem>>, vector<64x128xf32>
    %concatenate3A_1322 = tpu.concatenate %get3A_1318, %get3A_1321 in 0 : vector<64x128xf32>, vector<64x128xf32> -> vector<128x128xf32>
    %transpose3A_1323 = tpu.transpose %concatenate3A_1322, [1, 0] : vector<128x128xf32> -> vector<128x128xf32>
    %swap3A_1324 = arith.constant 15360 : index
    %swap3A_1325 = arith.constant 0 : index
    %swap3A_1326 = vector.load %arg2[%swap3A_1324, %swap3A_1325] : memref<16384x128xf32, #tpu.memory_space<vmem>>, vector<128x128xf32>
    tpu.vector_store %arg2[%swap3A_1324, %swap3A_1325], %transpose3A_1323 {strides = array<i32>} : memref<16384x128xf32, #tpu.memory_space<vmem>>, vector<128x128xf32>,
    %get3A_1327 = arith.constant 0 : index
    %get3A_1328 = arith.constant 30976 : index
    %get3A_1329 = vector.load %arg1[%get3A_1327, %get3A_1328] : memref<64x32768xf32, #tpu.memory_space<vmem>>, vector<64x128xf32>
    %get3A_1330 = arith.constant 0 : index
    %get3A_1331 = arith.constant 31104 : index
    %get3A_1332 = vector.load %arg1[%get3A_1330, %get3A_1331] : memref<64x32768xf32, #tpu.memory_space<vmem>>, vector<64x128xf32>
    %concatenate3A_1333 = tpu.concatenate %get3A_1329, %get3A_1332 in 0 : vector<64x128xf32>, vector<64x128xf32> -> vector<128x128xf32>
    %transpose3A_1334 = tpu.transpose %concatenate3A_1333, [1, 0] : vector<128x128xf32> -> vector<128x128xf32>
    %swap3A_1335 = arith.constant 15488 : index
    %swap3A_1336 = arith.constant 0 : index
    %swap3A_1337 = vector.load %arg2[%swap3A_1335, %swap3A_1336] : memref<16384x128xf32, #tpu.memory_space<vmem>>, vector<128x128xf32>
    tpu.vector_store %arg2[%swap3A_1335, %swap3A_1336], %transpose3A_1334 {strides = array<i32>} : memref<16384x128xf32, #tpu.memory_space<vmem>>, vector<128x128xf32>,
    %get3A_1338 = arith.constant 0 : index
    %get3A_1339 = arith.constant 31232 : index
    %get3A_1340 = vector.load %arg1[%get3A_1338, %get3A_1339] : memref<64x32768xf32, #tpu.memory_space<vmem>>, vector<64x128xf32>
    %get3A_1341 = arith.constant 0 : index
    %get3A_1342 = arith.constant 31360 : index
    %get3A_1343 = vector.load %arg1[%get3A_1341, %get3A_1342] : memref<64x32768xf32, #tpu.memory_space<vmem>>, vector<64x128xf32>
    %concatenate3A_1344 = tpu.concatenate %get3A_1340, %get3A_1343 in 0 : vector<64x128xf32>, vector<64x128xf32> -> vector<128x128xf32>
    %transpose3A_1345 = tpu.transpose %concatenate3A_1344, [1, 0] : vector<128x128xf32> -> vector<128x128xf32>
    %swap3A_1346 = arith.constant 15616 : index
    %swap3A_1347 = arith.constant 0 : index
    %swap3A_1348 = vector.load %arg2[%swap3A_1346, %swap3A_1347] : memref<16384x128xf32, #tpu.memory_space<vmem>>, vector<128x128xf32>
    tpu.vector_store %arg2[%swap3A_1346, %swap3A_1347], %transpose3A_1345 {strides = array<i32>} : memref<16384x128xf32, #tpu.memory_space<vmem>>, vector<128x128xf32>,
    %get3A_1349 = arith.constant 0 : index
    %get3A_1350 = arith.constant 31488 : index
    %get3A_1351 = vector.load %arg1[%get3A_1349, %get3A_1350] : memref<64x32768xf32, #tpu.memory_space<vmem>>, vector<64x128xf32>
    %get3A_1352 = arith.constant 0 : index
    %get3A_1353 = arith.constant 31616 : index
    %get3A_1354 = vector.load %arg1[%get3A_1352, %get3A_1353] : memref<64x32768xf32, #tpu.memory_space<vmem>>, vector<64x128xf32>
    %concatenate3A_1355 = tpu.concatenate %get3A_1351, %get3A_1354 in 0 : vector<64x128xf32>, vector<64x128xf32> -> vector<128x128xf32>
    %transpose3A_1356 = tpu.transpose %concatenate3A_1355, [1, 0] : vector<128x128xf32> -> vector<128x128xf32>
    %swap3A_1357 = arith.constant 15744 : index
    %swap3A_1358 = arith.constant 0 : index
    %swap3A_1359 = vector.load %arg2[%swap3A_1357, %swap3A_1358] : memref<16384x128xf32, #tpu.memory_space<vmem>>, vector<128x128xf32>
    tpu.vector_store %arg2[%swap3A_1357, %swap3A_1358], %transpose3A_1356 {strides = array<i32>} : memref<16384x128xf32, #tpu.memory_space<vmem>>, vector<128x128xf32>,
    %get3A_1360 = arith.constant 0 : index
    %get3A_1361 = arith.constant 31744 : index
    %get3A_1362 = vector.load %arg1[%get3A_1360, %get3A_1361] : memref<64x32768xf32, #tpu.memory_space<vmem>>, vector<64x128xf32>
    %get3A_1363 = arith.constant 0 : index
    %get3A_1364 = arith.constant 31872 : index
    %get3A_1365 = vector.load %arg1[%get3A_1363, %get3A_1364] : memref<64x32768xf32, #tpu.memory_space<vmem>>, vector<64x128xf32>
    %concatenate3A_1366 = tpu.concatenate %get3A_1362, %get3A_1365 in 0 : vector<64x128xf32>, vector<64x128xf32> -> vector<128x128xf32>
    %transpose3A_1367 = tpu.transpose %concatenate3A_1366, [1, 0] : vector<128x128xf32> -> vector<128x128xf32>
    %swap3A_1368 = arith.constant 15872 : index
    %swap3A_1369 = arith.constant 0 : index
    %swap3A_1370 = vector.load %arg2[%swap3A_1368, %swap3A_1369] : memref<16384x128xf32, #tpu.memory_space<vmem>>, vector<128x128xf32>
    tpu.vector_store %arg2[%swap3A_1368, %swap3A_1369], %transpose3A_1367 {strides = array<i32>} : memref<16384x128xf32, #tpu.memory_space<vmem>>, vector<128x128xf32>,
    %get3A_1371 = arith.constant 0 : index
    %get3A_1372 = arith.constant 32000 : index
    %get3A_1373 = vector.load %arg1[%get3A_1371, %get3A_1372] : memref<64x32768xf32, #tpu.memory_space<vmem>>, vector<64x128xf32>
    %get3A_1374 = arith.constant 0 : index
    %get3A_1375 = arith.constant 32128 : index
    %get3A_1376 = vector.load %arg1[%get3A_1374, %get3A_1375] : memref<64x32768xf32, #tpu.memory_space<vmem>>, vector<64x128xf32>
    %concatenate3A_1377 = tpu.concatenate %get3A_1373, %get3A_1376 in 0 : vector<64x128xf32>, vector<64x128xf32> -> vector<128x128xf32>
    %transpose3A_1378 = tpu.transpose %concatenate3A_1377, [1, 0] : vector<128x128xf32> -> vector<128x128xf32>
    %swap3A_1379 = arith.constant 16000 : index
    %swap3A_1380 = arith.constant 0 : index
    %swap3A_1381 = vector.load %arg2[%swap3A_1379, %swap3A_1380] : memref<16384x128xf32, #tpu.memory_space<vmem>>, vector<128x128xf32>
    tpu.vector_store %arg2[%swap3A_1379, %swap3A_1380], %transpose3A_1378 {strides = array<i32>} : memref<16384x128xf32, #tpu.memory_space<vmem>>, vector<128x128xf32>,
    %get3A_1382 = arith.constant 0 : index
    %get3A_1383 = arith.constant 32256 : index
    %get3A_1384 = vector.load %arg1[%get3A_1382, %get3A_1383] : memref<64x32768xf32, #tpu.memory_space<vmem>>, vector<64x128xf32>
    %get3A_1385 = arith.constant 0 : index
    %get3A_1386 = arith.constant 32384 : index
    %get3A_1387 = vector.load %arg1[%get3A_1385, %get3A_1386] : memref<64x32768xf32, #tpu.memory_space<vmem>>, vector<64x128xf32>
    %concatenate3A_1388 = tpu.concatenate %get3A_1384, %get3A_1387 in 0 : vector<64x128xf32>, vector<64x128xf32> -> vector<128x128xf32>
    %transpose3A_1389 = tpu.transpose %concatenate3A_1388, [1, 0] : vector<128x128xf32> -> vector<128x128xf32>
    %swap3A_1390 = arith.constant 16128 : index
    %swap3A_1391 = arith.constant 0 : index
    %swap3A_1392 = vector.load %arg2[%swap3A_1390, %swap3A_1391] : memref<16384x128xf32, #tpu.memory_space<vmem>>, vector<128x128xf32>
    tpu.vector_store %arg2[%swap3A_1390, %swap3A_1391], %transpose3A_1389 {strides = array<i32>} : memref<16384x128xf32, #tpu.memory_space<vmem>>, vector<128x128xf32>,
    %get3A_1393 = arith.constant 0 : index
    %get3A_1394 = arith.constant 32512 : index
    %get3A_1395 = vector.load %arg1[%get3A_1393, %get3A_1394] : memref<64x32768xf32, #tpu.memory_space<vmem>>, vector<64x128xf32>
    %get3A_1396 = arith.constant 0 : index
    %get3A_1397 = arith.constant 32640 : index
    %get3A_1398 = vector.load %arg1[%get3A_1396, %get3A_1397] : memref<64x32768xf32, #tpu.memory_space<vmem>>, vector<64x128xf32>
    %concatenate3A_1399 = tpu.concatenate %get3A_1395, %get3A_1398 in 0 : vector<64x128xf32>, vector<64x128xf32> -> vector<128x128xf32>
    %transpose3A_1400 = tpu.transpose %concatenate3A_1399, [1, 0] : vector<128x128xf32> -> vector<128x128xf32>
    %swap3A_1401 = arith.constant 16256 : index
    %swap3A_1402 = arith.constant 0 : index
    %swap3A_1403 = vector.load %arg2[%swap3A_1401, %swap3A_1402] : memref<16384x128xf32, #tpu.memory_space<vmem>>, vector<128x128xf32>
    tpu.vector_store %arg2[%swap3A_1401, %swap3A_1402], %transpose3A_1400 {strides = array<i32>} : memref<16384x128xf32, #tpu.memory_space<vmem>>, vector<128x128xf32>,
    return
  }
  func.func @transform_0(%arg0: i32) -> (i32, i32) {
    %c0_i32 = arith.constant 0 : i32
    %c0_i32_0 = arith.constant 0 : i32
    return %c0_i32, %arg0 : i32, i32
  }
  func.func @transform_1(%arg0: i32) -> (i32, i32) {
    %c0_i32 = arith.constant 0 : i32
    %c0_i32_0 = arith.constant 0 : i32
    return %arg0, %c0_i32 : i32, i32
  }
}

</mosaic_0001>

<sc_bundles>
// kernel: kernel.10.cloned.1.call-start
scs
__scs_entry_jumppad:
0x0: {  	(pc) =	sbr.rel $0x88, $3  }
0x1: {  	(tag) =	ssettag $0x0;
	lr =	simm.s32 $0x1  }
0x2: {  	[smem:$0x3F97] =	sst lr;
	_ =	strace $0xD0000000  }
0x3: {  	_ = 	snop  }
0x4: {  	_ = 	snop  }
0x5: {  	_ = 	snop  }
0x6: {  	_ = 	snop  }
0x7: {  	_ = 	snop  }
__scs_overlays_trampoline_lowered:
0x8: {  	[smem:$0x3FA6] =	sst s0  }
0x9: {  	[smem:$0x3FA7] =	sst s1  }
0xa: {  	[smem:$0x3FA8] =	sst s2  }
0xb: {  	[smem:$0x3FA9] =	sst s3  }
0xc: {  	[smem:$0x3FAA] =	sst s4  }
0xd: {  	[smem:$0x3FAB] =	sst s5  }
0xe: {  	[smem:$0x3FAC] =	sst s6  }
0xf: {  	[smem:$0x3FAD] =	sst s7  }
0x10: {  	[smem:$0x3FAE] =	sst s8  }
0x11: {  	[smem:$0x3FAF] =	sst s9;
	s0 =	simm.s32 @!p0 $0x0  }
0x12: {  	s1 =	sld [smem:$0x3F95];
	s0 =	simm.s32 @p0 $0x1  }
0x13: {  	[smem:$0x3FB0] =	sst s0;
	s0 =	simm.s32 @!p1 $0x0  }
0x14: {  	s2 =	sld [smem:$0x3F94];
	s0 =	simm.s32 @p1 $0x1  }
0x15: {  	[smem:$0x3FB1] =	sst s0;
	s0 =	simm.s32 @!p2 $0x0  }
0x16: {  	s3 =	sld [smem:$0x3FDB];
	s0 =	simm.s32 @p2 $0x1  }
0x17: {  	s4 =	simm.s32 $0x1BF5;
	[smem:$0x3FB3] =	sst s0  }
0x18: {  	s0 =	sld [smem:$0x3F96];
	_ =	swait.ge [sflag:s4], $0x0  }
0x19: {  	s7 =	sld [smem:$0x3F97]  }
0x1a: {  	s8 =	sadd.s32 $0xFFFFE003, lr  }
0x1b: {  	s9 =	sadd.s32 $0xFFFFFEF7, lr;
	s5 =	simm.s32 $0xFFFFFFFF;
	p2 =	slt.u32 s8, $0xFFFFF086  }
0x1c: {  	p1 =	slt.u32 s9, $0xF7A;
	s5 =	simm.s32 @!p2 $0x0  }
0x1d: {  	s5 =	simm.s32 @p1 $0x1;
	p0 =	seq.s32 s7, s2  }
0x1e: {  	s7 =	smul.u32 @!p0 $0xF7A, s2;
	p2 =	seq.s32 @!p0 s5, $0x0  }
0x1f: {  	s9 =	smul.u32 $0xF7A, s1;
	s8 =	simm.s32 @!p0 $0x1BF5;
	p2 =	por !p2, p0  }
0x20: {  	[sflag:s8] =	ssyncset.s32 @!p0 $0xFFFFF086;
	s6 =	sadd.s32 @!p0 s3, s7;
	s7 =	simm.s32 @!p0 $0x108  }
0x21: {  	s3 =	sadd.s32 s3, s9;
	s6 =	sadd.s32 @!p0 $0x88, s6;
	s7 =	simm.s32 @p2 $0x1082  }
0x22: {  	[simem:s7], [sflag:s8] =	dma.local @!p0 [hbm:s6], $0xF7A  }
0x23: {  	s9 =	sor.u32 $0xD0000000, s2;
	s6 =	simm.s32 $0x108;
	_ =	swait.ge @!p0 [sflag:s8], $0x0  }
0x24: {  	s3 =	sadd.s32 $0x88, s3;
	s6 =	simm.s32 @!p1 $0x1082;
	[sflag:s4] =	ssyncset.s32 $0xFFFFF086  }
0x25: {  	[simem:s6], [sflag:s4] =	dma.local [hbm:s3], $0xF7A  }
0x26: {  	[smem:$0x3F97] =	sst s1;
	(tag) =	ssettag s2;
	_ =	strace s9  }
0x27: {  	s1 =	sld [smem:$0x3FA7]  }
0x28: {  	s2 =	sld [smem:$0x3FA8]  }
0x29: {  	s4 =	sld [smem:$0x3FAA]  }
0x2a: {  	p0 =	seq.s32 s5, $0x0;
	s5 =	sld [smem:$0x3FAB]  }
0x2b: {  	s6 =	sld [smem:$0x3FAC]  }
0x2c: {  	s7 =	sld [smem:$0x3FAD]  }
0x2d: {  	s3 =	simm.s32 $0x108;
	s8 =	sld [smem:$0x3FAE]  }
0x2e: {  	s3 =	simm.s32 @!p0 $0x1082;
	s9 =	sld [smem:$0x3FAF]  }
0x2f: {  	lr =	sadd.s32 s0, s3;
	s0 =	sld [smem:$0x3FA6]  }
0x30: {  	s3 =	sld [smem:$0x3FA9]  }
0x31: {  	[smem:$0x3FB2] =	sst s10  }
0x32: {  	s10 =	sld [smem:$0x3FB0];
	_ =	sdelay $0x3  }
0x33: {  	p0 =	seq.s32 s10, $0x1;
	s10 =	sld [smem:$0x3FB2];
	_ =	sdelay $0x3  }
0x34: {  	[smem:$0x3FB2] =	sst s10  }
0x35: {  	s10 =	sld [smem:$0x3FB1];
	_ =	sdelay $0x3  }
0x36: {  	p1 =	seq.s32 s10, $0x1;
	s10 =	sld [smem:$0x3FB2];
	_ =	sdelay $0x3  }
0x37: {  	[smem:$0x3FB2] =	sst s10  }
0x38: {  	s10 =	sld [smem:$0x3FB3]  }
0x39: {  	_ = 	snop;
	(pc) =	sbr.ind lr, $3  }
0x3a: {  	_ = 	snop  }
0x3b: {  	_ = 	snop  }
0x3c: {  	p2 =	seq.s32 s10, $0x1;
	s10 =	sld [smem:$0x3FB2]  }
0x3d: {  	_ =	shalt  }
0x3e: {  	_ =	shalt  }
0x3f: {  	_ =	shalt  }
0x40: {  	_ =	shalt  }
0x41: {  	_ =	shalt  }
0x42: {  	_ =	shalt  }
0x43: {  	_ =	shalt  }
0x44: {  	_ =	shalt  }
0x45: {  	_ =	shalt  }
0x46: {  	_ =	shalt  }
0x47: {  	_ =	shalt  }
0x48: {  	_ =	shalt  }
0x49: {  	_ =	shalt  }
0x4a: {  	_ =	shalt  }
0x4b: {  	_ =	shalt  }
0x4c: {  	_ =	shalt  }
0x4d: {  	_ =	shalt  }
0x4e: {  	_ =	shalt  }
0x4f: {  	_ =	shalt  }
0x50: {  	_ =	shalt  }
0x51: {  	_ =	shalt  }
0x52: {  	_ =	shalt  }
0x53: {  	_ =	shalt  }
0x54: {  	_ =	shalt  }
0x55: {  	_ =	shalt  }
0x56: {  	_ =	shalt  }
0x57: {  	_ =	shalt  }
0x58: {  	_ =	shalt  }
0x59: {  	_ =	shalt  }
0x5a: {  	_ =	shalt  }
0x5b: {  	_ =	shalt  }
0x5c: {  	_ =	shalt  }
0x5d: {  	_ =	shalt  }
0x5e: {  	_ =	shalt  }
0x5f: {  	_ =	shalt  }
0x60: {  	_ =	shalt  }
0x61: {  	_ =	shalt  }
0x62: {  	_ =	shalt  }
0x63: {  	_ =	shalt  }
0x64: {  	_ =	shalt  }
0x65: {  	_ =	shalt  }
0x66: {  	_ =	shalt  }
0x67: {  	_ =	shalt  }
0x68: {  	_ =	shalt  }
0x69: {  	_ =	shalt  }
0x6a: {  	_ =	shalt  }
0x6b: {  	_ =	shalt  }
0x6c: {  	_ =	shalt  }
0x6d: {  	_ =	shalt  }
0x6e: {  	_ =	shalt  }
0x6f: {  	_ =	shalt  }
0x70: {  	_ =	shalt  }
0x71: {  	_ =	shalt  }
0x72: {  	_ =	shalt  }
0x73: {  	_ =	shalt  }
0x74: {  	_ =	shalt  }
0x75: {  	_ =	shalt  }
0x76: {  	_ =	shalt  }
0x77: {  	_ =	shalt  }
0x78: {  	_ =	shalt  }
0x79: {  	_ =	shalt  }
0x7a: {  	_ =	shalt  }
0x7b: {  	_ =	shalt  }
0x7c: {  	_ =	shalt  }
0x7d: {  	_ =	shalt  }
0x7e: {  	_ =	shalt  }
0x7f: {  	_ =	shalt  }
0x80: {  	_ =	shalt  }
0x81: {  	_ =	shalt  }
0x82: {  	_ =	shalt  }
0x83: {  	_ =	shalt  }
0x84: {  	_ =	shalt  }
0x85: {  	_ =	shalt  }
0x86: {  	_ =	shalt  }
0x87: {  	_ =	shalt  }
.Lfunc_end0:
.L_simem_size_0:
called_computation.1_lowered:
.L_overlay_start_0:
0x88: {  	s2 =	sld [smem:$0x3FD9]  }
0x89: {  	s3 =	sld [smem:$0x3FFE];
	_ =	sdelay $0x1  }
0x8a: {  	s1 =	srdreg.scid  }
0x8b: {  	s0 =	sand.u32 $0x1, s1  }
0x8c: {  	s16 =	sshll.u32 s0, $0xA;
	s2 =	sadd.s32 s3, s2  }
0x8d: {  	s2 =	sadd.s32 s2, s16  }
0x8e: {  	[smem:$0x3FBE] =	sst s2  }
0x8f: {  	_ = 	snop  }
0x90: {  	(tm) =	ssettm $0x1  }
0x91: {  	s17 =	sld [smem:$0x3FFB];
	_ =	sdelay $0x3  }
0x92: {  	_ =	strace s17  }
0x93: {  	s2 =	sld [smem:$0x3FFC];
	_ =	sdelay $0x3  }
0x94: {  	_ =	strace s2  }
0x95: {  	s2 =	sld [smem:$0x3FFD];
	_ =	sdelay $0x3  }
0x96: {  	_ =	strace s2  }
0x97: {  	_ =	strace $0x8FFFFFFF  }
0x98: {  	s18 =	sld [smem:$0x3FDB];
	_ =	sdelay $0x1  }
0x99: {  	s19 =	simm.s32 $_scs_section_size  }
0x9a: {  	s4 =	simm.s32 $_size__tile_overlayer_lowered;
	s5 =	simm.s32 $_tile_overlayer_lowered  }
0x9b: {  	s22 =	simm.s32 $0x1BFF;
	s21 =	sshll.u32 s5, $0x1;
	s2 =	sadd.s32 s19, s18  }
0x9c: {  	s6 =	simm.s32 $0x0;
	s20 =	sshll.u32 s4, $0x1;
	s4 =	sadd.s32 s21, s2  }
0x9d: {  	[timem:s6], [sflag:s22] =	dma.local [hbm:s4], s20  }
0x9e: {  	_ =	swait.ge [sflag:s22], s20  }
0x9f: {  	s3 =	ssub.s32 $0x0, s20;
	[sflag:s22] =	ssyncset.done $0x0  }
0xa0: {  	[sflag:s22] =	ssyncadd.s32 s3;
	_ =	sdelay $0x1  }
0xa1: {  	s23 =	simm.s32 $0x1B8B  }
0xa2: {  	_ =	swait.ge [sflag:s23], $0x1  }
0xa3: {  	[sflag:s23] =	ssyncset.done $0x0  }
0xa4: {  	s25 =	simm.s32 $0x1B8E;
	s24 =	sld [smem:$0x3FFE];
	[sflag:s23] =	ssyncadd.s32 $0xFFFFFFFF  }
0xa5: {  	s26 =	simm.s32 $execute0_lowered;
	[smem:$0x3FD2] =	sst s25  }
0xa6: {  	s4 =	sshll.u32 s26, $0x1;
	_ =	strace $0x80000046;
	[dreg:$0x1] =	wrdreg $0xFFFFFFFF  }
0xa7: {  	s28 =	simm.s32 $_size_execute0_lowered;
	s2 =	sadd.s32 s2, s4;
	[dreg:$0x0] =	wrdreg $0x0  }
0xa8: {  	s4 =	sshll.u32 s28, $0x1;
	[dreg:$0x2] =	wrdreg s2  }
0xa9: {  	[dreg:$0x3] =	wrdreg s4  }
0xaa: {  	[dreg:$0x4] =	wrdreg $0xC0  }
0xab: {  	_ =	task [dreg:s6], $0x5FFFF  }
0xac: {  	[dreg:$0x1] =	wrdreg $0xFFFFFFFF  }
0xad: {  	[dreg:$0x0] =	wrdreg $0x60  }
0xae: {  	[dreg:$0x2] =	wrdreg s24  }
0xaf: {  	[dreg:$0x3] =	wrdreg $0xA  }
0xb0: {  	_ =	task.clear_ibuf [dreg:s6], $0x4FFFF;
	_ =	strace $0x90000046  }
0xb1: {  	s29 =	simm.s32 $0xA;
	_ =	strace $0x80000048  }
0xb2: {  	_ =	swait.ge [sflag:s29], $0x1  }
0xb3: {  	[sflag:s29] =	ssyncadd.s32 $0xFFFFFFFF  }
0xb4: {  	_ =	strace $0x90000048  }
0xb5: {  	_ =	sfence  }
0xb6: {  	s30 =	sld [smem:$0x0];
	_ =	sdelay $0x2  }
0xb7: {  	s31 =	sshll.u32 s1, $0xD;
	s1 =	sshrl.u32 s1, $0x2  }
0xb8: {  	s3 =	sand.u32 $0x4000, s31;
	s1 =	sadd.s32 s1, s30  }
0xb9: {  	s0 =	sor.u32 s3, s0;
	s1 =	sshll.u32 s1, $0x11  }
0xba: {  	s0 =	sor.u32 s1, s0  }
0xbb: {  	s0 =	sadd.s32 $0x8F2B, s0  }
0xbc: {  	[sflag:s0] =	ssyncadd.remote.s32 $0x1  }
0xbd: {  	_ =	sfence.sel $0xFFFF  }
0xbe: {  	[dreg:$0x0] =	wrdreg $0xFFFFFFFF;
	(pc) =	sbr.abs _section_cstart, $3  }
0xbf: {  	[dreg:$0x1] =	wrdreg $0xFFFFFFFF  }
0xc0: {  	_ =	task.clear_ibuf [dreg:s6], $0x2FFFF;
	_ =	strace $0x9FFFFFFF  }
0xc1: {  	(tm) =	ssettm $0x7FFFFFFF  }
tec
execute0_lowered:
.L_overlay_start_1:
0x0: {  	(tag) =	ssettag $0x1  }
0x1: {  	s0 =	srdreg.scid  }
0x2: {  	s10 =	rddreg [dreg:$0x0];
	s18 =	sand.u32 $0x1, s0  }
0x3: {  	s1 =	stileid.u32;
	s2 =	simm.s32 $0x0;
	s3 =	sshll.u32 s18, $0x6  }
0x4: {  	s0 =	rddreg [dreg:$0x1];
	s4 =	sshll.u32 s1, $0x7;
	s3 =	sadd.s32 s3, s10  }
0x5: {  	[smem:$0x7FF] =	sst s2;
	s3 =	sadd.s32 s4, s3  }
0x6: {  	_ =	strace $0x80000047;
	s4 =	simm.s32 $0x5;
	s3 =	sadd.s32 $0x2A00, s3  }
0x7: {  	[tilespmem:s2], [sflag:$0x5] =	stream.linear.gather [hbm4b:s3+s2], $0x200, $0x38;
	[tilespmem:$0x8200] =	vst v63  }
0x8: {  	_ =	swait.ge [sflag:s4], $0x200  }
0x9: {  	s6 =	simm.s32 $0x80;
	s7 =	simm.s32 $0x200;
	[sflag:s4] =	ssyncset.done $0x0  }
0xa: {  	s8 =	simm.s32 $0x4200;
	s5 =	sadd.s32 $0x3200, s10;
	[sflag:s4] =	ssyncadd.s32 $0xFFFFFE00  }
0xb: {  	[tilespmem:s7], [sflag:$0x1] =	stream.indirect.gather [hbm4b:s5+s6], $0x80, s2, s6, $0xb8;
	[tilespmem:$0x8200] =	vst v63  }
0xc: {  	s9 =	simm.s32 $0x1;
	s11 =	sshll.u32 s1, $0xE;
	s12 =	sshll.u32 s18, $0xD  }
0xd: {  	[tilespmem:s8], [sflag:$0x2] =	stream.indirect.gather [hbm4b:s5+s6], $0x80, s6, s6, $0xb8;
	[tilespmem:$0x8200] =	vst v63  }
0xe: {  	s11 =	sor.u32 s12, s11;
	_ =	swait.ge [sflag:s9], $0x4000  }
0xf: {  	s19 =	sadd.s32 s11, s10;
	[sflag:s9] =	ssyncset.done $0x0  }
0x10: {  	s11 =	simm.s32 $0x3;
	s10 =	sadd.s32 $0x7C3200, s19;
	[sflag:s9] =	ssyncadd.s32 $0xFFFFC000  }
0x11: {  	[hbm4b:s10+s2] =	stream.linear.scatter [tilespmem:s7], [sflag:$0x3], $0x4000, $0x38;
	[tilespmem:$0x8200] =	vst v63  }
0x12: {  	_ =	swait.ge [sflag:s11], $0x4000  }
0x13: {  	[sflag:s11] =	ssyncset.done $0x0  }
0x14: {  	s13 =	simm.s32 $0x2;
	s12 =	simm.s32 $0x100;
	[sflag:s11] =	ssyncadd.s32 $0xFFFFC000  }
0x15: {  	[tilespmem:s7], [sflag:$0x1] =	stream.indirect.gather [hbm4b:s5+s6], $0x80, s12, s6, $0xb8;
	[tilespmem:$0x8200] =	vst v63  }
0x16: {  	_ =	swait.ge [sflag:s13], $0x4000  }
0x17: {  	[sflag:s13] =	ssyncset.done $0x0  }
0x18: {  	s14 =	simm.s32 $0x4;
	s15 =	sadd.s32 $0x7C3A00, s19;
	[sflag:s13] =	ssyncadd.s32 $0xFFFFC000  }
0x19: {  	[hbm4b:s15+s2] =	stream.linear.scatter [tilespmem:s8], [sflag:$0x4], $0x4000, $0x38;
	[tilespmem:$0x8200] =	vst v63  }
0x1a: {  	_ =	swait.ge [sflag:s14], $0x4000  }
0x1b: {  	[sflag:s14] =	ssyncset.done $0x0  }
0x1c: {  	s16 =	simm.s32 $0x180;
	[sflag:s14] =	ssyncadd.s32 $0xFFFFC000  }
0x1d: {  	[tilespmem:s8], [sflag:$0x2] =	stream.indirect.gather [hbm4b:s5+s6], $0x80, s16, s6, $0xb8;
	[tilespmem:$0x8200] =	vst v63  }
0x1e: {  	_ =	swait.ge [sflag:s9], $0x4000  }
0x1f: {  	s20 =	ssub.s32 $0x2, s18;
	[sflag:s9] =	ssyncset.done $0x0  }
0x20: {  	s31 =	sshrl.u32 s20, $0x1;
	s17 =	sadd.s32 $0x7C4200, s19;
	[sflag:s9] =	ssyncadd.s32 $0xFFFFC000  }
0x21: {  	[hbm4b:s17+s2] =	stream.linear.scatter [tilespmem:s7], [sflag:$0x3], $0x4000, $0x38;
	[tilespmem:$0x8200] =	vst v63  }
0x22: {  	s18 =	sadd.s32 $0x7C4A00, s19;
	s19 =	ssub.s32 s20, s31;
	_ =	swait.ge [sflag:s13], $0x4000  }
0x23: {  	s19 =	smax.u32 s19, $0x1;
	[sflag:s13] =	ssyncset.done $0x0  }
0x24: {  	p0 =	sne.s32 s19, $0x1;
	[sflag:s13] =	ssyncadd.s32 $0xFFFFC000  }
0x25: {  	[hbm4b:s18+s2] =	stream.linear.scatter [tilespmem:s8], [sflag:$0x4], $0x4000, $0x38;
	[tilespmem:$0x8200] =	vst v63  }
.Ltmp0:
0x26: {  	_ =	swait.ge [sflag:s11], $0x4000;
	(pc) =	sbr.rel @!p0 .LBB2_2-.Ltmp0, $4  }
0x27: {  	[sflag:s11] =	ssyncset.done $0x0  }
0x28: {  	[sflag:s11] =	ssyncadd.s32 $0xFFFFC000  }
0x29: {  	_ =	swait.ge [sflag:s14], $0x4000  }
0x2a: {  	s19 =	sadd.s32 $0xFFFFFFFF, s19;
	[sflag:s14] =	ssyncset.done $0x0  }
.LBB2_1:
0x2b: {  	p0 =	sne.s32 s19, $0x1;
	s19 =	sadd.s32 $0xFFFFFFFF, s19;
	[sflag:s14] =	ssyncadd.s32 $0xFFFFC000  }
0x2c: {  	[tilespmem:s2], [sflag:$0x5] =	stream.linear.gather [hbm4b:s3+s2], $0x200, $0x38;
	[tilespmem:$0x8200] =	vst v63  }
0x2d: {  	_ =	swait.ge [sflag:s4], $0x200  }
0x2e: {  	[sflag:s4] =	ssyncset.done $0x0  }
0x2f: {  	[sflag:s4] =	ssyncadd.s32 $0xFFFFFE00  }
0x30: {  	[tilespmem:s7], [sflag:$0x1] =	stream.indirect.gather [hbm4b:s5+s6], $0x80, s2, s6, $0xb8;
	[tilespmem:$0x8200] =	vst v63  }
0x31: {  	_ = 	snop  }
0x32: {  	[tilespmem:s8], [sflag:$0x2] =	stream.indirect.gather [hbm4b:s5+s6], $0x80, s6, s6, $0xb8;
	[tilespmem:$0x8200] =	vst v63  }
0x33: {  	_ =	swait.ge [sflag:s9], $0x4000  }
0x34: {  	[sflag:s9] =	ssyncset.done $0x0  }
0x35: {  	[sflag:s9] =	ssyncadd.s32 $0xFFFFC000  }
0x36: {  	[hbm4b:s10+s2] =	stream.linear.scatter [tilespmem:s7], [sflag:$0x3], $0x4000, $0x38;
	[tilespmem:$0x8200] =	vst v63  }
0x37: {  	_ =	swait.ge [sflag:s11], $0x4000  }
0x38: {  	[sflag:s11] =	ssyncset.done $0x0  }
0x39: {  	[sflag:s11] =	ssyncadd.s32 $0xFFFFC000  }
0x3a: {  	[tilespmem:s7], [sflag:$0x1] =	stream.indirect.gather [hbm4b:s5+s6], $0x80, s12, s6, $0xb8;
	[tilespmem:$0x8200] =	vst v63  }
0x3b: {  	_ =	swait.ge [sflag:s13], $0x4000  }
0x3c: {  	[sflag:s13] =	ssyncset.done $0x0  }
0x3d: {  	[sflag:s13] =	ssyncadd.s32 $0xFFFFC000  }
0x3e: {  	[hbm4b:s15+s2] =	stream.linear.scatter [tilespmem:s8], [sflag:$0x4], $0x4000, $0x38;
	[tilespmem:$0x8200] =	vst v63  }
0x3f: {  	_ =	swait.ge [sflag:s14], $0x4000  }
0x40: {  	[sflag:s14] =	ssyncset.done $0x0  }
0x41: {  	[sflag:s14] =	ssyncadd.s32 $0xFFFFC000  }
0x42: {  	[tilespmem:s8], [sflag:$0x2] =	stream.indirect.gather [hbm4b:s5+s6], $0x80, s16, s6, $0xb8;
	[tilespmem:$0x8200] =	vst v63  }
0x43: {  	_ =	swait.ge [sflag:s9], $0x4000  }
0x44: {  	[sflag:s9] =	ssyncset.done $0x0  }
0x45: {  	[sflag:s9] =	ssyncadd.s32 $0xFFFFC000  }
0x46: {  	[hbm4b:s17+s2] =	stream.linear.scatter [tilespmem:s7], [sflag:$0x3], $0x4000, $0x38;
	[tilespmem:$0x8200] =	vst v63  }
0x47: {  	_ =	swait.ge [sflag:s13], $0x4000  }
0x48: {  	[sflag:s13] =	ssyncset.done $0x0  }
0x49: {  	[sflag:s13] =	ssyncadd.s32 $0xFFFFC000  }
0x4a: {  	[hbm4b:s18+s2] =	stream.linear.scatter [tilespmem:s8], [sflag:$0x4], $0x4000, $0x38;
	[tilespmem:$0x8200] =	vst v63  }
.Ltmp1:
0x4b: {  	_ =	swait.ge [sflag:s11], $0x4000;
	(pc) =	sbr.rel @p0 .LBB2_1-.Ltmp1, $4  }
0x4c: {  	[sflag:s11] =	ssyncset.done $0x0  }
0x4d: {  	[sflag:s11] =	ssyncadd.s32 $0xFFFFC000  }
0x4e: {  	_ =	swait.ge [sflag:s14], $0x4000  }
0x4f: {  	[sflag:s14] =	ssyncset.done $0x0  }
.LBB2_2:
0x50: {  	[sflag:s14] =	ssyncadd.s32 $0xFFFFC000  }
0x51: {  	_ =	sfence.sel $0x180000  }
0x52: {  	[bflag:$0x0] =	sbarrier.arrive $0xFFFF  }
0x53: {  	p0 =	sne.s32 s1, $0x0;
	_ =	strace $0x90000047  }
0x54: {  	s0 =	sadd.s32 @!p0 $0x100000, s0;
	[bflag:$0x2] =	sbarrier.arrive $0xFFFF  }
0x55: {  	[sflag:s0] =	ssyncadd.tile.s32 @!p0 $0x1;
	_ =	shalt  }
.Lfunc_end2:
_tile_overlayer_lowered:
.L_overlay_start_2:
0x56: {  	(tag) =	ssettag $0x2  }
0x57: {  	s0 =	rddreg [dreg:$0x0];
	s2 =	stileid.u32  }
0x58: {  	s1 =	rddreg [dreg:$0x1];
	p0 =	sne.s32 s2, $0x0  }
0x59: {  	s3 =	rddreg [dreg:$0x2];
	[bflag:$0x3] =	sbarrier.arrive $0xFFFF;
	s2 =	simm.s32 @!p0 $0x1C05  }
0x5a: {  	[timem:s3], [sflag:s2] =	dma.local @!p0 [hbm:s0], s1  }
0x5b: {  	s0 =	simm.s32 @!p0 $0x5  }
0x5c: {  	_ =	swait.ge @!p0 [sflag:s0], s1  }
0x5d: {  	s1 =	ssub.s32 @!p0 $0x0, s1;
	[sflag:s0] =	ssyncset.done @!p0 $0x0  }
0x5e: {  	[sflag:s0] =	ssyncadd.s32 @!p0 s1  }
0x5f: {  	[bflag:$0x3] =	sbarrier.arrive $0xFFFF  }
0x60: {  	_ =	shalt  }

// kernel: kernel.7.cloned.1.call-start
scs
__scs_entry_jumppad:
0x0: {  	(pc) =	sbr.rel $0x88, $3  }
0x1: {  	(tag) =	ssettag $0x0;
	lr =	simm.s32 $0x1  }
0x2: {  	[smem:$0x3F97] =	sst lr;
	_ =	strace $0xD0000000  }
0x3: {  	_ = 	snop  }
0x4: {  	_ = 	snop  }
0x5: {  	_ = 	snop  }
0x6: {  	_ = 	snop  }
0x7: {  	_ = 	snop  }
__scs_overlays_trampoline_lowered:
0x8: {  	[smem:$0x3FA6] =	sst s0  }
0x9: {  	[smem:$0x3FA7] =	sst s1  }
0xa: {  	[smem:$0x3FA8] =	sst s2  }
0xb: {  	[smem:$0x3FA9] =	sst s3  }
0xc: {  	[smem:$0x3FAA] =	sst s4  }
0xd: {  	[smem:$0x3FAB] =	sst s5  }
0xe: {  	[smem:$0x3FAC] =	sst s6  }
0xf: {  	[smem:$0x3FAD] =	sst s7  }
0x10: {  	[smem:$0x3FAE] =	sst s8  }
0x11: {  	[smem:$0x3FAF] =	sst s9;
	s0 =	simm.s32 @!p0 $0x0  }
0x12: {  	s1 =	sld [smem:$0x3F95];
	s0 =	simm.s32 @p0 $0x1  }
0x13: {  	[smem:$0x3FB0] =	sst s0;
	s0 =	simm.s32 @!p1 $0x0  }
0x14: {  	s2 =	sld [smem:$0x3F94];
	s0 =	simm.s32 @p1 $0x1  }
0x15: {  	[smem:$0x3FB1] =	sst s0;
	s0 =	simm.s32 @!p2 $0x0  }
0x16: {  	s3 =	sld [smem:$0x3FDB];
	s0 =	simm.s32 @p2 $0x1  }
0x17: {  	s4 =	simm.s32 $0x1BF5;
	[smem:$0x3FB3] =	sst s0  }
0x18: {  	s0 =	sld [smem:$0x3F96];
	_ =	swait.ge [sflag:s4], $0x0  }
0x19: {  	s7 =	sld [smem:$0x3F97]  }
0x1a: {  	s8 =	sadd.s32 $0xFFFFE003, lr  }
0x1b: {  	s9 =	sadd.s32 $0xFFFFFEF7, lr;
	s5 =	simm.s32 $0xFFFFFFFF;
	p2 =	slt.u32 s8, $0xFFFFF086  }
0x1c: {  	p1 =	slt.u32 s9, $0xF7A;
	s5 =	simm.s32 @!p2 $0x0  }
0x1d: {  	s5 =	simm.s32 @p1 $0x1;
	p0 =	seq.s32 s7, s2  }
0x1e: {  	s7 =	smul.u32 @!p0 $0xF7A, s2;
	p2 =	seq.s32 @!p0 s5, $0x0  }
0x1f: {  	s9 =	smul.u32 $0xF7A, s1;
	s8 =	simm.s32 @!p0 $0x1BF5;
	p2 =	por !p2, p0  }
0x20: {  	[sflag:s8] =	ssyncset.s32 @!p0 $0xFFFFF086;
	s6 =	sadd.s32 @!p0 s3, s7;
	s7 =	simm.s32 @!p0 $0x108  }
0x21: {  	s3 =	sadd.s32 s3, s9;
	s6 =	sadd.s32 @!p0 $0x88, s6;
	s7 =	simm.s32 @p2 $0x1082  }
0x22: {  	[simem:s7], [sflag:s8] =	dma.local @!p0 [hbm:s6], $0xF7A  }
0x23: {  	s9 =	sor.u32 $0xD0000000, s2;
	s6 =	simm.s32 $0x108;
	_ =	swait.ge @!p0 [sflag:s8], $0x0  }
0x24: {  	s3 =	sadd.s32 $0x88, s3;
	s6 =	simm.s32 @!p1 $0x1082;
	[sflag:s4] =	ssyncset.s32 $0xFFFFF086  }
0x25: {  	[simem:s6], [sflag:s4] =	dma.local [hbm:s3], $0xF7A  }
0x26: {  	[smem:$0x3F97] =	sst s1;
	(tag) =	ssettag s2;
	_ =	strace s9  }
0x27: {  	s1 =	sld [smem:$0x3FA7]  }
0x28: {  	s2 =	sld [smem:$0x3FA8]  }
0x29: {  	s4 =	sld [smem:$0x3FAA]  }
0x2a: {  	p0 =	seq.s32 s5, $0x0;
	s5 =	sld [smem:$0x3FAB]  }
0x2b: {  	s6 =	sld [smem:$0x3FAC]  }
0x2c: {  	s7 =	sld [smem:$0x3FAD]  }
0x2d: {  	s3 =	simm.s32 $0x108;
	s8 =	sld [smem:$0x3FAE]  }
0x2e: {  	s3 =	simm.s32 @!p0 $0x1082;
	s9 =	sld [smem:$0x3FAF]  }
0x2f: {  	lr =	sadd.s32 s0, s3;
	s0 =	sld [smem:$0x3FA6]  }
0x30: {  	s3 =	sld [smem:$0x3FA9]  }
0x31: {  	[smem:$0x3FB2] =	sst s10  }
0x32: {  	s10 =	sld [smem:$0x3FB0];
	_ =	sdelay $0x3  }
0x33: {  	p0 =	seq.s32 s10, $0x1;
	s10 =	sld [smem:$0x3FB2];
	_ =	sdelay $0x3  }
0x34: {  	[smem:$0x3FB2] =	sst s10  }
0x35: {  	s10 =	sld [smem:$0x3FB1];
	_ =	sdelay $0x3  }
0x36: {  	p1 =	seq.s32 s10, $0x1;
	s10 =	sld [smem:$0x3FB2];
	_ =	sdelay $0x3  }
0x37: {  	[smem:$0x3FB2] =	sst s10  }
0x38: {  	s10 =	sld [smem:$0x3FB3]  }
0x39: {  	_ = 	snop;
	(pc) =	sbr.ind lr, $3  }
0x3a: {  	_ = 	snop  }
0x3b: {  	_ = 	snop  }
0x3c: {  	p2 =	seq.s32 s10, $0x1;
	s10 =	sld [smem:$0x3FB2]  }
0x3d: {  	_ =	shalt  }
0x3e: {  	_ =	shalt  }
0x3f: {  	_ =	shalt  }
0x40: {  	_ =	shalt  }
0x41: {  	_ =	shalt  }
0x42: {  	_ =	shalt  }
0x43: {  	_ =	shalt  }
0x44: {  	_ =	shalt  }
0x45: {  	_ =	shalt  }
0x46: {  	_ =	shalt  }
0x47: {  	_ =	shalt  }
0x48: {  	_ =	shalt  }
0x49: {  	_ =	shalt  }
0x4a: {  	_ =	shalt  }
0x4b: {  	_ =	shalt  }
0x4c: {  	_ =	shalt  }
0x4d: {  	_ =	shalt  }
0x4e: {  	_ =	shalt  }
0x4f: {  	_ =	shalt  }
0x50: {  	_ =	shalt  }
0x51: {  	_ =	shalt  }
0x52: {  	_ =	shalt  }
0x53: {  	_ =	shalt  }
0x54: {  	_ =	shalt  }
0x55: {  	_ =	shalt  }
0x56: {  	_ =	shalt  }
0x57: {  	_ =	shalt  }
0x58: {  	_ =	shalt  }
0x59: {  	_ =	shalt  }
0x5a: {  	_ =	shalt  }
0x5b: {  	_ =	shalt  }
0x5c: {  	_ =	shalt  }
0x5d: {  	_ =	shalt  }
0x5e: {  	_ =	shalt  }
0x5f: {  	_ =	shalt  }
0x60: {  	_ =	shalt  }
0x61: {  	_ =	shalt  }
0x62: {  	_ =	shalt  }
0x63: {  	_ =	shalt  }
0x64: {  	_ =	shalt  }
0x65: {  	_ =	shalt  }
0x66: {  	_ =	shalt  }
0x67: {  	_ =	shalt  }
0x68: {  	_ =	shalt  }
0x69: {  	_ =	shalt  }
0x6a: {  	_ =	shalt  }
0x6b: {  	_ =	shalt  }
0x6c: {  	_ =	shalt  }
0x6d: {  	_ =	shalt  }
0x6e: {  	_ =	shalt  }
0x6f: {  	_ =	shalt  }
0x70: {  	_ =	shalt  }
0x71: {  	_ =	shalt  }
0x72: {  	_ =	shalt  }
0x73: {  	_ =	shalt  }
0x74: {  	_ =	shalt  }
0x75: {  	_ =	shalt  }
0x76: {  	_ =	shalt  }
0x77: {  	_ =	shalt  }
0x78: {  	_ =	shalt  }
0x79: {  	_ =	shalt  }
0x7a: {  	_ =	shalt  }
0x7b: {  	_ =	shalt  }
0x7c: {  	_ =	shalt  }
0x7d: {  	_ =	shalt  }
0x7e: {  	_ =	shalt  }
0x7f: {  	_ =	shalt  }
0x80: {  	_ =	shalt  }
0x81: {  	_ =	shalt  }
0x82: {  	_ =	shalt  }
0x83: {  	_ =	shalt  }
0x84: {  	_ =	shalt  }
0x85: {  	_ =	shalt  }
0x86: {  	_ =	shalt  }
0x87: {  	_ =	shalt  }
.Lfunc_end0:
.L_simem_size_0:
called_computation_lowered:
.L_overlay_start_0:
0x88: {  	s2 =	sld [smem:$0x3FD9]  }
0x89: {  	s3 =	sld [smem:$0x3FFE];
	_ =	sdelay $0x1  }
0x8a: {  	s1 =	srdreg.scid  }
0x8b: {  	s0 =	sand.u32 $0x1, s1  }
0x8c: {  	s17 =	sshll.u32 s0, $0xA;
	s2 =	sadd.s32 s3, s2  }
0x8d: {  	s2 =	sadd.s32 s2, s17  }
0x8e: {  	[smem:$0x3FBE] =	sst s2  }
0x8f: {  	_ = 	snop  }
0x90: {  	(tm) =	ssettm $0x1  }
0x91: {  	s18 =	sld [smem:$0x3FFB];
	_ =	sdelay $0x3  }
0x92: {  	_ =	strace s18  }
0x93: {  	s2 =	sld [smem:$0x3FFC];
	_ =	sdelay $0x3  }
0x94: {  	_ =	strace s2  }
0x95: {  	s2 =	sld [smem:$0x3FFD];
	_ =	sdelay $0x3  }
0x96: {  	_ =	strace s2  }
0x97: {  	_ =	strace $0x8FFFFFFF  }
0x98: {  	s19 =	sld [smem:$0x3FDB];
	_ =	sdelay $0x1  }
0x99: {  	s20 =	simm.s32 $_scs_section_size  }
0x9a: {  	s4 =	simm.s32 $_size__tile_overlayer_lowered;
	s5 =	simm.s32 $_tile_overlayer_lowered  }
0x9b: {  	s6 =	simm.s32 $0x1BFF;
	s21 =	sshll.u32 s5, $0x1;
	s3 =	sadd.s32 s20, s19  }
0x9c: {  	s22 =	simm.s32 $0x0;
	s4 =	sshll.u32 s4, $0x1;
	s5 =	sadd.s32 s21, s3  }
0x9d: {  	[timem:s22], [sflag:s6] =	dma.local [hbm:s5], s4  }
0x9e: {  	_ =	swait.ge [sflag:s6], s4  }
0x9f: {  	s4 =	ssub.s32 $0x0, s4;
	[sflag:s6] =	ssyncset.done $0x0  }
0xa0: {  	[sflag:s6] =	ssyncadd.s32 s4;
	_ =	sdelay $0x1  }
0xa1: {  	s23 =	simm.s32 $0x1B8B  }
0xa2: {  	_ =	swait.ge [sflag:s23], $0x1  }
0xa3: {  	[sflag:s23] =	ssyncset.done $0x0  }
0xa4: {  	[sflag:s23] =	ssyncadd.s32 $0xFFFFFFFF  }
0xa5: {  	s4 =	sld [smem:$0x0]  }
0xa6: {  	s5 =	sand.u32 $0xFFFFFFFE, s1  }
0xa7: {  	p0 =	sne.s32 s1, s5  }
0xa8: {  	s5 =	sshll.u32 @p0 s5, $0xE  }
0xa9: {  	s5 =	sadd.s32 @p0 $0x11B8D, s5;
	s6 =	sshll.u32 @p0 s4, $0x11  }
0xaa: {  	s5 =	sor.u32 @p0 s6, s5  }
0xab: {  	[sflag:s5] =	ssyncadd.remote.s32 @p0 $0x1;
	_ =	sdelay $0x1  }
0xac: {  	s5 =	simm.s32 @p0 $0x1B8D  }
0xad: {  	_ =	swait.eq @p0 [sflag:s5], $0x1  }
0xae: {  	[sflag:s5] =	ssyncadd.s32 @p0 $0xFFFFFFFF  }
0xaf: {  	s6 =	sshll.u32 @!p0 s1, $0xE  }
0xb0: {  	s6 =	sor.u32 @!p0 $0x4000, s6;
	s5 =	simm.s32 @!p0 $0x1B8D  }
0xb1: {  	s4 =	sshll.u32 @!p0 s4, $0x11;
	s6 =	sadd.s32 @!p0 $0x11B8D, s6;
	_ =	swait.eq @!p0 [sflag:s5], $0x1  }
0xb2: {  	s4 =	sor.u32 @!p0 s4, s6;
	[sflag:s5] =	ssyncadd.s32 @!p0 $0xFFFFFFFF  }
0xb3: {  	s25 =	simm.s32 $0x1B8E;
	s24 =	sld [smem:$0x3FFE];
	[sflag:s4] =	ssyncadd.remote.s32 @!p0 $0x1  }
0xb4: {  	s26 =	simm.s32 $execute0_lowered;
	[smem:$0x3FD2] =	sst s25  }
0xb5: {  	s5 =	sshll.u32 s26, $0x1;
	_ =	strace $0x80000049;
	[dreg:$0x1] =	wrdreg $0xFFFFFFFF  }
0xb6: {  	s28 =	simm.s32 $_size_execute0_lowered;
	s3 =	sadd.s32 s3, s5;
	[dreg:$0x0] =	wrdreg $0x0  }
0xb7: {  	s5 =	sshll.u32 s28, $0x1;
	[dreg:$0x2] =	wrdreg s3  }
0xb8: {  	[dreg:$0x3] =	wrdreg s5  }
0xb9: {  	[dreg:$0x4] =	wrdreg $0xC0  }
0xba: {  	_ =	task [dreg:s22], $0x5FFFF  }
0xbb: {  	[dreg:$0x1] =	wrdreg $0xFFFFFFFF  }
0xbc: {  	[dreg:$0x0] =	wrdreg $0x60  }
0xbd: {  	[dreg:$0x2] =	wrdreg s24  }
0xbe: {  	[dreg:$0x3] =	wrdreg $0x9  }
0xbf: {  	_ =	task.clear_ibuf [dreg:s22], $0x4FFFF;
	_ =	strace $0x90000049  }
0xc0: {  	s29 =	simm.s32 $0x9;
	_ =	strace $0x8000004B  }
0xc1: {  	_ =	swait.ge [sflag:s29], $0x1  }
0xc2: {  	[sflag:s29] =	ssyncadd.s32 $0xFFFFFFFF  }
0xc3: {  	_ =	strace $0x9000004B  }
0xc4: {  	_ =	sfence  }
0xc5: {  	s30 =	sld [smem:$0x0];
	_ =	sdelay $0x2  }
0xc6: {  	s31 =	sshll.u32 s1, $0xD;
	s1 =	sshrl.u32 s1, $0x2  }
0xc7: {  	s4 =	sand.u32 $0x4000, s31;
	s1 =	sadd.s32 s1, s30  }
0xc8: {  	s0 =	sor.u32 s4, s0;
	s1 =	sshll.u32 s1, $0x11  }
0xc9: {  	s0 =	sor.u32 s1, s0  }
0xca: {  	s0 =	sadd.s32 $0x8F2B, s0  }
0xcb: {  	[sflag:s0] =	ssyncadd.remote.s32 $0x1  }
0xcc: {  	_ =	sfence.sel $0xFFFF  }
0xcd: {  	[dreg:$0x0] =	wrdreg $0xFFFFFFFF;
	(pc) =	sbr.abs _section_cstart, $3  }
0xce: {  	[dreg:$0x1] =	wrdreg $0xFFFFFFFF  }
0xcf: {  	_ =	task.clear_ibuf [dreg:s22], $0x2FFFF;
	_ =	strace $0x9FFFFFFF  }
0xd0: {  	(tm) =	ssettm $0x7FFFFFFF  }
0xd1: {  	_ =	shalt  }
tec
execute0_lowered:
.L_overlay_start_1:
0x0: {  	(tag) =	ssettag $0x1  }
0x1: {  	s0 =	srdreg.scid  }
0x2: {  	s10 =	rddreg [dreg:$0x0];
	s18 =	sand.u32 $0x1, s0  }
0x3: {  	s1 =	stileid.u32;
	s2 =	simm.s32 $0x0;
	s3 =	sshll.u32 s18, $0x6  }
0x4: {  	s0 =	rddreg [dreg:$0x1];
	s4 =	sshll.u32 s1, $0x7;
	s3 =	sadd.s32 s3, s10  }
0x5: {  	[smem:$0x7FF] =	sst s2;
	s3 =	sadd.s32 s4, s3  }
0x6: {  	_ =	strace $0x8000004A;
	s4 =	simm.s32 $0x5;
	s3 =	sadd.s32 $0xFC3200, s3  }
0x7: {  	[tilespmem:s2], [sflag:$0x5] =	stream.linear.gather [hbm4b:s3+s2], $0x200, $0x38;
	[tilespmem:$0x8200] =	vst v63  }
0x8: {  	_ =	swait.ge [sflag:s4], $0x200  }
0x9: {  	s6 =	simm.s32 $0x80;
	s7 =	simm.s32 $0x200;
	[sflag:s4] =	ssyncset.done $0x0  }
0xa: {  	s8 =	simm.s32 $0x4200;
	s5 =	sadd.s32 $0x803200, s10;
	[sflag:s4] =	ssyncadd.s32 $0xFFFFFE00  }
0xb: {  	[tilespmem:s7], [sflag:$0x1] =	stream.indirect.gather [hbm4b:s5+s6], $0x80, s2, s6, $0xb8;
	[tilespmem:$0x8200] =	vst v63  }
0xc: {  	s9 =	simm.s32 $0x1;
	s11 =	sshll.u32 s1, $0xE;
	s12 =	sshll.u32 s18, $0xD  }
0xd: {  	[tilespmem:s8], [sflag:$0x2] =	stream.indirect.gather [hbm4b:s5+s6], $0x80, s6, s6, $0xb8;
	[tilespmem:$0x8200] =	vst v63  }
0xe: {  	s11 =	sor.u32 s12, s11;
	_ =	swait.ge [sflag:s9], $0x4000  }
0xf: {  	s19 =	sadd.s32 s11, s10;
	[sflag:s9] =	ssyncset.done $0x0  }
0x10: {  	s11 =	simm.s32 $0x3;
	s10 =	sadd.s32 $0xFC3A00, s19;
	[sflag:s9] =	ssyncadd.s32 $0xFFFFC000  }
0x11: {  	[hbm4b:s10+s2] =	stream.linear.scatter [tilespmem:s7], [sflag:$0x3], $0x4000, $0x38;
	[tilespmem:$0x8200] =	vst v63  }
0x12: {  	_ =	swait.ge [sflag:s11], $0x4000  }
0x13: {  	[sflag:s11] =	ssyncset.done $0x0  }
0x14: {  	s13 =	simm.s32 $0x2;
	s12 =	simm.s32 $0x100;
	[sflag:s11] =	ssyncadd.s32 $0xFFFFC000  }
0x15: {  	[tilespmem:s7], [sflag:$0x1] =	stream.indirect.gather [hbm4b:s5+s6], $0x80, s12, s6, $0xb8;
	[tilespmem:$0x8200] =	vst v63  }
0x16: {  	_ =	swait.ge [sflag:s13], $0x4000  }
0x17: {  	[sflag:s13] =	ssyncset.done $0x0  }
0x18: {  	s14 =	simm.s32 $0x4;
	s15 =	sadd.s32 $0xFC4200, s19;
	[sflag:s13] =	ssyncadd.s32 $0xFFFFC000  }
0x19: {  	[hbm4b:s15+s2] =	stream.linear.scatter [tilespmem:s8], [sflag:$0x4], $0x4000, $0x38;
	[tilespmem:$0x8200] =	vst v63  }
0x1a: {  	_ =	swait.ge [sflag:s14], $0x4000  }
0x1b: {  	[sflag:s14] =	ssyncset.done $0x0  }
0x1c: {  	s16 =	simm.s32 $0x180;
	[sflag:s14] =	ssyncadd.s32 $0xFFFFC000  }
0x1d: {  	[tilespmem:s8], [sflag:$0x2] =	stream.indirect.gather [hbm4b:s5+s6], $0x80, s16, s6, $0xb8;
	[tilespmem:$0x8200] =	vst v63  }
0x1e: {  	_ =	swait.ge [sflag:s9], $0x4000  }
0x1f: {  	s20 =	ssub.s32 $0x2, s18;
	[sflag:s9] =	ssyncset.done $0x0  }
0x20: {  	s31 =	sshrl.u32 s20, $0x1;
	s17 =	sadd.s32 $0xFC4A00, s19;
	[sflag:s9] =	ssyncadd.s32 $0xFFFFC000  }
0x21: {  	[hbm4b:s17+s2] =	stream.linear.scatter [tilespmem:s7], [sflag:$0x3], $0x4000, $0x38;
	[tilespmem:$0x8200] =	vst v63  }
0x22: {  	s18 =	sadd.s32 $0xFC5200, s19;
	s19 =	ssub.s32 s20, s31;
	_ =	swait.ge [sflag:s13], $0x4000  }
0x23: {  	s19 =	smax.u32 s19, $0x1;
	[sflag:s13] =	ssyncset.done $0x0  }
0x24: {  	p0 =	sne.s32 s19, $0x1;
	[sflag:s13] =	ssyncadd.s32 $0xFFFFC000  }
0x25: {  	[hbm4b:s18+s2] =	stream.linear.scatter [tilespmem:s8], [sflag:$0x4], $0x4000, $0x38;
	[tilespmem:$0x8200] =	vst v63  }
.Ltmp0:
0x26: {  	_ =	swait.ge [sflag:s11], $0x4000;
	(pc) =	sbr.rel @!p0 .LBB2_2-.Ltmp0, $4  }
0x27: {  	[sflag:s11] =	ssyncset.done $0x0  }
0x28: {  	[sflag:s11] =	ssyncadd.s32 $0xFFFFC000  }
0x29: {  	_ =	swait.ge [sflag:s14], $0x4000  }
0x2a: {  	s19 =	sadd.s32 $0xFFFFFFFF, s19;
	[sflag:s14] =	ssyncset.done $0x0  }
.LBB2_1:
0x2b: {  	p0 =	sne.s32 s19, $0x1;
	s19 =	sadd.s32 $0xFFFFFFFF, s19;
	[sflag:s14] =	ssyncadd.s32 $0xFFFFC000  }
0x2c: {  	[tilespmem:s2], [sflag:$0x5] =	stream.linear.gather [hbm4b:s3+s2], $0x200, $0x38;
	[tilespmem:$0x8200] =	vst v63  }
0x2d: {  	_ =	swait.ge [sflag:s4], $0x200  }
0x2e: {  	[sflag:s4] =	ssyncset.done $0x0  }
0x2f: {  	[sflag:s4] =	ssyncadd.s32 $0xFFFFFE00  }
0x30: {  	[tilespmem:s7], [sflag:$0x1] =	stream.indirect.gather [hbm4b:s5+s6], $0x80, s2, s6, $0xb8;
	[tilespmem:$0x8200] =	vst v63  }
0x31: {  	_ = 	snop  }
0x32: {  	[tilespmem:s8], [sflag:$0x2] =	stream.indirect.gather [hbm4b:s5+s6], $0x80, s6, s6, $0xb8;
	[tilespmem:$0x8200] =	vst v63  }
0x33: {  	_ =	swait.ge [sflag:s9], $0x4000  }
0x34: {  	[sflag:s9] =	ssyncset.done $0x0  }
0x35: {  	[sflag:s9] =	ssyncadd.s32 $0xFFFFC000  }
0x36: {  	[hbm4b:s10+s2] =	stream.linear.scatter [tilespmem:s7], [sflag:$0x3], $0x4000, $0x38;
	[tilespmem:$0x8200] =	vst v63  }
0x37: {  	_ =	swait.ge [sflag:s11], $0x4000  }
0x38: {  	[sflag:s11] =	ssyncset.done $0x0  }
0x39: {  	[sflag:s11] =	ssyncadd.s32 $0xFFFFC000  }
0x3a: {  	[tilespmem:s7], [sflag:$0x1] =	stream.indirect.gather [hbm4b:s5+s6], $0x80, s12, s6, $0xb8;
	[tilespmem:$0x8200] =	vst v63  }
0x3b: {  	_ =	swait.ge [sflag:s13], $0x4000  }
0x3c: {  	[sflag:s13] =	ssyncset.done $0x0  }
0x3d: {  	[sflag:s13] =	ssyncadd.s32 $0xFFFFC000  }
0x3e: {  	[hbm4b:s15+s2] =	stream.linear.scatter [tilespmem:s8], [sflag:$0x4], $0x4000, $0x38;
	[tilespmem:$0x8200] =	vst v63  }
0x3f: {  	_ =	swait.ge [sflag:s14], $0x4000  }
0x40: {  	[sflag:s14] =	ssyncset.done $0x0  }
0x41: {  	[sflag:s14] =	ssyncadd.s32 $0xFFFFC000  }
0x42: {  	[tilespmem:s8], [sflag:$0x2] =	stream.indirect.gather [hbm4b:s5+s6], $0x80, s16, s6, $0xb8;
	[tilespmem:$0x8200] =	vst v63  }
0x43: {  	_ =	swait.ge [sflag:s9], $0x4000  }
0x44: {  	[sflag:s9] =	ssyncset.done $0x0  }
0x45: {  	[sflag:s9] =	ssyncadd.s32 $0xFFFFC000  }
0x46: {  	[hbm4b:s17+s2] =	stream.linear.scatter [tilespmem:s7], [sflag:$0x3], $0x4000, $0x38;
	[tilespmem:$0x8200] =	vst v63  }
0x47: {  	_ =	swait.ge [sflag:s13], $0x4000  }
0x48: {  	[sflag:s13] =	ssyncset.done $0x0  }
0x49: {  	[sflag:s13] =	ssyncadd.s32 $0xFFFFC000  }
0x4a: {  	[hbm4b:s18+s2] =	stream.linear.scatter [tilespmem:s8], [sflag:$0x4], $0x4000, $0x38;
	[tilespmem:$0x8200] =	vst v63  }
.Ltmp1:
0x4b: {  	_ =	swait.ge [sflag:s11], $0x4000;
	(pc) =	sbr.rel @p0 .LBB2_1-.Ltmp1, $4  }
0x4c: {  	[sflag:s11] =	ssyncset.done $0x0  }
0x4d: {  	[sflag:s11] =	ssyncadd.s32 $0xFFFFC000  }
0x4e: {  	_ =	swait.ge [sflag:s14], $0x4000  }
0x4f: {  	[sflag:s14] =	ssyncset.done $0x0  }
.LBB2_2:
0x50: {  	[sflag:s14] =	ssyncadd.s32 $0xFFFFC000  }
0x51: {  	_ =	sfence.sel $0x180000  }
0x52: {  	[bflag:$0x0] =	sbarrier.arrive $0xFFFF  }
0x53: {  	p0 =	sne.s32 s1, $0x0;
	_ =	strace $0x9000004A  }
0x54: {  	s0 =	sadd.s32 @!p0 $0x100000, s0;
	[bflag:$0x2] =	sbarrier.arrive $0xFFFF  }
0x55: {  	[sflag:s0] =	ssyncadd.tile.s32 @!p0 $0x1;
	_ =	shalt  }
.Lfunc_end2:
_tile_overlayer_lowered:
.L_overlay_start_2:
0x56: {  	(tag) =	ssettag $0x2  }
0x57: {  	s0 =	rddreg [dreg:$0x0];
	s2 =	stileid.u32  }
0x58: {  	s1 =	rddreg [dreg:$0x1];
	p0 =	sne.s32 s2, $0x0  }
0x59: {  	s3 =	rddreg [dreg:$0x2];
	[bflag:$0x3] =	sbarrier.arrive $0xFFFF;
	s2 =	simm.s32 @!p0 $0x1C05  }
0x5a: {  	[timem:s3], [sflag:s2] =	dma.local @!p0 [hbm:s0], s1  }
0x5b: {  	s0 =	simm.s32 @!p0 $0x5  }
0x5c: {  	_ =	swait.ge @!p0 [sflag:s0], s1  }
0x5d: {  	s1 =	ssub.s32 @!p0 $0x0, s1;
	[sflag:s0] =	ssyncset.done @!p0 $0x0  }
0x5e: {  	[sflag:s0] =	ssyncadd.s32 @!p0 s1  }
0x5f: {  	[bflag:$0x3] =	sbarrier.arrive $0xFFFF  }
0x60: {  	_ =	shalt  }

</sc_bundles>
